<compile_context>
chip_gen: v7x
topology: tpu7x:2x2x1
jax: 0.10.2.dev20260603
libtpu: 0.0.44.dev20260713+nightly
codegen_flags: <defaults>
</compile_context>

<pallas_src>
import functools

import jax
import jax.numpy as jnp
from jax import lax
from jax.experimental import pallas as pl
from jax.experimental.pallas import tpu as pltpu
from jax.experimental.pallas import tpu_sc as plsc

L = 16
NC, NS = 2, 16
NW = NC * NS
R = 1_000_000
D = 64
B = 16384
CW = 512
CPW = 61
PPW = CPW * CW
TAIL = R - 1953 * CW
MAXP = R - 31 * PPW
NCHUNK = B // L

_mesh = plsc.VectorSubcoreMesh(core_axis_name="c", subcore_axis_name="s")


@functools.partial(
    pl.kernel,
    out_type=jax.ShapeDtypeStruct((D, R), jnp.float32),
    mesh=_mesh,
    compiler_params=pltpu.CompilerParams(
        needs_layout_passes=False, use_tc_tiling_on_sc=True),
    scratch_types=[
        pltpu.VMEM((B,), jnp.int32),
        pltpu.VMEM((MAXP,), jnp.int32),
        pltpu.VMEM((L,), jnp.int32),
        pltpu.VMEM((CW + L,), jnp.int32),
        pltpu.VMEM((CW + L,), jnp.int32),
        pltpu.VMEM((CW + L,), jnp.int32),
        pltpu.VMEM((CW + L,), jnp.int32),
        pltpu.VMEM((D, CW), jnp.float32),
        pltpu.VMEM((D, CW), jnp.float32),
        pltpu.VMEM((L, 128), jnp.float32),
        pltpu.VMEM((L, 128), jnp.float32),
        pltpu.VMEM((D, TAIL), jnp.float32),
        pltpu.SemaphoreType.DMA,
        pltpu.SemaphoreType.DMA,
        pltpu.SemaphoreType.DMA,
        pltpu.SemaphoreType.DMA,
    ],
)
def _sc_index_put_fused(xt_hbm, idx_hbm, vals_pad_hbm, out_ref, idx_v, marker,
                        nh_v, hcol0, hpos0, hcol1, hpos1, blk0, blk1, gbuf0,
                        gbuf1, tblk, lsem, ssem, gsem0, gsem1):
    wid = lax.axis_index("s") * NC + lax.axis_index("c")
    base = wid * PPW
    npos = jnp.where(wid == NW - 1, MAXP, PPW)
    lane = lax.iota(jnp.int32, L)

    def start_load(c, blk):
        pltpu.async_copy(xt_hbm.at[:, pl.ds(base + c * CW, CW)], blk, lsem)

    def wait_load(blk):
        pltpu.make_async_copy(xt_hbm.at[:, pl.ds(0, CW)], blk, lsem).wait()

    start_load(0, blk0)

    pltpu.sync_copy(idx_hbm, idx_v)

    def clear(i, carry):
        marker[pl.ds(i * L, L)] = jnp.full((L,), -1, jnp.int32)
        return carry

    lax.fori_loop(0, (MAXP + L - 1) // L, clear, 0)

    def p1(c, carry):
        i16 = idx_v[pl.ds(c * L, L)]
        local = i16 - base
        member = (i16 >= base) & (local < npos)
        plsc.store_scatter(marker, [local], c * L + lane, mask=member)
        return carry

    lax.fori_loop(0, NCHUNK, p1, 0)


    def padded_rows(hpos, gbase, nhits):
        m16 = hpos[pl.ds(gbase, L)]
        valid = lane < (nhits - gbase)
        return jnp.where(valid, m16, jnp.broadcast_to(m16[0], (L,)))

    def scan_hits(moff, width, hcol, hpos):
        def scan(k, nh):
            m16 = marker[pl.ds(moff + k * L, L)]
            hit = m16 >= 0
            plsc.store_compressed(hcol.at[pl.ds(nh, L)], k * L + lane,
                                  mask=hit)
            plsc.store_compressed(hpos.at[pl.ds(nh, L)], m16, mask=hit)
            return nh + jnp.sum(hit.astype(jnp.int32))

        return lax.fori_loop(0, width // L, scan, jnp.int32(0))

    def fire_gather0(nhits, hpos, gbuf, gsem):
        @pl.when(nhits > 0)
        def _():
            pltpu.async_copy(
                vals_pad_hbm.at[padded_rows(hpos, 0, nhits)], gbuf, gsem)

    def prep(c, hcol, hpos, gbuf, gsem):
        nhits = scan_hits(c * CW, CW, hcol, hpos)
        fire_gather0(nhits, hpos, gbuf, gsem)
        nh_v[pl.ds(0, L)] = jnp.broadcast_to(nhits, (L,)).astype(jnp.int32)

    def apply_hits(blk, nhits, hcol, hpos, gbuf, gsem):
        def group(g, carry):
            gbase = g * L

            @pl.when(g == 0)
            def _():
                pltpu.make_async_copy(
                    vals_pad_hbm.at[lane], gbuf, gsem).wait()

            @pl.when(g >= 1)
            def _():
                pltpu.async_copy(
                    vals_pad_hbm.at[padded_rows(hpos, gbase, nhits)], gbuf,
                    gsem).wait()

            def one(l, carry2):
                col = hcol[pl.ds(gbase + l, L)][0]
                cvec = jnp.broadcast_to(col, (L,)).astype(jnp.int32)
                lvec = jnp.broadcast_to(l, (L,)).astype(jnp.int32)
                for k in range(D // L):
                    v = plsc.load_gather(gbuf, [lvec, k * L + lane])
                    plsc.store_scatter(blk, [k * L + lane, cvec], v)
                return carry2

            lax.fori_loop(0, jnp.minimum(nhits - gbase, L), one, 0)
            return carry

        lax.fori_loop(0, (nhits + L - 1) // L, group, 0)

    def patch_sync(blk, moff, width):
        nhits = scan_hits(moff, width, hcol0, hpos0)
        fire_gather0(nhits, hpos0, gbuf0, gsem0)
        apply_hits(blk, nhits, hcol0, hpos0, gbuf0, gsem0)


    prep(0, hcol0, hpos0, gbuf0, gsem0)

    def step(c, carry):
        off = base + c * CW
        nhits_c = nh_v[pl.ds(0, L)][0]

        @pl.when(c >= 1)
        def _():
            pltpu.make_async_copy(blk0, out_ref.at[:, pl.ds(0, CW)],
                                  ssem).wait()

        @pl.when(c % 2 == 0)
        def _():
            @pl.when(c + 1 < CPW)
            def _():
                prep(c + 1, hcol1, hpos1, gbuf1, gsem1)

            wait_load(blk0)

            @pl.when(c + 1 < CPW)
            def _():
                start_load(c + 1, blk1)

            apply_hits(blk0, nhits_c, hcol0, hpos0, gbuf0, gsem0)
            pltpu.async_copy(blk0, out_ref.at[:, pl.ds(off, CW)], ssem)

        @pl.when(c % 2 == 1)
        def _():
            @pl.when(c + 1 < CPW)
            def _():
                prep(c + 1, hcol0, hpos0, gbuf0, gsem0)

            wait_load(blk1)

            @pl.when(c + 1 < CPW)
            def _():
                start_load(c + 1, blk0)

            apply_hits(blk1, nhits_c, hcol1, hpos1, gbuf1, gsem1)
            pltpu.async_copy(blk1, out_ref.at[:, pl.ds(off, CW)], ssem)

        return carry

    lax.fori_loop(0, CPW, step, 0)
    pltpu.make_async_copy(blk0, out_ref.at[:, pl.ds(0, CW)], ssem).wait()

    @pl.when(wid == NW - 1)
    def _():
        off = 1952 * CW
        pltpu.sync_copy(xt_hbm.at[:, pl.ds(off, CW)], blk0)
        patch_sync(blk0, off - base, CW)
        pltpu.sync_copy(blk0, out_ref.at[:, pl.ds(off, CW)])

        toff = 1953 * CW
        pltpu.sync_copy(xt_hbm.at[:, pl.ds(toff, TAIL)], tblk)
        patch_sync(tblk, toff - base, TAIL)
        pltpu.sync_copy(tblk, out_ref.at[:, pl.ds(toff, TAIL)])


def kernel(x, idx, vals):
    vals_pad = jnp.pad(vals, ((0, 0), (0, 128 - D)))
    out_t = _sc_index_put_fused(x.T, idx.astype(jnp.int32), vals_pad)
    return out_t.T

# --- scband reference (transcript-rebuilt; emitter-appended) ---
"""Pipeline reference for scband-index-put-inplace-50543175139909 (READ-ONLY COPY).

The authoritative reference and input builder live on the scoring server;
editing this copy changes nothing except your own understanding.
"""

import jax, jax.numpy as jnp
import numpy as np


def setup_inputs(seed: int = 0) -> dict:
    key = jax.random.key(seed)
    k1, k2, k3 = jax.random.split(key, 3)
    x = jax.random.normal(k1, (1000000, 64), dtype=jnp.float32)
    idx = jax.random.randint(k2, (16384,), 0, 1000000, dtype=jnp.int64)
    vals = jax.random.normal(k3, (16384, 64), dtype=jnp.float32)
    return {"x": x, "idx": idx, "vals": vals}


def reference(x, idx, vals):
    # torch: x.index_put_([idx], vals) with accumulate=False -> scatter-overwrite
    out = x.at[idx].set(vals)
    return out

if __name__ == "__main__":
    import jax
    _d = setup_inputs()
    print(jax.jit(kernel)(*tuple(_d.values())))

</pallas_src>

<mosaic_0001>
#map = affine_map<(d0, d1) -> (0, 0)>
#map1 = affine_map<(d0, d1) -> (0)>
module attributes {stable_mosaic.version = 14 : i64} {
  func.func @_sc_index_put_fused(%arg0: i32, %arg1: i32, %arg2: memref<64x1000000xf32, #tpu.memory_space<hbm>>, %arg3: memref<16384xi32, #tpu.memory_space<hbm>>, %arg4: memref<16384x128xf32, #tpu.memory_space<hbm>>, %arg5: memref<64x1000000xf32, #tpu.memory_space<hbm>>, %arg6: memref<16384xi32, #tpu.memory_space<vmem>>, %arg7: memref<31808xi32, #tpu.memory_space<vmem>>, %arg8: memref<16xi32, #tpu.memory_space<vmem>>, %arg9: memref<528xi32, #tpu.memory_space<vmem>>, %arg10: memref<528xi32, #tpu.memory_space<vmem>>, %arg11: memref<528xi32, #tpu.memory_space<vmem>>, %arg12: memref<528xi32, #tpu.memory_space<vmem>>, %arg13: memref<64x512xf32, #tpu.memory_space<vmem>>, %arg14: memref<64x512xf32, #tpu.memory_space<vmem>>, %arg15: memref<16x128xf32, #tpu.memory_space<vmem>>, %arg16: memref<16x128xf32, #tpu.memory_space<vmem>>, %arg17: memref<64x64xf32, #tpu.memory_space<vmem>>, %arg18: memref<!tpu.dma_semaphore, #tpu.memory_space<semaphore_mem>>, %arg19: memref<!tpu.dma_semaphore, #tpu.memory_space<semaphore_mem>>, %arg20: memref<!tpu.dma_semaphore, #tpu.memory_space<semaphore_mem>>, %arg21: memref<!tpu.dma_semaphore, #tpu.memory_space<semaphore_mem>>) attributes {dimension_semantics = [#tpu.dimension_semantics<core_parallel>, #tpu.dimension_semantics<subcore_parallel>], iteration_bounds = array<i64: 2, 16>, scalar_prefetch = 0 : i64, scratch_operands = 16 : i64, tpu.core_type = #tpu.core_type<sc_vector_subcore>, window_params = [{transform_indices = #map}, {transform_indices = #map1}, {transform_indices = #map}, {transform_indices = #map}]} {
    %mul3A = arith.constant 2 : i32
    %mul3A_0 = arith.muli %arg1, %mul3A : i32
    %add3A = arith.addi %mul3A_0, %arg0 : i32
    %mul3A_1 = arith.constant 31232 : i32
    %mul3A_2 = arith.muli %add3A, %mul3A_1 : i32
    %eq3A = arith.constant 31 : i32
    %eq3A_3 = arith.cmpi eq, %add3A, %eq3A : i32
    %jit3A = arith.constant 31808 : i32
    %jit3A_4 = arith.constant 31232 : i32
    %select_n3A = arith.select %eq3A_3, %jit3A, %jit3A_4 : i32
    %iota3A = tpu.iota {dimensions = array<i32: 0>} : vector<16xi32>
    %add3A_5 = arith.constant 0 : i32
    %add3A_6 = arith.addi %mul3A_2, %add3A_5 : i32
    %dma_start3A = arith.constant 0 : i32
    %dma_start3A_7 = tpu.memref_slice %arg2[%dma_start3A, %add3A_6] : memref<64x1000000xf32, #tpu.memory_space<hbm>> -> memref<64x512xf32, #tpu.memory_space<hbm>>
    %dma_start3A_8 = arith.constant 0 : i32
    %dma_start3A_9 = tpu.memref_slice %arg2[%dma_start3A_8, %add3A_6] : memref<64x1000000xf32, #tpu.memory_space<hbm>> -> memref<64x512xf32, #tpu.memory_space<hbm>>
    tpu.enqueue_dma source(%dma_start3A_9 : memref<64x512xf32, #tpu.memory_space<hbm>>) target(%arg13 : memref<64x512xf32, #tpu.memory_space<vmem>>) target_semaphore(%arg18 : memref<!tpu.dma_semaphore, #tpu.memory_space<semaphore_mem>>)
    "tpu.region"() ({
      %run_scoped3A = tpu.sem_alloc : memref<!tpu.dma_semaphore, #tpu.memory_space<semaphore_mem>>
      tpu.enqueue_dma source(%arg3 : memref<16384xi32, #tpu.memory_space<hbm>>) target(%arg6 : memref<16384xi32, #tpu.memory_space<vmem>>) target_semaphore(%run_scoped3A : memref<!tpu.dma_semaphore, #tpu.memory_space<semaphore_mem>>)
      tpu.wait_dma2 semaphore(%run_scoped3A : memref<!tpu.dma_semaphore, #tpu.memory_space<semaphore_mem>>) src(%arg3 : memref<16384xi32, #tpu.memory_space<hbm>>) dst(%arg6 : memref<16384xi32, #tpu.memory_space<vmem>>)
      tpu.yield
    }) : () -> ()
    %scan3A = arith.constant 0 : i32
    %scan3A_10 = arith.constant 0 : i32
    %scan3A_11 = arith.constant 1988 : i32
    %scan3A_12 = arith.addi %scan3A_10, %scan3A_11 : i32
    %scan3A_13 = arith.constant 1 : i32
    scf.for %scan3A_47 = %scan3A_10 to %scan3A_12 step %scan3A_13  : i32 {
      %broadcast_in_dim3A_48 = arith.constant -1 : i32
      %broadcast_in_dim3A_49 = vector.broadcast %broadcast_in_dim3A_48 : i32 to vector<16xi32>
      %mul3A_50 = arith.constant 16 : i32
      %mul3A_51 = arith.muli %scan3A_47, %mul3A_50 : i32
      %swap3A_52 = arith.index_cast %mul3A_51 : i32 to index
      %swap3A_53 = tpu.vector_load %arg7[%swap3A_52] {strides = array<i32>} : memref<31808xi32, #tpu.memory_space<vmem>>, vector<16xi32>,
      tpu.vector_store %arg7[%swap3A_52], %broadcast_in_dim3A_49 {strides = array<i32>} : memref<31808xi32, #tpu.memory_space<vmem>>, vector<16xi32>,
    }
    %scan3A_14 = arith.constant 1988 : i32
    %scan3A_15 = arith.constant 0 : i32
    %scan3A_16 = arith.constant 0 : i32
    %scan3A_17 = arith.constant 1024 : i32
    %scan3A_18 = arith.addi %scan3A_16, %scan3A_17 : i32
    %scan3A_19 = arith.constant 1 : i32
    scf.for %scan3A_47 = %scan3A_16 to %scan3A_18 step %scan3A_19  : i32 {
      %mul3A_48 = arith.constant 16 : i32
      %mul3A_49 = arith.muli %scan3A_47, %mul3A_48 : i32
      %get3A = arith.index_cast %mul3A_49 : i32 to index
      %get3A_50 = tpu.vector_load %arg6[%get3A] {strides = array<i32>} : memref<16384xi32, #tpu.memory_space<vmem>>, vector<16xi32>,
      %sub3A = vector.broadcast %mul3A_2 : i32 to vector<16xi32>
      %sub3A_51 = arith.subi %get3A_50, %sub3A : vector<16xi32>
      %ge3A = vector.broadcast %mul3A_2 : i32 to vector<16xi32>
      %ge3A_52 = arith.cmpi sge, %get3A_50, %ge3A : vector<16xi32>
      %lt3A = vector.broadcast %select_n3A : i32 to vector<16xi32>
      %lt3A_53 = arith.cmpi slt, %sub3A_51, %lt3A : vector<16xi32>
      %and3A = arith.andi %ge3A_52, %lt3A_53 : vector<16xi1>
      %mul3A_54 = arith.constant 16 : i32
      %mul3A_55 = arith.muli %scan3A_47, %mul3A_54 : i32
      %add3A_56 = vector.broadcast %mul3A_55 : i32 to vector<16xi32>
      %add3A_57 = arith.addi %add3A_56, %iota3A : vector<16xi32>
      tpu.vector_store_idx %arg7[%sub3A_51], %add3A_57 masked %and3A : memref<31808xi32, #tpu.memory_space<vmem>>[vector<16xi32>], vector<16xi32>, vector<16xi1>
    }
    %scan3A_20 = arith.constant 1024 : i32
    %scan3A_21 = arith.constant 0 : i32
    %scan3A_22 = arith.constant 0 : i32
    %scan3A_23 = arith.constant 32 : i32
    %scan3A_24 = arith.addi %scan3A_22, %scan3A_23 : i32
    %scan3A_25 = arith.constant 1 : i32
    %scan3A_26 = scf.for %scan3A_47 = %scan3A_22 to %scan3A_24 step %scan3A_25 iter_args(%scan3A_48 = %scan3A_21) -> (i32)  : i32 {
      %mul3A_49 = arith.constant 16 : i32
      %mul3A_50 = arith.muli %scan3A_47, %mul3A_49 : i32
      %add3A_51 = arith.constant 0 : i32
      %add3A_52 = arith.addi %add3A_51, %mul3A_50 : i32
      %get3A = arith.index_cast %add3A_52 : i32 to index
      %get3A_53 = tpu.vector_load %arg7[%get3A] {strides = array<i32>} : memref<31808xi32, #tpu.memory_space<vmem>>, vector<16xi32>,
      %ge3A = arith.constant 0 : i32
      %ge3A_54 = vector.broadcast %ge3A : i32 to vector<16xi32>
      %ge3A_55 = arith.cmpi sge, %get3A_53, %ge3A_54 : vector<16xi32>
      %mul3A_56 = arith.constant 16 : i32
      %mul3A_57 = arith.muli %scan3A_47, %mul3A_56 : i32
      %add3A_58 = vector.broadcast %mul3A_57 : i32 to vector<16xi32>
      %add3A_59 = arith.addi %add3A_58, %iota3A : vector<16xi32>
      %swap3A_60 = arith.index_cast %scan3A_48 : i32 to index
      %swap3A_61 = tpu.vector_load %arg9[%swap3A_60] masked %ge3A_55 {strides = array<i32>} : memref<528xi32, #tpu.memory_space<vmem>>, vector<16xi32>, vector<16xi1>
      tpu.vector_store %arg9[%swap3A_60], %add3A_59 masked %ge3A_55 {strides = array<i32>} : memref<528xi32, #tpu.memory_space<vmem>>, vector<16xi32>, vector<16xi1>
      %swap3A_62 = arith.index_cast %scan3A_48 : i32 to index
      %swap3A_63 = tpu.vector_load %arg10[%swap3A_62] masked %ge3A_55 {strides = array<i32>} : memref<528xi32, #tpu.memory_space<vmem>>, vector<16xi32>, vector<16xi1>
      tpu.vector_store %arg10[%swap3A_62], %get3A_53 masked %ge3A_55 {strides = array<i32>} : memref<528xi32, #tpu.memory_space<vmem>>, vector<16xi32>, vector<16xi1>
      %convert_element_type3A_64 = arith.extui %ge3A_55 : vector<16xi1> to vector<16xi32>
      %reduce_sum3A = arith.constant true
      %reduce_sum3A_65 = vector.broadcast %reduce_sum3A : i1 to vector<16xi1>
      %reduce_sum3A_66 = tpu.scan <sum>, %convert_element_type3A_64 masked %reduce_sum3A_65 : vector<16xi32>, vector<16xi1> -> vector<16xi32>
      %reduce_sum3A_67 = vector.extract %reduce_sum3A_66[15] : i32 from vector<16xi32>
      %add3A_68 = arith.addi %scan3A_48, %reduce_sum3A_67 : i32
      scf.yield %add3A_68 : i32
    }
    %scan3A_27 = arith.constant 32 : i32
    %gt3A = arith.constant 0 : i32
    %gt3A_28 = arith.cmpi sgt, %scan3A_26, %gt3A : i32
    %convert_element_type3A = arith.extui %gt3A_28 : i1 to i32
    %cond3A = arith.constant 0 : i32
    %cond3A_29 = arith.cmpi ne, %convert_element_type3A, %cond3A : i32
    scf.if %cond3A_29 {
      %get3A = arith.constant 0 : index
      %get3A_47 = tpu.vector_load %arg10[%get3A] {strides = array<i32>} : memref<528xi32, #tpu.memory_space<vmem>>, vector<16xi32>,
      %sub3A = arith.constant 0 : i32
      %sub3A_48 = arith.subi %scan3A_26, %sub3A : i32
      %lt3A = vector.broadcast %sub3A_48 : i32 to vector<16xi32>
      %lt3A_49 = arith.cmpi slt, %iota3A, %lt3A : vector<16xi32>
      %slice3A = vector.extract_strided_slice %get3A_47 {offsets = [0], sizes = [1], strides = [1]} : vector<16xi32> to vector<1xi32>
      %squeeze3A = vector.extract %slice3A[0] : i32 from vector<1xi32>
      %broadcast_in_dim3A_50 = vector.broadcast %squeeze3A : i32 to vector<16xi32>
      %select_n3A_51 = arith.select %lt3A_49, %get3A_47, %broadcast_in_dim3A_50 : vector<16xi1>, vector<16xi32>
      %dma_start3A_52 = arith.constant 0 : i32
      %dma_start3A_53 = arith.constant 0 : i32
      %dma_start3A_54 = tpu.memref_slice %arg4[%dma_start3A_52, %dma_start3A_53] : memref<16384x128xf32, #tpu.memory_space<hbm>> -> memref<16384x128xf32, #tpu.memory_space<hbm>>
      tpu.enqueue_indirect_dma source(%dma_start3A_54 : memref<16384x128xf32, #tpu.memory_space<hbm>>) target(%arg15 : memref<16x128xf32, #tpu.memory_space<vmem>>) offsets(%select_n3A_51 : vector<16xi32>) semaphore(%arg20 : memref<!tpu.dma_semaphore, #tpu.memory_space<semaphore_mem>>)
    } else {
    }
    %broadcast_in_dim3A = vector.broadcast %scan3A_26 : i32 to vector<16xi32>
    %swap3A = arith.constant 0 : index
    %swap3A_30 = tpu.vector_load %arg8[%swap3A] {strides = array<i32>} : memref<16xi32, #tpu.memory_space<vmem>>, vector<16xi32>,
    tpu.vector_store %arg8[%swap3A], %broadcast_in_dim3A {strides = array<i32>} : memref<16xi32, #tpu.memory_space<vmem>>, vector<16xi32>,
    %scan3A_31 = arith.constant 0 : i32
    %scan3A_32 = arith.constant 0 : i32
    %scan3A_33 = arith.constant 61 : i32
    %scan3A_34 = arith.addi %scan3A_32, %scan3A_33 : i32
    %scan3A_35 = arith.constant 1 : i32
    scf.for %scan3A_47 = %scan3A_32 to %scan3A_34 step %scan3A_35  : i32 {
      %mul3A_48 = arith.constant 512 : i32
      %mul3A_49 = arith.muli %scan3A_47, %mul3A_48 : i32
      %add3A_50 = arith.addi %mul3A_2, %mul3A_49 : i32
      %get3A = arith.constant 0 : index
      %get3A_51 = tpu.vector_load %arg8[%get3A] {strides = array<i32>} : memref<16xi32, #tpu.memory_space<vmem>>, vector<16xi32>,
      %slice3A = vector.extract_strided_slice %get3A_51 {offsets = [0], sizes = [1], strides = [1]} : vector<16xi32> to vector<1xi32>
      %squeeze3A = vector.extract %slice3A[0] : i32 from vector<1xi32>
      %ge3A = arith.constant 1 : i32
      %ge3A_52 = arith.cmpi sge, %scan3A_47, %ge3A : i32
      %convert_element_type3A_53 = arith.extui %ge3A_52 : i1 to i32
      %cond3A_54 = arith.constant 0 : i32
      %cond3A_55 = arith.cmpi ne, %convert_element_type3A_53, %cond3A_54 : i32
      scf.if %cond3A_55 {
        %dma_wait3A_94 = arith.constant 0 : i32
        %dma_wait3A_95 = arith.constant 0 : i32
        %dma_wait3A_96 = tpu.memref_slice %arg5[%dma_wait3A_94, %dma_wait3A_95] : memref<64x1000000xf32, #tpu.memory_space<hbm>> -> memref<64x512xf32, #tpu.memory_space<hbm>>
        %dma_wait3A_97 = arith.constant 0 : i32
        %dma_wait3A_98 = arith.constant 0 : i32
        %dma_wait3A_99 = tpu.memref_slice %arg5[%dma_wait3A_97, %dma_wait3A_98] : memref<64x1000000xf32, #tpu.memory_space<hbm>> -> memref<64x512xf32, #tpu.memory_space<hbm>>
        tpu.wait_dma2 semaphore(%arg19 : memref<!tpu.dma_semaphore, #tpu.memory_space<semaphore_mem>>) src(%arg13 : memref<64x512xf32, #tpu.memory_space<vmem>>) dst(%dma_wait3A_99 : memref<64x512xf32, #tpu.memory_space<hbm>>)
      } else {
      }
      %jit3A_56 = arith.constant 2 : i32
      %eq3A_57 = arith.constant 0 : i32
      %eq3A_58 = arith.cmpi eq, %jit3A_56, %eq3A_57 : i32
      %jit3A_59 = arith.constant 1 : i32
      %select_n3A_60 = arith.select %eq3A_58, %jit3A_59, %jit3A_56 : i32
      %rem3A = arith.remsi %scan3A_47, %select_n3A_60 : i32
      %ne3A = arith.constant 0 : i32
      %ne3A_61 = arith.cmpi ne, %rem3A, %ne3A : i32
      %lt3A = arith.constant 0 : i32
      %lt3A_62 = arith.cmpi slt, %rem3A, %lt3A : i32
      %lt3A_63 = arith.constant 0 : i32
      %lt3A_64 = arith.cmpi slt, %select_n3A_60, %lt3A_63 : i32
      %ne3A_65 = arith.xori %lt3A_62, %lt3A_64 : i1
      %and3A = arith.andi %ne3A_65, %ne3A_61 : i1
      %add3A_66 = arith.addi %rem3A, %select_n3A_60 : i32
      %select_n3A_67 = arith.select %and3A, %add3A_66, %rem3A : i32
      %eq3A_68 = arith.constant 0 : i32
      %eq3A_69 = arith.cmpi eq, %select_n3A_67, %eq3A_68 : i32
      %convert_element_type3A_70 = arith.extui %eq3A_69 : i1 to i32
      %cond3A_71 = arith.constant 0 : i32
      %cond3A_72 = arith.cmpi ne, %convert_element_type3A_70, %cond3A_71 : i32
      scf.if %cond3A_72 {
        %add3A_94 = arith.constant 1 : i32
        %add3A_95 = arith.addi %scan3A_47, %add3A_94 : i32
        %lt3A_96 = arith.constant 61 : i32
        %lt3A_97 = arith.cmpi slt, %add3A_95, %lt3A_96 : i32
        %convert_element_type3A_98 = arith.extui %lt3A_97 : i1 to i32
        %cond3A_99 = arith.constant 0 : i32
        %cond3A_100 = arith.cmpi ne, %convert_element_type3A_98, %cond3A_99 : i32
        scf.if %cond3A_100 {
          %add3A_152 = arith.constant 1 : i32
          %add3A_153 = arith.addi %scan3A_47, %add3A_152 : i32
          %mul3A_154 = arith.constant 512 : i32
          %mul3A_155 = arith.muli %add3A_153, %mul3A_154 : i32
          %scan3A_156 = arith.constant 0 : i32
          %scan3A_157 = arith.constant 0 : i32
          %scan3A_158 = arith.constant 32 : i32
          %scan3A_159 = arith.addi %scan3A_157, %scan3A_158 : i32
          %scan3A_160 = arith.constant 1 : i32
          %scan3A_161 = scf.for %scan3A_171 = %scan3A_157 to %scan3A_159 step %scan3A_160 iter_args(%scan3A_172 = %scan3A_156) -> (i32)  : i32 {
            %mul3A_173 = arith.constant 16 : i32
            %mul3A_174 = arith.muli %scan3A_171, %mul3A_173 : i32
            %add3A_175 = arith.addi %mul3A_155, %mul3A_174 : i32
            %get3A_176 = arith.index_cast %add3A_175 : i32 to index
            %get3A_177 = tpu.vector_load %arg7[%get3A_176] {strides = array<i32>} : memref<31808xi32, #tpu.memory_space<vmem>>, vector<16xi32>,
            %ge3A_178 = arith.constant 0 : i32
            %ge3A_179 = vector.broadcast %ge3A_178 : i32 to vector<16xi32>
            %ge3A_180 = arith.cmpi sge, %get3A_177, %ge3A_179 : vector<16xi32>
            %mul3A_181 = arith.constant 16 : i32
            %mul3A_182 = arith.muli %scan3A_171, %mul3A_181 : i32
            %add3A_183 = vector.broadcast %mul3A_182 : i32 to vector<16xi32>
            %add3A_184 = arith.addi %add3A_183, %iota3A : vector<16xi32>
            %swap3A_185 = arith.index_cast %scan3A_172 : i32 to index
            %swap3A_186 = tpu.vector_load %arg11[%swap3A_185] masked %ge3A_180 {strides = array<i32>} : memref<528xi32, #tpu.memory_space<vmem>>, vector<16xi32>, vector<16xi1>
            tpu.vector_store %arg11[%swap3A_185], %add3A_184 masked %ge3A_180 {strides = array<i32>} : memref<528xi32, #tpu.memory_space<vmem>>, vector<16xi32>, vector<16xi1>
            %swap3A_187 = arith.index_cast %scan3A_172 : i32 to index
            %swap3A_188 = tpu.vector_load %arg12[%swap3A_187] masked %ge3A_180 {strides = array<i32>} : memref<528xi32, #tpu.memory_space<vmem>>, vector<16xi32>, vector<16xi1>
            tpu.vector_store %arg12[%swap3A_187], %get3A_177 masked %ge3A_180 {strides = array<i32>} : memref<528xi32, #tpu.memory_space<vmem>>, vector<16xi32>, vector<16xi1>
            %convert_element_type3A_189 = arith.extui %ge3A_180 : vector<16xi1> to vector<16xi32>
            %reduce_sum3A = arith.constant true
            %reduce_sum3A_190 = vector.broadcast %reduce_sum3A : i1 to vector<16xi1>
            %reduce_sum3A_191 = tpu.scan <sum>, %convert_element_type3A_189 masked %reduce_sum3A_190 : vector<16xi32>, vector<16xi1> -> vector<16xi32>
            %reduce_sum3A_192 = vector.extract %reduce_sum3A_191[15] : i32 from vector<16xi32>
            %add3A_193 = arith.addi %scan3A_172, %reduce_sum3A_192 : i32
            scf.yield %add3A_193 : i32
          }
          %scan3A_162 = arith.constant 32 : i32
          %gt3A_163 = arith.constant 0 : i32
          %gt3A_164 = arith.cmpi sgt, %scan3A_161, %gt3A_163 : i32
          %convert_element_type3A_165 = arith.extui %gt3A_164 : i1 to i32
          %cond3A_166 = arith.constant 0 : i32
          %cond3A_167 = arith.cmpi ne, %convert_element_type3A_165, %cond3A_166 : i32
          scf.if %cond3A_167 {
            %get3A_171 = arith.constant 0 : index
            %get3A_172 = tpu.vector_load %arg12[%get3A_171] {strides = array<i32>} : memref<528xi32, #tpu.memory_space<vmem>>, vector<16xi32>,
            %sub3A_173 = arith.constant 0 : i32
            %sub3A_174 = arith.subi %scan3A_161, %sub3A_173 : i32
            %lt3A_175 = vector.broadcast %sub3A_174 : i32 to vector<16xi32>
            %lt3A_176 = arith.cmpi slt, %iota3A, %lt3A_175 : vector<16xi32>
            %slice3A_177 = vector.extract_strided_slice %get3A_172 {offsets = [0], sizes = [1], strides = [1]} : vector<16xi32> to vector<1xi32>
            %squeeze3A_178 = vector.extract %slice3A_177[0] : i32 from vector<1xi32>
            %broadcast_in_dim3A_179 = vector.broadcast %squeeze3A_178 : i32 to vector<16xi32>
            %select_n3A_180 = arith.select %lt3A_176, %get3A_172, %broadcast_in_dim3A_179 : vector<16xi1>, vector<16xi32>
            %dma_start3A_181 = arith.constant 0 : i32
            %dma_start3A_182 = arith.constant 0 : i32
            %dma_start3A_183 = tpu.memref_slice %arg4[%dma_start3A_181, %dma_start3A_182] : memref<16384x128xf32, #tpu.memory_space<hbm>> -> memref<16384x128xf32, #tpu.memory_space<hbm>>
            tpu.enqueue_indirect_dma source(%dma_start3A_183 : memref<16384x128xf32, #tpu.memory_space<hbm>>) target(%arg16 : memref<16x128xf32, #tpu.memory_space<vmem>>) offsets(%select_n3A_180 : vector<16xi32>) semaphore(%arg21 : memref<!tpu.dma_semaphore, #tpu.memory_space<semaphore_mem>>)
          } else {
          }
          %broadcast_in_dim3A_168 = vector.broadcast %scan3A_161 : i32 to vector<16xi32>
          %swap3A_169 = arith.constant 0 : index
          %swap3A_170 = tpu.vector_load %arg8[%swap3A_169] {strides = array<i32>} : memref<16xi32, #tpu.memory_space<vmem>>, vector<16xi32>,
          tpu.vector_store %arg8[%swap3A_169], %broadcast_in_dim3A_168 {strides = array<i32>} : memref<16xi32, #tpu.memory_space<vmem>>, vector<16xi32>,
        } else {
        }
        %dma_wait3A_101 = arith.constant 0 : i32
        %dma_wait3A_102 = arith.constant 0 : i32
        %dma_wait3A_103 = tpu.memref_slice %arg2[%dma_wait3A_101, %dma_wait3A_102] : memref<64x1000000xf32, #tpu.memory_space<hbm>> -> memref<64x512xf32, #tpu.memory_space<hbm>>
        %dma_wait3A_104 = arith.constant 0 : i32
        %dma_wait3A_105 = arith.constant 0 : i32
        %dma_wait3A_106 = tpu.memref_slice %arg2[%dma_wait3A_104, %dma_wait3A_105] : memref<64x1000000xf32, #tpu.memory_space<hbm>> -> memref<64x512xf32, #tpu.memory_space<hbm>>
        tpu.wait_dma2 semaphore(%arg18 : memref<!tpu.dma_semaphore, #tpu.memory_space<semaphore_mem>>) src(%dma_wait3A_106 : memref<64x512xf32, #tpu.memory_space<hbm>>) dst(%arg13 : memref<64x512xf32, #tpu.memory_space<vmem>>)
        %add3A_107 = arith.constant 1 : i32
        %add3A_108 = arith.addi %scan3A_47, %add3A_107 : i32
        %lt3A_109 = arith.constant 61 : i32
        %lt3A_110 = arith.cmpi slt, %add3A_108, %lt3A_109 : i32
        %convert_element_type3A_111 = arith.extui %lt3A_110 : i1 to i32
        %cond3A_112 = arith.constant 0 : i32
        %cond3A_113 = arith.cmpi ne, %convert_element_type3A_111, %cond3A_112 : i32
        scf.if %cond3A_113 {
          %add3A_152 = arith.constant 1 : i32
          %add3A_153 = arith.addi %scan3A_47, %add3A_152 : i32
          %mul3A_154 = arith.constant 512 : i32
          %mul3A_155 = arith.muli %add3A_153, %mul3A_154 : i32
          %add3A_156 = arith.addi %mul3A_2, %mul3A_155 : i32
          %dma_start3A_157 = arith.constant 0 : i32
          %dma_start3A_158 = tpu.memref_slice %arg2[%dma_start3A_157, %add3A_156] : memref<64x1000000xf32, #tpu.memory_space<hbm>> -> memref<64x512xf32, #tpu.memory_space<hbm>>
          %dma_start3A_159 = arith.constant 0 : i32
          %dma_start3A_160 = tpu.memref_slice %arg2[%dma_start3A_159, %add3A_156] : memref<64x1000000xf32, #tpu.memory_space<hbm>> -> memref<64x512xf32, #tpu.memory_space<hbm>>
          tpu.enqueue_dma source(%dma_start3A_160 : memref<64x512xf32, #tpu.memory_space<hbm>>) target(%arg14 : memref<64x512xf32, #tpu.memory_space<vmem>>) target_semaphore(%arg18 : memref<!tpu.dma_semaphore, #tpu.memory_space<semaphore_mem>>)
        } else {
        }
        %add3A_114 = arith.constant 16 : i32
        %add3A_115 = arith.addi %squeeze3A, %add3A_114 : i32
        %sub3A = arith.constant 1 : i32
        %sub3A_116 = arith.subi %add3A_115, %sub3A : i32
        %jit3A_117 = arith.constant 16 : i32
        %div3A = arith.divsi %sub3A_116, %jit3A_117 : i32
        %sign3A = arith.constant 0 : i32
        %sign3A_118 = arith.cmpi sgt, %sub3A_116, %sign3A : i32
        %sign3A_119 = arith.extui %sign3A_118 : i1 to i32
        %sign3A_120 = arith.constant 0 : i32
        %sign3A_121 = arith.cmpi slt, %sub3A_116, %sign3A_120 : i32
        %sign3A_122 = arith.extui %sign3A_121 : i1 to i32
        %sign3A_123 = arith.subi %sign3A_119, %sign3A_122 : i32
        %sign3A_124 = arith.constant 0 : i32
        %sign3A_125 = arith.cmpi sgt, %jit3A_117, %sign3A_124 : i32
        %sign3A_126 = arith.extui %sign3A_125 : i1 to i32
        %sign3A_127 = arith.constant 0 : i32
        %sign3A_128 = arith.cmpi slt, %jit3A_117, %sign3A_127 : i32
        %sign3A_129 = arith.extui %sign3A_128 : i1 to i32
        %sign3A_130 = arith.subi %sign3A_126, %sign3A_129 : i32
        %ne3A_131 = arith.cmpi ne, %sign3A_123, %sign3A_130 : i32
        %rem3A_132 = arith.remsi %sub3A_116, %jit3A_117 : i32
        %ne3A_133 = arith.constant 0 : i32
        %ne3A_134 = arith.cmpi ne, %rem3A_132, %ne3A_133 : i32
        %and3A_135 = arith.andi %ne3A_131, %ne3A_134 : i1
        %sub3A_136 = arith.constant 1 : i32
        %sub3A_137 = arith.subi %div3A, %sub3A_136 : i32
        %select_n3A_138 = arith.select %and3A_135, %sub3A_137, %div3A : i32
        %while3A = arith.constant 0 : i32
        %while3A_139 = arith.constant 0 : i32
        %while3A_140 = arith.subi %select_n3A_138, %while3A_139 : i32
        %while3A_141 = arith.addi %while3A_139, %while3A_140 : i32
        %while3A_142 = arith.constant 1 : i32
        %while3A_143 = arith.divsi %while3A_140, %while3A_142 : i32
        %while3A_144 = arith.muli %while3A_143, %while3A_142 : i32
        %while3A_145 = arith.addi %while3A_139, %while3A_144 : i32
        %while3A_146 = arith.constant 1 : i32
        scf.for %while3A_152 = %while3A_139 to %while3A_145 step %while3A_146  : i32 {
          %mul3A_153 = arith.constant 16 : i32
          %mul3A_154 = arith.muli %while3A_152, %mul3A_153 : i32
          %eq3A_155 = arith.constant 0 : i32
          %eq3A_156 = arith.cmpi eq, %while3A_152, %eq3A_155 : i32
          %convert_element_type3A_157 = arith.extui %eq3A_156 : i1 to i32
          %cond3A_158 = arith.constant 0 : i32
          %cond3A_159 = arith.cmpi ne, %convert_element_type3A_157, %cond3A_158 : i32
          scf.if %cond3A_159 {
            %dma_wait3A_177 = arith.constant 0 : i32
            %dma_wait3A_178 = arith.constant 0 : i32
            %dma_wait3A_179 = tpu.memref_slice %arg4[%dma_wait3A_177, %dma_wait3A_178] : memref<16384x128xf32, #tpu.memory_space<hbm>> -> memref<16384x128xf32, #tpu.memory_space<hbm>>
            tpu.wait_indirect_dma semaphore(%arg20 : memref<!tpu.dma_semaphore, #tpu.memory_space<semaphore_mem>>) src(%dma_wait3A_179 : memref<16384x128xf32, #tpu.memory_space<hbm>>) dst(%arg15 : memref<16x128xf32, #tpu.memory_space<vmem>>)
          } else {
          }
          %ge3A_160 = arith.constant 1 : i32
          %ge3A_161 = arith.cmpi sge, %while3A_152, %ge3A_160 : i32
          %convert_element_type3A_162 = arith.extui %ge3A_161 : i1 to i32
          %cond3A_163 = arith.constant 0 : i32
          %cond3A_164 = arith.cmpi ne, %convert_element_type3A_162, %cond3A_163 : i32
          scf.if %cond3A_164 {
            %get3A_177 = arith.index_cast %mul3A_154 : i32 to index
            %get3A_178 = tpu.vector_load %arg10[%get3A_177] {strides = array<i32>} : memref<528xi32, #tpu.memory_space<vmem>>, vector<16xi32>,
            %sub3A_179 = arith.subi %squeeze3A, %mul3A_154 : i32
            %lt3A_180 = vector.broadcast %sub3A_179 : i32 to vector<16xi32>
            %lt3A_181 = arith.cmpi slt, %iota3A, %lt3A_180 : vector<16xi32>
            %slice3A_182 = vector.extract_strided_slice %get3A_178 {offsets = [0], sizes = [1], strides = [1]} : vector<16xi32> to vector<1xi32>
            %squeeze3A_183 = vector.extract %slice3A_182[0] : i32 from vector<1xi32>
            %broadcast_in_dim3A_184 = vector.broadcast %squeeze3A_183 : i32 to vector<16xi32>
            %select_n3A_185 = arith.select %lt3A_181, %get3A_178, %broadcast_in_dim3A_184 : vector<16xi1>, vector<16xi32>
            %dma_start3A_186 = arith.constant 0 : i32
            %dma_start3A_187 = arith.constant 0 : i32
            %dma_start3A_188 = tpu.memref_slice %arg4[%dma_start3A_186, %dma_start3A_187] : memref<16384x128xf32, #tpu.memory_space<hbm>> -> memref<16384x128xf32, #tpu.memory_space<hbm>>
            tpu.enqueue_indirect_dma source(%dma_start3A_188 : memref<16384x128xf32, #tpu.memory_space<hbm>>) target(%arg15 : memref<16x128xf32, #tpu.memory_space<vmem>>) offsets(%select_n3A_185 : vector<16xi32>) semaphore(%arg20 : memref<!tpu.dma_semaphore, #tpu.memory_space<semaphore_mem>>)
            %dma_wait3A_189 = arith.constant 0 : i32
            %dma_wait3A_190 = arith.constant 0 : i32
            %dma_wait3A_191 = tpu.memref_slice %arg4[%dma_wait3A_189, %dma_wait3A_190] : memref<16384x128xf32, #tpu.memory_space<hbm>> -> memref<16384x128xf32, #tpu.memory_space<hbm>>
            tpu.wait_indirect_dma semaphore(%arg20 : memref<!tpu.dma_semaphore, #tpu.memory_space<semaphore_mem>>) src(%dma_wait3A_191 : memref<16384x128xf32, #tpu.memory_space<hbm>>) dst(%arg15 : memref<16x128xf32, #tpu.memory_space<vmem>>)
          } else {
          }
          %sub3A_165 = arith.subi %squeeze3A, %mul3A_154 : i32
          %min3A = arith.constant 16 : i32
          %min3A_166 = arith.minsi %sub3A_165, %min3A : i32
          %while3A_167 = arith.constant 0 : i32
          %while3A_168 = arith.constant 0 : i32
          %while3A_169 = arith.subi %min3A_166, %while3A_168 : i32
          %while3A_170 = arith.addi %while3A_168, %while3A_169 : i32
          %while3A_171 = arith.constant 1 : i32
          %while3A_172 = arith.divsi %while3A_169, %while3A_171 : i32
          %while3A_173 = arith.muli %while3A_172, %while3A_171 : i32
          %while3A_174 = arith.addi %while3A_168, %while3A_173 : i32
          %while3A_175 = arith.constant 1 : i32
          scf.for %while3A_177 = %while3A_168 to %while3A_174 step %while3A_175  : i32 {
            %add3A_178 = arith.addi %mul3A_154, %while3A_177 : i32
            %get3A_179 = arith.index_cast %add3A_178 : i32 to index
            %get3A_180 = tpu.vector_load %arg9[%get3A_179] {strides = array<i32>} : memref<528xi32, #tpu.memory_space<vmem>>, vector<16xi32>,
            %slice3A_181 = vector.extract_strided_slice %get3A_180 {offsets = [0], sizes = [1], strides = [1]} : vector<16xi32> to vector<1xi32>
            %squeeze3A_182 = vector.extract %slice3A_181[0] : i32 from vector<1xi32>
            %broadcast_in_dim3A_183 = vector.broadcast %squeeze3A_182 : i32 to vector<16xi32>
            %broadcast_in_dim3A_184 = vector.broadcast %while3A_177 : i32 to vector<16xi32>
            %add3A_185 = arith.constant 0 : i32
            %add3A_186 = vector.broadcast %add3A_185 : i32 to vector<16xi32>
            %add3A_187 = arith.addi %add3A_186, %iota3A : vector<16xi32>
            %gather3A = tpu.vector_load_idx %arg15[%broadcast_in_dim3A_184, %add3A_187] : memref<16x128xf32, #tpu.memory_space<vmem>>[vector<16xi32>, vector<16xi32>], vector<16xf32>,
            %add3A_188 = arith.constant 0 : i32
            %add3A_189 = vector.broadcast %add3A_188 : i32 to vector<16xi32>
            %add3A_190 = arith.addi %add3A_189, %iota3A : vector<16xi32>
            tpu.vector_store_idx %arg13[%add3A_190, %broadcast_in_dim3A_183], %gather3A : memref<64x512xf32, #tpu.memory_space<vmem>>[vector<16xi32>, vector<16xi32>], vector<16xf32>,
            %add3A_191 = arith.constant 16 : i32
            %add3A_192 = vector.broadcast %add3A_191 : i32 to vector<16xi32>
            %add3A_193 = arith.addi %add3A_192, %iota3A : vector<16xi32>
            %gather3A_194 = tpu.vector_load_idx %arg15[%broadcast_in_dim3A_184, %add3A_193] : memref<16x128xf32, #tpu.memory_space<vmem>>[vector<16xi32>, vector<16xi32>], vector<16xf32>,
            %add3A_195 = arith.constant 16 : i32
            %add3A_196 = vector.broadcast %add3A_195 : i32 to vector<16xi32>
            %add3A_197 = arith.addi %add3A_196, %iota3A : vector<16xi32>
            tpu.vector_store_idx %arg13[%add3A_197, %broadcast_in_dim3A_183], %gather3A_194 : memref<64x512xf32, #tpu.memory_space<vmem>>[vector<16xi32>, vector<16xi32>], vector<16xf32>,
            %add3A_198 = arith.constant 32 : i32
            %add3A_199 = vector.broadcast %add3A_198 : i32 to vector<16xi32>
            %add3A_200 = arith.addi %add3A_199, %iota3A : vector<16xi32>
            %gather3A_201 = tpu.vector_load_idx %arg15[%broadcast_in_dim3A_184, %add3A_200] : memref<16x128xf32, #tpu.memory_space<vmem>>[vector<16xi32>, vector<16xi32>], vector<16xf32>,
            %add3A_202 = arith.constant 32 : i32
            %add3A_203 = vector.broadcast %add3A_202 : i32 to vector<16xi32>
            %add3A_204 = arith.addi %add3A_203, %iota3A : vector<16xi32>
            tpu.vector_store_idx %arg13[%add3A_204, %broadcast_in_dim3A_183], %gather3A_201 : memref<64x512xf32, #tpu.memory_space<vmem>>[vector<16xi32>, vector<16xi32>], vector<16xf32>,
            %add3A_205 = arith.constant 48 : i32
            %add3A_206 = vector.broadcast %add3A_205 : i32 to vector<16xi32>
            %add3A_207 = arith.addi %add3A_206, %iota3A : vector<16xi32>
            %gather3A_208 = tpu.vector_load_idx %arg15[%broadcast_in_dim3A_184, %add3A_207] : memref<16x128xf32, #tpu.memory_space<vmem>>[vector<16xi32>, vector<16xi32>], vector<16xf32>,
            %add3A_209 = arith.constant 48 : i32
            %add3A_210 = vector.broadcast %add3A_209 : i32 to vector<16xi32>
            %add3A_211 = arith.addi %add3A_210, %iota3A : vector<16xi32>
            tpu.vector_store_idx %arg13[%add3A_211, %broadcast_in_dim3A_183], %gather3A_208 : memref<64x512xf32, #tpu.memory_space<vmem>>[vector<16xi32>, vector<16xi32>], vector<16xf32>,
          }
          %while3A_176 = arith.constant 1 : i32
          scf.for %while3A_177 = %while3A_174 to %while3A_170 step %while3A_176  : i32 {
            %add3A_178 = arith.addi %mul3A_154, %while3A_177 : i32
            %get3A_179 = arith.index_cast %add3A_178 : i32 to index
            %get3A_180 = tpu.vector_load %arg9[%get3A_179] {strides = array<i32>} : memref<528xi32, #tpu.memory_space<vmem>>, vector<16xi32>,
            %slice3A_181 = vector.extract_strided_slice %get3A_180 {offsets = [0], sizes = [1], strides = [1]} : vector<16xi32> to vector<1xi32>
            %squeeze3A_182 = vector.extract %slice3A_181[0] : i32 from vector<1xi32>
            %broadcast_in_dim3A_183 = vector.broadcast %squeeze3A_182 : i32 to vector<16xi32>
            %broadcast_in_dim3A_184 = vector.broadcast %while3A_177 : i32 to vector<16xi32>
            %add3A_185 = arith.constant 0 : i32
            %add3A_186 = vector.broadcast %add3A_185 : i32 to vector<16xi32>
            %add3A_187 = arith.addi %add3A_186, %iota3A : vector<16xi32>
            %gather3A = tpu.vector_load_idx %arg15[%broadcast_in_dim3A_184, %add3A_187] : memref<16x128xf32, #tpu.memory_space<vmem>>[vector<16xi32>, vector<16xi32>], vector<16xf32>,
            %add3A_188 = arith.constant 0 : i32
            %add3A_189 = vector.broadcast %add3A_188 : i32 to vector<16xi32>
            %add3A_190 = arith.addi %add3A_189, %iota3A : vector<16xi32>
            tpu.vector_store_idx %arg13[%add3A_190, %broadcast_in_dim3A_183], %gather3A : memref<64x512xf32, #tpu.memory_space<vmem>>[vector<16xi32>, vector<16xi32>], vector<16xf32>,
            %add3A_191 = arith.constant 16 : i32
            %add3A_192 = vector.broadcast %add3A_191 : i32 to vector<16xi32>
            %add3A_193 = arith.addi %add3A_192, %iota3A : vector<16xi32>
            %gather3A_194 = tpu.vector_load_idx %arg15[%broadcast_in_dim3A_184, %add3A_193] : memref<16x128xf32, #tpu.memory_space<vmem>>[vector<16xi32>, vector<16xi32>], vector<16xf32>,
            %add3A_195 = arith.constant 16 : i32
            %add3A_196 = vector.broadcast %add3A_195 : i32 to vector<16xi32>
            %add3A_197 = arith.addi %add3A_196, %iota3A : vector<16xi32>
            tpu.vector_store_idx %arg13[%add3A_197, %broadcast_in_dim3A_183], %gather3A_194 : memref<64x512xf32, #tpu.memory_space<vmem>>[vector<16xi32>, vector<16xi32>], vector<16xf32>,
            %add3A_198 = arith.constant 32 : i32
            %add3A_199 = vector.broadcast %add3A_198 : i32 to vector<16xi32>
            %add3A_200 = arith.addi %add3A_199, %iota3A : vector<16xi32>
            %gather3A_201 = tpu.vector_load_idx %arg15[%broadcast_in_dim3A_184, %add3A_200] : memref<16x128xf32, #tpu.memory_space<vmem>>[vector<16xi32>, vector<16xi32>], vector<16xf32>,
            %add3A_202 = arith.constant 32 : i32
            %add3A_203 = vector.broadcast %add3A_202 : i32 to vector<16xi32>
            %add3A_204 = arith.addi %add3A_203, %iota3A : vector<16xi32>
            tpu.vector_store_idx %arg13[%add3A_204, %broadcast_in_dim3A_183], %gather3A_201 : memref<64x512xf32, #tpu.memory_space<vmem>>[vector<16xi32>, vector<16xi32>], vector<16xf32>,
            %add3A_205 = arith.constant 48 : i32
            %add3A_206 = vector.broadcast %add3A_205 : i32 to vector<16xi32>
            %add3A_207 = arith.addi %add3A_206, %iota3A : vector<16xi32>
            %gather3A_208 = tpu.vector_load_idx %arg15[%broadcast_in_dim3A_184, %add3A_207] : memref<16x128xf32, #tpu.memory_space<vmem>>[vector<16xi32>, vector<16xi32>], vector<16xf32>,
            %add3A_209 = arith.constant 48 : i32
            %add3A_210 = vector.broadcast %add3A_209 : i32 to vector<16xi32>
            %add3A_211 = arith.addi %add3A_210, %iota3A : vector<16xi32>
            tpu.vector_store_idx %arg13[%add3A_211, %broadcast_in_dim3A_183], %gather3A_208 : memref<64x512xf32, #tpu.memory_space<vmem>>[vector<16xi32>, vector<16xi32>], vector<16xf32>,
          }
        }
        %while3A_147 = arith.constant 1 : i32
        scf.for %while3A_152 = %while3A_145 to %while3A_141 step %while3A_147  : i32 {
          %mul3A_153 = arith.constant 16 : i32
          %mul3A_154 = arith.muli %while3A_152, %mul3A_153 : i32
          %eq3A_155 = arith.constant 0 : i32
          %eq3A_156 = arith.cmpi eq, %while3A_152, %eq3A_155 : i32
          %convert_element_type3A_157 = arith.extui %eq3A_156 : i1 to i32
          %cond3A_158 = arith.constant 0 : i32
          %cond3A_159 = arith.cmpi ne, %convert_element_type3A_157, %cond3A_158 : i32
          scf.if %cond3A_159 {
            %dma_wait3A_177 = arith.constant 0 : i32
            %dma_wait3A_178 = arith.constant 0 : i32
            %dma_wait3A_179 = tpu.memref_slice %arg4[%dma_wait3A_177, %dma_wait3A_178] : memref<16384x128xf32, #tpu.memory_space<hbm>> -> memref<16384x128xf32, #tpu.memory_space<hbm>>
            tpu.wait_indirect_dma semaphore(%arg20 : memref<!tpu.dma_semaphore, #tpu.memory_space<semaphore_mem>>) src(%dma_wait3A_179 : memref<16384x128xf32, #tpu.memory_space<hbm>>) dst(%arg15 : memref<16x128xf32, #tpu.memory_space<vmem>>)
          } else {
          }
          %ge3A_160 = arith.constant 1 : i32
          %ge3A_161 = arith.cmpi sge, %while3A_152, %ge3A_160 : i32
          %convert_element_type3A_162 = arith.extui %ge3A_161 : i1 to i32
          %cond3A_163 = arith.constant 0 : i32
          %cond3A_164 = arith.cmpi ne, %convert_element_type3A_162, %cond3A_163 : i32
          scf.if %cond3A_164 {
            %get3A_177 = arith.index_cast %mul3A_154 : i32 to index
            %get3A_178 = tpu.vector_load %arg10[%get3A_177] {strides = array<i32>} : memref<528xi32, #tpu.memory_space<vmem>>, vector<16xi32>,
            %sub3A_179 = arith.subi %squeeze3A, %mul3A_154 : i32
            %lt3A_180 = vector.broadcast %sub3A_179 : i32 to vector<16xi32>
            %lt3A_181 = arith.cmpi slt, %iota3A, %lt3A_180 : vector<16xi32>
            %slice3A_182 = vector.extract_strided_slice %get3A_178 {offsets = [0], sizes = [1], strides = [1]} : vector<16xi32> to vector<1xi32>
            %squeeze3A_183 = vector.extract %slice3A_182[0] : i32 from vector<1xi32>
            %broadcast_in_dim3A_184 = vector.broadcast %squeeze3A_183 : i32 to vector<16xi32>
            %select_n3A_185 = arith.select %lt3A_181, %get3A_178, %broadcast_in_dim3A_184 : vector<16xi1>, vector<16xi32>
            %dma_start3A_186 = arith.constant 0 : i32
            %dma_start3A_187 = arith.constant 0 : i32
            %dma_start3A_188 = tpu.memref_slice %arg4[%dma_start3A_186, %dma_start3A_187] : memref<16384x128xf32, #tpu.memory_space<hbm>> -> memref<16384x128xf32, #tpu.memory_space<hbm>>
            tpu.enqueue_indirect_dma source(%dma_start3A_188 : memref<16384x128xf32, #tpu.memory_space<hbm>>) target(%arg15 : memref<16x128xf32, #tpu.memory_space<vmem>>) offsets(%select_n3A_185 : vector<16xi32>) semaphore(%arg20 : memref<!tpu.dma_semaphore, #tpu.memory_space<semaphore_mem>>)
            %dma_wait3A_189 = arith.constant 0 : i32
            %dma_wait3A_190 = arith.constant 0 : i32
            %dma_wait3A_191 = tpu.memref_slice %arg4[%dma_wait3A_189, %dma_wait3A_190] : memref<16384x128xf32, #tpu.memory_space<hbm>> -> memref<16384x128xf32, #tpu.memory_space<hbm>>
            tpu.wait_indirect_dma semaphore(%arg20 : memref<!tpu.dma_semaphore, #tpu.memory_space<semaphore_mem>>) src(%dma_wait3A_191 : memref<16384x128xf32, #tpu.memory_space<hbm>>) dst(%arg15 : memref<16x128xf32, #tpu.memory_space<vmem>>)
          } else {
          }
          %sub3A_165 = arith.subi %squeeze3A, %mul3A_154 : i32
          %min3A = arith.constant 16 : i32
          %min3A_166 = arith.minsi %sub3A_165, %min3A : i32
          %while3A_167 = arith.constant 0 : i32
          %while3A_168 = arith.constant 0 : i32
          %while3A_169 = arith.subi %min3A_166, %while3A_168 : i32
          %while3A_170 = arith.addi %while3A_168, %while3A_169 : i32
          %while3A_171 = arith.constant 1 : i32
          %while3A_172 = arith.divsi %while3A_169, %while3A_171 : i32
          %while3A_173 = arith.muli %while3A_172, %while3A_171 : i32
          %while3A_174 = arith.addi %while3A_168, %while3A_173 : i32
          %while3A_175 = arith.constant 1 : i32
          scf.for %while3A_177 = %while3A_168 to %while3A_174 step %while3A_175  : i32 {
            %add3A_178 = arith.addi %mul3A_154, %while3A_177 : i32
            %get3A_179 = arith.index_cast %add3A_178 : i32 to index
            %get3A_180 = tpu.vector_load %arg9[%get3A_179] {strides = array<i32>} : memref<528xi32, #tpu.memory_space<vmem>>, vector<16xi32>,
            %slice3A_181 = vector.extract_strided_slice %get3A_180 {offsets = [0], sizes = [1], strides = [1]} : vector<16xi32> to vector<1xi32>
            %squeeze3A_182 = vector.extract %slice3A_181[0] : i32 from vector<1xi32>
            %broadcast_in_dim3A_183 = vector.broadcast %squeeze3A_182 : i32 to vector<16xi32>
            %broadcast_in_dim3A_184 = vector.broadcast %while3A_177 : i32 to vector<16xi32>
            %add3A_185 = arith.constant 0 : i32
            %add3A_186 = vector.broadcast %add3A_185 : i32 to vector<16xi32>
            %add3A_187 = arith.addi %add3A_186, %iota3A : vector<16xi32>
            %gather3A = tpu.vector_load_idx %arg15[%broadcast_in_dim3A_184, %add3A_187] : memref<16x128xf32, #tpu.memory_space<vmem>>[vector<16xi32>, vector<16xi32>], vector<16xf32>,
            %add3A_188 = arith.constant 0 : i32
            %add3A_189 = vector.broadcast %add3A_188 : i32 to vector<16xi32>
            %add3A_190 = arith.addi %add3A_189, %iota3A : vector<16xi32>
            tpu.vector_store_idx %arg13[%add3A_190, %broadcast_in_dim3A_183], %gather3A : memref<64x512xf32, #tpu.memory_space<vmem>>[vector<16xi32>, vector<16xi32>], vector<16xf32>,
            %add3A_191 = arith.constant 16 : i32
            %add3A_192 = vector.broadcast %add3A_191 : i32 to vector<16xi32>
            %add3A_193 = arith.addi %add3A_192, %iota3A : vector<16xi32>
            %gather3A_194 = tpu.vector_load_idx %arg15[%broadcast_in_dim3A_184, %add3A_193] : memref<16x128xf32, #tpu.memory_space<vmem>>[vector<16xi32>, vector<16xi32>], vector<16xf32>,
            %add3A_195 = arith.constant 16 : i32
            %add3A_196 = vector.broadcast %add3A_195 : i32 to vector<16xi32>
            %add3A_197 = arith.addi %add3A_196, %iota3A : vector<16xi32>
            tpu.vector_store_idx %arg13[%add3A_197, %broadcast_in_dim3A_183], %gather3A_194 : memref<64x512xf32, #tpu.memory_space<vmem>>[vector<16xi32>, vector<16xi32>], vector<16xf32>,
            %add3A_198 = arith.constant 32 : i32
            %add3A_199 = vector.broadcast %add3A_198 : i32 to vector<16xi32>
            %add3A_200 = arith.addi %add3A_199, %iota3A : vector<16xi32>
            %gather3A_201 = tpu.vector_load_idx %arg15[%broadcast_in_dim3A_184, %add3A_200] : memref<16x128xf32, #tpu.memory_space<vmem>>[vector<16xi32>, vector<16xi32>], vector<16xf32>,
            %add3A_202 = arith.constant 32 : i32
            %add3A_203 = vector.broadcast %add3A_202 : i32 to vector<16xi32>
            %add3A_204 = arith.addi %add3A_203, %iota3A : vector<16xi32>
            tpu.vector_store_idx %arg13[%add3A_204, %broadcast_in_dim3A_183], %gather3A_201 : memref<64x512xf32, #tpu.memory_space<vmem>>[vector<16xi32>, vector<16xi32>], vector<16xf32>,
            %add3A_205 = arith.constant 48 : i32
            %add3A_206 = vector.broadcast %add3A_205 : i32 to vector<16xi32>
            %add3A_207 = arith.addi %add3A_206, %iota3A : vector<16xi32>
            %gather3A_208 = tpu.vector_load_idx %arg15[%broadcast_in_dim3A_184, %add3A_207] : memref<16x128xf32, #tpu.memory_space<vmem>>[vector<16xi32>, vector<16xi32>], vector<16xf32>,
            %add3A_209 = arith.constant 48 : i32
            %add3A_210 = vector.broadcast %add3A_209 : i32 to vector<16xi32>
            %add3A_211 = arith.addi %add3A_210, %iota3A : vector<16xi32>
            tpu.vector_store_idx %arg13[%add3A_211, %broadcast_in_dim3A_183], %gather3A_208 : memref<64x512xf32, #tpu.memory_space<vmem>>[vector<16xi32>, vector<16xi32>], vector<16xf32>,
          }
          %while3A_176 = arith.constant 1 : i32
          scf.for %while3A_177 = %while3A_174 to %while3A_170 step %while3A_176  : i32 {
            %add3A_178 = arith.addi %mul3A_154, %while3A_177 : i32
            %get3A_179 = arith.index_cast %add3A_178 : i32 to index
            %get3A_180 = tpu.vector_load %arg9[%get3A_179] {strides = array<i32>} : memref<528xi32, #tpu.memory_space<vmem>>, vector<16xi32>,
            %slice3A_181 = vector.extract_strided_slice %get3A_180 {offsets = [0], sizes = [1], strides = [1]} : vector<16xi32> to vector<1xi32>
            %squeeze3A_182 = vector.extract %slice3A_181[0] : i32 from vector<1xi32>
            %broadcast_in_dim3A_183 = vector.broadcast %squeeze3A_182 : i32 to vector<16xi32>
            %broadcast_in_dim3A_184 = vector.broadcast %while3A_177 : i32 to vector<16xi32>
            %add3A_185 = arith.constant 0 : i32
            %add3A_186 = vector.broadcast %add3A_185 : i32 to vector<16xi32>
            %add3A_187 = arith.addi %add3A_186, %iota3A : vector<16xi32>
            %gather3A = tpu.vector_load_idx %arg15[%broadcast_in_dim3A_184, %add3A_187] : memref<16x128xf32, #tpu.memory_space<vmem>>[vector<16xi32>, vector<16xi32>], vector<16xf32>,
            %add3A_188 = arith.constant 0 : i32
            %add3A_189 = vector.broadcast %add3A_188 : i32 to vector<16xi32>
            %add3A_190 = arith.addi %add3A_189, %iota3A : vector<16xi32>
            tpu.vector_store_idx %arg13[%add3A_190, %broadcast_in_dim3A_183], %gather3A : memref<64x512xf32, #tpu.memory_space<vmem>>[vector<16xi32>, vector<16xi32>], vector<16xf32>,
            %add3A_191 = arith.constant 16 : i32
            %add3A_192 = vector.broadcast %add3A_191 : i32 to vector<16xi32>
            %add3A_193 = arith.addi %add3A_192, %iota3A : vector<16xi32>
            %gather3A_194 = tpu.vector_load_idx %arg15[%broadcast_in_dim3A_184, %add3A_193] : memref<16x128xf32, #tpu.memory_space<vmem>>[vector<16xi32>, vector<16xi32>], vector<16xf32>,
            %add3A_195 = arith.constant 16 : i32
            %add3A_196 = vector.broadcast %add3A_195 : i32 to vector<16xi32>
            %add3A_197 = arith.addi %add3A_196, %iota3A : vector<16xi32>
            tpu.vector_store_idx %arg13[%add3A_197, %broadcast_in_dim3A_183], %gather3A_194 : memref<64x512xf32, #tpu.memory_space<vmem>>[vector<16xi32>, vector<16xi32>], vector<16xf32>,
            %add3A_198 = arith.constant 32 : i32
            %add3A_199 = vector.broadcast %add3A_198 : i32 to vector<16xi32>
            %add3A_200 = arith.addi %add3A_199, %iota3A : vector<16xi32>
            %gather3A_201 = tpu.vector_load_idx %arg15[%broadcast_in_dim3A_184, %add3A_200] : memref<16x128xf32, #tpu.memory_space<vmem>>[vector<16xi32>, vector<16xi32>], vector<16xf32>,
            %add3A_202 = arith.constant 32 : i32
            %add3A_203 = vector.broadcast %add3A_202 : i32 to vector<16xi32>
            %add3A_204 = arith.addi %add3A_203, %iota3A : vector<16xi32>
            tpu.vector_store_idx %arg13[%add3A_204, %broadcast_in_dim3A_183], %gather3A_201 : memref<64x512xf32, #tpu.memory_space<vmem>>[vector<16xi32>, vector<16xi32>], vector<16xf32>,
            %add3A_205 = arith.constant 48 : i32
            %add3A_206 = vector.broadcast %add3A_205 : i32 to vector<16xi32>
            %add3A_207 = arith.addi %add3A_206, %iota3A : vector<16xi32>
            %gather3A_208 = tpu.vector_load_idx %arg15[%broadcast_in_dim3A_184, %add3A_207] : memref<16x128xf32, #tpu.memory_space<vmem>>[vector<16xi32>, vector<16xi32>], vector<16xf32>,
            %add3A_209 = arith.constant 48 : i32
            %add3A_210 = vector.broadcast %add3A_209 : i32 to vector<16xi32>
            %add3A_211 = arith.addi %add3A_210, %iota3A : vector<16xi32>
            tpu.vector_store_idx %arg13[%add3A_211, %broadcast_in_dim3A_183], %gather3A_208 : memref<64x512xf32, #tpu.memory_space<vmem>>[vector<16xi32>, vector<16xi32>], vector<16xf32>,
          }
        }
        %dma_start3A_148 = arith.constant 0 : i32
        %dma_start3A_149 = tpu.memref_slice %arg5[%dma_start3A_148, %add3A_50] : memref<64x1000000xf32, #tpu.memory_space<hbm>> -> memref<64x512xf32, #tpu.memory_space<hbm>>
        %dma_start3A_150 = arith.constant 0 : i32
        %dma_start3A_151 = tpu.memref_slice %arg5[%dma_start3A_150, %add3A_50] : memref<64x1000000xf32, #tpu.memory_space<hbm>> -> memref<64x512xf32, #tpu.memory_space<hbm>>
        tpu.enqueue_dma source(%arg13 : memref<64x512xf32, #tpu.memory_space<vmem>>) target(%dma_start3A_151 : memref<64x512xf32, #tpu.memory_space<hbm>>) target_semaphore(%arg19 : memref<!tpu.dma_semaphore, #tpu.memory_space<semaphore_mem>>)
      } else {
      }
      %jit3A_73 = arith.constant 2 : i32
      %eq3A_74 = arith.constant 0 : i32
      %eq3A_75 = arith.cmpi eq, %jit3A_73, %eq3A_74 : i32
      %jit3A_76 = arith.constant 1 : i32
      %select_n3A_77 = arith.select %eq3A_75, %jit3A_76, %jit3A_73 : i32
      %rem3A_78 = arith.remsi %scan3A_47, %select_n3A_77 : i32
      %ne3A_79 = arith.constant 0 : i32
      %ne3A_80 = arith.cmpi ne, %rem3A_78, %ne3A_79 : i32
      %lt3A_81 = arith.constant 0 : i32
      %lt3A_82 = arith.cmpi slt, %rem3A_78, %lt3A_81 : i32
      %lt3A_83 = arith.constant 0 : i32
      %lt3A_84 = arith.cmpi slt, %select_n3A_77, %lt3A_83 : i32
      %ne3A_85 = arith.xori %lt3A_82, %lt3A_84 : i1
      %and3A_86 = arith.andi %ne3A_85, %ne3A_80 : i1
      %add3A_87 = arith.addi %rem3A_78, %select_n3A_77 : i32
      %select_n3A_88 = arith.select %and3A_86, %add3A_87, %rem3A_78 : i32
      %eq3A_89 = arith.constant 1 : i32
      %eq3A_90 = arith.cmpi eq, %select_n3A_88, %eq3A_89 : i32
      %convert_element_type3A_91 = arith.extui %eq3A_90 : i1 to i32
      %cond3A_92 = arith.constant 0 : i32
      %cond3A_93 = arith.cmpi ne, %convert_element_type3A_91, %cond3A_92 : i32
      scf.if %cond3A_93 {
        %add3A_94 = arith.constant 1 : i32
        %add3A_95 = arith.addi %scan3A_47, %add3A_94 : i32
        %lt3A_96 = arith.constant 61 : i32
        %lt3A_97 = arith.cmpi slt, %add3A_95, %lt3A_96 : i32
        %convert_element_type3A_98 = arith.extui %lt3A_97 : i1 to i32
        %cond3A_99 = arith.constant 0 : i32
        %cond3A_100 = arith.cmpi ne, %convert_element_type3A_98, %cond3A_99 : i32
        scf.if %cond3A_100 {
          %add3A_152 = arith.constant 1 : i32
          %add3A_153 = arith.addi %scan3A_47, %add3A_152 : i32
          %mul3A_154 = arith.constant 512 : i32
          %mul3A_155 = arith.muli %add3A_153, %mul3A_154 : i32
          %scan3A_156 = arith.constant 0 : i32
          %scan3A_157 = arith.constant 0 : i32
          %scan3A_158 = arith.constant 32 : i32
          %scan3A_159 = arith.addi %scan3A_157, %scan3A_158 : i32
          %scan3A_160 = arith.constant 1 : i32
          %scan3A_161 = scf.for %scan3A_171 = %scan3A_157 to %scan3A_159 step %scan3A_160 iter_args(%scan3A_172 = %scan3A_156) -> (i32)  : i32 {
            %mul3A_173 = arith.constant 16 : i32
            %mul3A_174 = arith.muli %scan3A_171, %mul3A_173 : i32
            %add3A_175 = arith.addi %mul3A_155, %mul3A_174 : i32
            %get3A_176 = arith.index_cast %add3A_175 : i32 to index
            %get3A_177 = tpu.vector_load %arg7[%get3A_176] {strides = array<i32>} : memref<31808xi32, #tpu.memory_space<vmem>>, vector<16xi32>,
            %ge3A_178 = arith.constant 0 : i32
            %ge3A_179 = vector.broadcast %ge3A_178 : i32 to vector<16xi32>
            %ge3A_180 = arith.cmpi sge, %get3A_177, %ge3A_179 : vector<16xi32>
            %mul3A_181 = arith.constant 16 : i32
            %mul3A_182 = arith.muli %scan3A_171, %mul3A_181 : i32
            %add3A_183 = vector.broadcast %mul3A_182 : i32 to vector<16xi32>
            %add3A_184 = arith.addi %add3A_183, %iota3A : vector<16xi32>
            %swap3A_185 = arith.index_cast %scan3A_172 : i32 to index
            %swap3A_186 = tpu.vector_load %arg9[%swap3A_185] masked %ge3A_180 {strides = array<i32>} : memref<528xi32, #tpu.memory_space<vmem>>, vector<16xi32>, vector<16xi1>
            tpu.vector_store %arg9[%swap3A_185], %add3A_184 masked %ge3A_180 {strides = array<i32>} : memref<528xi32, #tpu.memory_space<vmem>>, vector<16xi32>, vector<16xi1>
            %swap3A_187 = arith.index_cast %scan3A_172 : i32 to index
            %swap3A_188 = tpu.vector_load %arg10[%swap3A_187] masked %ge3A_180 {strides = array<i32>} : memref<528xi32, #tpu.memory_space<vmem>>, vector<16xi32>, vector<16xi1>
            tpu.vector_store %arg10[%swap3A_187], %get3A_177 masked %ge3A_180 {strides = array<i32>} : memref<528xi32, #tpu.memory_space<vmem>>, vector<16xi32>, vector<16xi1>
            %convert_element_type3A_189 = arith.extui %ge3A_180 : vector<16xi1> to vector<16xi32>
            %reduce_sum3A = arith.constant true
            %reduce_sum3A_190 = vector.broadcast %reduce_sum3A : i1 to vector<16xi1>
            %reduce_sum3A_191 = tpu.scan <sum>, %convert_element_type3A_189 masked %reduce_sum3A_190 : vector<16xi32>, vector<16xi1> -> vector<16xi32>
            %reduce_sum3A_192 = vector.extract %reduce_sum3A_191[15] : i32 from vector<16xi32>
            %add3A_193 = arith.addi %scan3A_172, %reduce_sum3A_192 : i32
            scf.yield %add3A_193 : i32
          }
          %scan3A_162 = arith.constant 32 : i32
          %gt3A_163 = arith.constant 0 : i32
          %gt3A_164 = arith.cmpi sgt, %scan3A_161, %gt3A_163 : i32
          %convert_element_type3A_165 = arith.extui %gt3A_164 : i1 to i32
          %cond3A_166 = arith.constant 0 : i32
          %cond3A_167 = arith.cmpi ne, %convert_element_type3A_165, %cond3A_166 : i32
          scf.if %cond3A_167 {
            %get3A_171 = arith.constant 0 : index
            %get3A_172 = tpu.vector_load %arg10[%get3A_171] {strides = array<i32>} : memref<528xi32, #tpu.memory_space<vmem>>, vector<16xi32>,
            %sub3A_173 = arith.constant 0 : i32
            %sub3A_174 = arith.subi %scan3A_161, %sub3A_173 : i32
            %lt3A_175 = vector.broadcast %sub3A_174 : i32 to vector<16xi32>
            %lt3A_176 = arith.cmpi slt, %iota3A, %lt3A_175 : vector<16xi32>
            %slice3A_177 = vector.extract_strided_slice %get3A_172 {offsets = [0], sizes = [1], strides = [1]} : vector<16xi32> to vector<1xi32>
            %squeeze3A_178 = vector.extract %slice3A_177[0] : i32 from vector<1xi32>
            %broadcast_in_dim3A_179 = vector.broadcast %squeeze3A_178 : i32 to vector<16xi32>
            %select_n3A_180 = arith.select %lt3A_176, %get3A_172, %broadcast_in_dim3A_179 : vector<16xi1>, vector<16xi32>
            %dma_start3A_181 = arith.constant 0 : i32
            %dma_start3A_182 = arith.constant 0 : i32
            %dma_start3A_183 = tpu.memref_slice %arg4[%dma_start3A_181, %dma_start3A_182] : memref<16384x128xf32, #tpu.memory_space<hbm>> -> memref<16384x128xf32, #tpu.memory_space<hbm>>
            tpu.enqueue_indirect_dma source(%dma_start3A_183 : memref<16384x128xf32, #tpu.memory_space<hbm>>) target(%arg15 : memref<16x128xf32, #tpu.memory_space<vmem>>) offsets(%select_n3A_180 : vector<16xi32>) semaphore(%arg20 : memref<!tpu.dma_semaphore, #tpu.memory_space<semaphore_mem>>)
          } else {
          }
          %broadcast_in_dim3A_168 = vector.broadcast %scan3A_161 : i32 to vector<16xi32>
          %swap3A_169 = arith.constant 0 : index
          %swap3A_170 = tpu.vector_load %arg8[%swap3A_169] {strides = array<i32>} : memref<16xi32, #tpu.memory_space<vmem>>, vector<16xi32>,
          tpu.vector_store %arg8[%swap3A_169], %broadcast_in_dim3A_168 {strides = array<i32>} : memref<16xi32, #tpu.memory_space<vmem>>, vector<16xi32>,
        } else {
        }
        %dma_wait3A_101 = arith.constant 0 : i32
        %dma_wait3A_102 = arith.constant 0 : i32
        %dma_wait3A_103 = tpu.memref_slice %arg2[%dma_wait3A_101, %dma_wait3A_102] : memref<64x1000000xf32, #tpu.memory_space<hbm>> -> memref<64x512xf32, #tpu.memory_space<hbm>>
        %dma_wait3A_104 = arith.constant 0 : i32
        %dma_wait3A_105 = arith.constant 0 : i32
        %dma_wait3A_106 = tpu.memref_slice %arg2[%dma_wait3A_104, %dma_wait3A_105] : memref<64x1000000xf32, #tpu.memory_space<hbm>> -> memref<64x512xf32, #tpu.memory_space<hbm>>
        tpu.wait_dma2 semaphore(%arg18 : memref<!tpu.dma_semaphore, #tpu.memory_space<semaphore_mem>>) src(%dma_wait3A_106 : memref<64x512xf32, #tpu.memory_space<hbm>>) dst(%arg14 : memref<64x512xf32, #tpu.memory_space<vmem>>)
        %add3A_107 = arith.constant 1 : i32
        %add3A_108 = arith.addi %scan3A_47, %add3A_107 : i32
        %lt3A_109 = arith.constant 61 : i32
        %lt3A_110 = arith.cmpi slt, %add3A_108, %lt3A_109 : i32
        %convert_element_type3A_111 = arith.extui %lt3A_110 : i1 to i32
        %cond3A_112 = arith.constant 0 : i32
        %cond3A_113 = arith.cmpi ne, %convert_element_type3A_111, %cond3A_112 : i32
        scf.if %cond3A_113 {
          %add3A_152 = arith.constant 1 : i32
          %add3A_153 = arith.addi %scan3A_47, %add3A_152 : i32
          %mul3A_154 = arith.constant 512 : i32
          %mul3A_155 = arith.muli %add3A_153, %mul3A_154 : i32
          %add3A_156 = arith.addi %mul3A_2, %mul3A_155 : i32
          %dma_start3A_157 = arith.constant 0 : i32
          %dma_start3A_158 = tpu.memref_slice %arg2[%dma_start3A_157, %add3A_156] : memref<64x1000000xf32, #tpu.memory_space<hbm>> -> memref<64x512xf32, #tpu.memory_space<hbm>>
          %dma_start3A_159 = arith.constant 0 : i32
          %dma_start3A_160 = tpu.memref_slice %arg2[%dma_start3A_159, %add3A_156] : memref<64x1000000xf32, #tpu.memory_space<hbm>> -> memref<64x512xf32, #tpu.memory_space<hbm>>
          tpu.enqueue_dma source(%dma_start3A_160 : memref<64x512xf32, #tpu.memory_space<hbm>>) target(%arg13 : memref<64x512xf32, #tpu.memory_space<vmem>>) target_semaphore(%arg18 : memref<!tpu.dma_semaphore, #tpu.memory_space<semaphore_mem>>)
        } else {
        }
        %add3A_114 = arith.constant 16 : i32
        %add3A_115 = arith.addi %squeeze3A, %add3A_114 : i32
        %sub3A = arith.constant 1 : i32
        %sub3A_116 = arith.subi %add3A_115, %sub3A : i32
        %jit3A_117 = arith.constant 16 : i32
        %div3A = arith.divsi %sub3A_116, %jit3A_117 : i32
        %sign3A = arith.constant 0 : i32
        %sign3A_118 = arith.cmpi sgt, %sub3A_116, %sign3A : i32
        %sign3A_119 = arith.extui %sign3A_118 : i1 to i32
        %sign3A_120 = arith.constant 0 : i32
        %sign3A_121 = arith.cmpi slt, %sub3A_116, %sign3A_120 : i32
        %sign3A_122 = arith.extui %sign3A_121 : i1 to i32
        %sign3A_123 = arith.subi %sign3A_119, %sign3A_122 : i32
        %sign3A_124 = arith.constant 0 : i32
        %sign3A_125 = arith.cmpi sgt, %jit3A_117, %sign3A_124 : i32
        %sign3A_126 = arith.extui %sign3A_125 : i1 to i32
        %sign3A_127 = arith.constant 0 : i32
        %sign3A_128 = arith.cmpi slt, %jit3A_117, %sign3A_127 : i32
        %sign3A_129 = arith.extui %sign3A_128 : i1 to i32
        %sign3A_130 = arith.subi %sign3A_126, %sign3A_129 : i32
        %ne3A_131 = arith.cmpi ne, %sign3A_123, %sign3A_130 : i32
        %rem3A_132 = arith.remsi %sub3A_116, %jit3A_117 : i32
        %ne3A_133 = arith.constant 0 : i32
        %ne3A_134 = arith.cmpi ne, %rem3A_132, %ne3A_133 : i32
        %and3A_135 = arith.andi %ne3A_131, %ne3A_134 : i1
        %sub3A_136 = arith.constant 1 : i32
        %sub3A_137 = arith.subi %div3A, %sub3A_136 : i32
        %select_n3A_138 = arith.select %and3A_135, %sub3A_137, %div3A : i32
        %while3A = arith.constant 0 : i32
        %while3A_139 = arith.constant 0 : i32
        %while3A_140 = arith.subi %select_n3A_138, %while3A_139 : i32
        %while3A_141 = arith.addi %while3A_139, %while3A_140 : i32
        %while3A_142 = arith.constant 1 : i32
        %while3A_143 = arith.divsi %while3A_140, %while3A_142 : i32
        %while3A_144 = arith.muli %while3A_143, %while3A_142 : i32
        %while3A_145 = arith.addi %while3A_139, %while3A_144 : i32
        %while3A_146 = arith.constant 1 : i32
        scf.for %while3A_152 = %while3A_139 to %while3A_145 step %while3A_146  : i32 {
          %mul3A_153 = arith.constant 16 : i32
          %mul3A_154 = arith.muli %while3A_152, %mul3A_153 : i32
          %eq3A_155 = arith.constant 0 : i32
          %eq3A_156 = arith.cmpi eq, %while3A_152, %eq3A_155 : i32
          %convert_element_type3A_157 = arith.extui %eq3A_156 : i1 to i32
          %cond3A_158 = arith.constant 0 : i32
          %cond3A_159 = arith.cmpi ne, %convert_element_type3A_157, %cond3A_158 : i32
          scf.if %cond3A_159 {
            %dma_wait3A_177 = arith.constant 0 : i32
            %dma_wait3A_178 = arith.constant 0 : i32
            %dma_wait3A_179 = tpu.memref_slice %arg4[%dma_wait3A_177, %dma_wait3A_178] : memref<16384x128xf32, #tpu.memory_space<hbm>> -> memref<16384x128xf32, #tpu.memory_space<hbm>>
            tpu.wait_indirect_dma semaphore(%arg21 : memref<!tpu.dma_semaphore, #tpu.memory_space<semaphore_mem>>) src(%dma_wait3A_179 : memref<16384x128xf32, #tpu.memory_space<hbm>>) dst(%arg16 : memref<16x128xf32, #tpu.memory_space<vmem>>)
          } else {
          }
          %ge3A_160 = arith.constant 1 : i32
          %ge3A_161 = arith.cmpi sge, %while3A_152, %ge3A_160 : i32
          %convert_element_type3A_162 = arith.extui %ge3A_161 : i1 to i32
          %cond3A_163 = arith.constant 0 : i32
          %cond3A_164 = arith.cmpi ne, %convert_element_type3A_162, %cond3A_163 : i32
          scf.if %cond3A_164 {
            %get3A_177 = arith.index_cast %mul3A_154 : i32 to index
            %get3A_178 = tpu.vector_load %arg12[%get3A_177] {strides = array<i32>} : memref<528xi32, #tpu.memory_space<vmem>>, vector<16xi32>,
            %sub3A_179 = arith.subi %squeeze3A, %mul3A_154 : i32
            %lt3A_180 = vector.broadcast %sub3A_179 : i32 to vector<16xi32>
            %lt3A_181 = arith.cmpi slt, %iota3A, %lt3A_180 : vector<16xi32>
            %slice3A_182 = vector.extract_strided_slice %get3A_178 {offsets = [0], sizes = [1], strides = [1]} : vector<16xi32> to vector<1xi32>
            %squeeze3A_183 = vector.extract %slice3A_182[0] : i32 from vector<1xi32>
            %broadcast_in_dim3A_184 = vector.broadcast %squeeze3A_183 : i32 to vector<16xi32>
            %select_n3A_185 = arith.select %lt3A_181, %get3A_178, %broadcast_in_dim3A_184 : vector<16xi1>, vector<16xi32>
            %dma_start3A_186 = arith.constant 0 : i32
            %dma_start3A_187 = arith.constant 0 : i32
            %dma_start3A_188 = tpu.memref_slice %arg4[%dma_start3A_186, %dma_start3A_187] : memref<16384x128xf32, #tpu.memory_space<hbm>> -> memref<16384x128xf32, #tpu.memory_space<hbm>>
            tpu.enqueue_indirect_dma source(%dma_start3A_188 : memref<16384x128xf32, #tpu.memory_space<hbm>>) target(%arg16 : memref<16x128xf32, #tpu.memory_space<vmem>>) offsets(%select_n3A_185 : vector<16xi32>) semaphore(%arg21 : memref<!tpu.dma_semaphore, #tpu.memory_space<semaphore_mem>>)
            %dma_wait3A_189 = arith.constant 0 : i32
            %dma_wait3A_190 = arith.constant 0 : i32
            %dma_wait3A_191 = tpu.memref_slice %arg4[%dma_wait3A_189, %dma_wait3A_190] : memref<16384x128xf32, #tpu.memory_space<hbm>> -> memref<16384x128xf32, #tpu.memory_space<hbm>>
            tpu.wait_indirect_dma semaphore(%arg21 : memref<!tpu.dma_semaphore, #tpu.memory_space<semaphore_mem>>) src(%dma_wait3A_191 : memref<16384x128xf32, #tpu.memory_space<hbm>>) dst(%arg16 : memref<16x128xf32, #tpu.memory_space<vmem>>)
          } else {
          }
          %sub3A_165 = arith.subi %squeeze3A, %mul3A_154 : i32
          %min3A = arith.constant 16 : i32
          %min3A_166 = arith.minsi %sub3A_165, %min3A : i32
          %while3A_167 = arith.constant 0 : i32
          %while3A_168 = arith.constant 0 : i32
          %while3A_169 = arith.subi %min3A_166, %while3A_168 : i32
          %while3A_170 = arith.addi %while3A_168, %while3A_169 : i32
          %while3A_171 = arith.constant 1 : i32
          %while3A_172 = arith.divsi %while3A_169, %while3A_171 : i32
          %while3A_173 = arith.muli %while3A_172, %while3A_171 : i32
          %while3A_174 = arith.addi %while3A_168, %while3A_173 : i32
          %while3A_175 = arith.constant 1 : i32
          scf.for %while3A_177 = %while3A_168 to %while3A_174 step %while3A_175  : i32 {
            %add3A_178 = arith.addi %mul3A_154, %while3A_177 : i32
            %get3A_179 = arith.index_cast %add3A_178 : i32 to index
            %get3A_180 = tpu.vector_load %arg11[%get3A_179] {strides = array<i32>} : memref<528xi32, #tpu.memory_space<vmem>>, vector<16xi32>,
            %slice3A_181 = vector.extract_strided_slice %get3A_180 {offsets = [0], sizes = [1], strides = [1]} : vector<16xi32> to vector<1xi32>
            %squeeze3A_182 = vector.extract %slice3A_181[0] : i32 from vector<1xi32>
            %broadcast_in_dim3A_183 = vector.broadcast %squeeze3A_182 : i32 to vector<16xi32>
            %broadcast_in_dim3A_184 = vector.broadcast %while3A_177 : i32 to vector<16xi32>
            %add3A_185 = arith.constant 0 : i32
            %add3A_186 = vector.broadcast %add3A_185 : i32 to vector<16xi32>
            %add3A_187 = arith.addi %add3A_186, %iota3A : vector<16xi32>
            %gather3A = tpu.vector_load_idx %arg16[%broadcast_in_dim3A_184, %add3A_187] : memref<16x128xf32, #tpu.memory_space<vmem>>[vector<16xi32>, vector<16xi32>], vector<16xf32>,
            %add3A_188 = arith.constant 0 : i32
            %add3A_189 = vector.broadcast %add3A_188 : i32 to vector<16xi32>
            %add3A_190 = arith.addi %add3A_189, %iota3A : vector<16xi32>
            tpu.vector_store_idx %arg14[%add3A_190, %broadcast_in_dim3A_183], %gather3A : memref<64x512xf32, #tpu.memory_space<vmem>>[vector<16xi32>, vector<16xi32>], vector<16xf32>,
            %add3A_191 = arith.constant 16 : i32
            %add3A_192 = vector.broadcast %add3A_191 : i32 to vector<16xi32>
            %add3A_193 = arith.addi %add3A_192, %iota3A : vector<16xi32>
            %gather3A_194 = tpu.vector_load_idx %arg16[%broadcast_in_dim3A_184, %add3A_193] : memref<16x128xf32, #tpu.memory_space<vmem>>[vector<16xi32>, vector<16xi32>], vector<16xf32>,
            %add3A_195 = arith.constant 16 : i32
            %add3A_196 = vector.broadcast %add3A_195 : i32 to vector<16xi32>
            %add3A_197 = arith.addi %add3A_196, %iota3A : vector<16xi32>
            tpu.vector_store_idx %arg14[%add3A_197, %broadcast_in_dim3A_183], %gather3A_194 : memref<64x512xf32, #tpu.memory_space<vmem>>[vector<16xi32>, vector<16xi32>], vector<16xf32>,
            %add3A_198 = arith.constant 32 : i32
            %add3A_199 = vector.broadcast %add3A_198 : i32 to vector<16xi32>
            %add3A_200 = arith.addi %add3A_199, %iota3A : vector<16xi32>
            %gather3A_201 = tpu.vector_load_idx %arg16[%broadcast_in_dim3A_184, %add3A_200] : memref<16x128xf32, #tpu.memory_space<vmem>>[vector<16xi32>, vector<16xi32>], vector<16xf32>,
            %add3A_202 = arith.constant 32 : i32
            %add3A_203 = vector.broadcast %add3A_202 : i32 to vector<16xi32>
            %add3A_204 = arith.addi %add3A_203, %iota3A : vector<16xi32>
            tpu.vector_store_idx %arg14[%add3A_204, %broadcast_in_dim3A_183], %gather3A_201 : memref<64x512xf32, #tpu.memory_space<vmem>>[vector<16xi32>, vector<16xi32>], vector<16xf32>,
            %add3A_205 = arith.constant 48 : i32
            %add3A_206 = vector.broadcast %add3A_205 : i32 to vector<16xi32>
            %add3A_207 = arith.addi %add3A_206, %iota3A : vector<16xi32>
            %gather3A_208 = tpu.vector_load_idx %arg16[%broadcast_in_dim3A_184, %add3A_207] : memref<16x128xf32, #tpu.memory_space<vmem>>[vector<16xi32>, vector<16xi32>], vector<16xf32>,
            %add3A_209 = arith.constant 48 : i32
            %add3A_210 = vector.broadcast %add3A_209 : i32 to vector<16xi32>
            %add3A_211 = arith.addi %add3A_210, %iota3A : vector<16xi32>
            tpu.vector_store_idx %arg14[%add3A_211, %broadcast_in_dim3A_183], %gather3A_208 : memref<64x512xf32, #tpu.memory_space<vmem>>[vector<16xi32>, vector<16xi32>], vector<16xf32>,
          }
          %while3A_176 = arith.constant 1 : i32
          scf.for %while3A_177 = %while3A_174 to %while3A_170 step %while3A_176  : i32 {
            %add3A_178 = arith.addi %mul3A_154, %while3A_177 : i32
            %get3A_179 = arith.index_cast %add3A_178 : i32 to index
            %get3A_180 = tpu.vector_load %arg11[%get3A_179] {strides = array<i32>} : memref<528xi32, #tpu.memory_space<vmem>>, vector<16xi32>,
            %slice3A_181 = vector.extract_strided_slice %get3A_180 {offsets = [0], sizes = [1], strides = [1]} : vector<16xi32> to vector<1xi32>
            %squeeze3A_182 = vector.extract %slice3A_181[0] : i32 from vector<1xi32>
            %broadcast_in_dim3A_183 = vector.broadcast %squeeze3A_182 : i32 to vector<16xi32>
            %broadcast_in_dim3A_184 = vector.broadcast %while3A_177 : i32 to vector<16xi32>
            %add3A_185 = arith.constant 0 : i32
            %add3A_186 = vector.broadcast %add3A_185 : i32 to vector<16xi32>
            %add3A_187 = arith.addi %add3A_186, %iota3A : vector<16xi32>
            %gather3A = tpu.vector_load_idx %arg16[%broadcast_in_dim3A_184, %add3A_187] : memref<16x128xf32, #tpu.memory_space<vmem>>[vector<16xi32>, vector<16xi32>], vector<16xf32>,
            %add3A_188 = arith.constant 0 : i32
            %add3A_189 = vector.broadcast %add3A_188 : i32 to vector<16xi32>
            %add3A_190 = arith.addi %add3A_189, %iota3A : vector<16xi32>
            tpu.vector_store_idx %arg14[%add3A_190, %broadcast_in_dim3A_183], %gather3A : memref<64x512xf32, #tpu.memory_space<vmem>>[vector<16xi32>, vector<16xi32>], vector<16xf32>,
            %add3A_191 = arith.constant 16 : i32
            %add3A_192 = vector.broadcast %add3A_191 : i32 to vector<16xi32>
            %add3A_193 = arith.addi %add3A_192, %iota3A : vector<16xi32>
            %gather3A_194 = tpu.vector_load_idx %arg16[%broadcast_in_dim3A_184, %add3A_193] : memref<16x128xf32, #tpu.memory_space<vmem>>[vector<16xi32>, vector<16xi32>], vector<16xf32>,
            %add3A_195 = arith.constant 16 : i32
            %add3A_196 = vector.broadcast %add3A_195 : i32 to vector<16xi32>
            %add3A_197 = arith.addi %add3A_196, %iota3A : vector<16xi32>
            tpu.vector_store_idx %arg14[%add3A_197, %broadcast_in_dim3A_183], %gather3A_194 : memref<64x512xf32, #tpu.memory_space<vmem>>[vector<16xi32>, vector<16xi32>], vector<16xf32>,
            %add3A_198 = arith.constant 32 : i32
            %add3A_199 = vector.broadcast %add3A_198 : i32 to vector<16xi32>
            %add3A_200 = arith.addi %add3A_199, %iota3A : vector<16xi32>
            %gather3A_201 = tpu.vector_load_idx %arg16[%broadcast_in_dim3A_184, %add3A_200] : memref<16x128xf32, #tpu.memory_space<vmem>>[vector<16xi32>, vector<16xi32>], vector<16xf32>,
            %add3A_202 = arith.constant 32 : i32
            %add3A_203 = vector.broadcast %add3A_202 : i32 to vector<16xi32>
            %add3A_204 = arith.addi %add3A_203, %iota3A : vector<16xi32>
            tpu.vector_store_idx %arg14[%add3A_204, %broadcast_in_dim3A_183], %gather3A_201 : memref<64x512xf32, #tpu.memory_space<vmem>>[vector<16xi32>, vector<16xi32>], vector<16xf32>,
            %add3A_205 = arith.constant 48 : i32
            %add3A_206 = vector.broadcast %add3A_205 : i32 to vector<16xi32>
            %add3A_207 = arith.addi %add3A_206, %iota3A : vector<16xi32>
            %gather3A_208 = tpu.vector_load_idx %arg16[%broadcast_in_dim3A_184, %add3A_207] : memref<16x128xf32, #tpu.memory_space<vmem>>[vector<16xi32>, vector<16xi32>], vector<16xf32>,
            %add3A_209 = arith.constant 48 : i32
            %add3A_210 = vector.broadcast %add3A_209 : i32 to vector<16xi32>
            %add3A_211 = arith.addi %add3A_210, %iota3A : vector<16xi32>
            tpu.vector_store_idx %arg14[%add3A_211, %broadcast_in_dim3A_183], %gather3A_208 : memref<64x512xf32, #tpu.memory_space<vmem>>[vector<16xi32>, vector<16xi32>], vector<16xf32>,
          }
        }
        %while3A_147 = arith.constant 1 : i32
        scf.for %while3A_152 = %while3A_145 to %while3A_141 step %while3A_147  : i32 {
          %mul3A_153 = arith.constant 16 : i32
          %mul3A_154 = arith.muli %while3A_152, %mul3A_153 : i32
          %eq3A_155 = arith.constant 0 : i32
          %eq3A_156 = arith.cmpi eq, %while3A_152, %eq3A_155 : i32
          %convert_element_type3A_157 = arith.extui %eq3A_156 : i1 to i32
          %cond3A_158 = arith.constant 0 : i32
          %cond3A_159 = arith.cmpi ne, %convert_element_type3A_157, %cond3A_158 : i32
          scf.if %cond3A_159 {
            %dma_wait3A_177 = arith.constant 0 : i32
            %dma_wait3A_178 = arith.constant 0 : i32
            %dma_wait3A_179 = tpu.memref_slice %arg4[%dma_wait3A_177, %dma_wait3A_178] : memref<16384x128xf32, #tpu.memory_space<hbm>> -> memref<16384x128xf32, #tpu.memory_space<hbm>>
            tpu.wait_indirect_dma semaphore(%arg21 : memref<!tpu.dma_semaphore, #tpu.memory_space<semaphore_mem>>) src(%dma_wait3A_179 : memref<16384x128xf32, #tpu.memory_space<hbm>>) dst(%arg16 : memref<16x128xf32, #tpu.memory_space<vmem>>)
          } else {
          }
          %ge3A_160 = arith.constant 1 : i32
          %ge3A_161 = arith.cmpi sge, %while3A_152, %ge3A_160 : i32
          %convert_element_type3A_162 = arith.extui %ge3A_161 : i1 to i32
          %cond3A_163 = arith.constant 0 : i32
          %cond3A_164 = arith.cmpi ne, %convert_element_type3A_162, %cond3A_163 : i32
          scf.if %cond3A_164 {
            %get3A_177 = arith.index_cast %mul3A_154 : i32 to index
            %get3A_178 = tpu.vector_load %arg12[%get3A_177] {strides = array<i32>} : memref<528xi32, #tpu.memory_space<vmem>>, vector<16xi32>,
            %sub3A_179 = arith.subi %squeeze3A, %mul3A_154 : i32
            %lt3A_180 = vector.broadcast %sub3A_179 : i32 to vector<16xi32>
            %lt3A_181 = arith.cmpi slt, %iota3A, %lt3A_180 : vector<16xi32>
            %slice3A_182 = vector.extract_strided_slice %get3A_178 {offsets = [0], sizes = [1], strides = [1]} : vector<16xi32> to vector<1xi32>
            %squeeze3A_183 = vector.extract %slice3A_182[0] : i32 from vector<1xi32>
            %broadcast_in_dim3A_184 = vector.broadcast %squeeze3A_183 : i32 to vector<16xi32>
            %select_n3A_185 = arith.select %lt3A_181, %get3A_178, %broadcast_in_dim3A_184 : vector<16xi1>, vector<16xi32>
            %dma_start3A_186 = arith.constant 0 : i32
            %dma_start3A_187 = arith.constant 0 : i32
            %dma_start3A_188 = tpu.memref_slice %arg4[%dma_start3A_186, %dma_start3A_187] : memref<16384x128xf32, #tpu.memory_space<hbm>> -> memref<16384x128xf32, #tpu.memory_space<hbm>>
            tpu.enqueue_indirect_dma source(%dma_start3A_188 : memref<16384x128xf32, #tpu.memory_space<hbm>>) target(%arg16 : memref<16x128xf32, #tpu.memory_space<vmem>>) offsets(%select_n3A_185 : vector<16xi32>) semaphore(%arg21 : memref<!tpu.dma_semaphore, #tpu.memory_space<semaphore_mem>>)
            %dma_wait3A_189 = arith.constant 0 : i32
            %dma_wait3A_190 = arith.constant 0 : i32
            %dma_wait3A_191 = tpu.memref_slice %arg4[%dma_wait3A_189, %dma_wait3A_190] : memref<16384x128xf32, #tpu.memory_space<hbm>> -> memref<16384x128xf32, #tpu.memory_space<hbm>>
            tpu.wait_indirect_dma semaphore(%arg21 : memref<!tpu.dma_semaphore, #tpu.memory_space<semaphore_mem>>) src(%dma_wait3A_191 : memref<16384x128xf32, #tpu.memory_space<hbm>>) dst(%arg16 : memref<16x128xf32, #tpu.memory_space<vmem>>)
          } else {
          }
          %sub3A_165 = arith.subi %squeeze3A, %mul3A_154 : i32
          %min3A = arith.constant 16 : i32
          %min3A_166 = arith.minsi %sub3A_165, %min3A : i32
          %while3A_167 = arith.constant 0 : i32
          %while3A_168 = arith.constant 0 : i32
          %while3A_169 = arith.subi %min3A_166, %while3A_168 : i32
          %while3A_170 = arith.addi %while3A_168, %while3A_169 : i32
          %while3A_171 = arith.constant 1 : i32
          %while3A_172 = arith.divsi %while3A_169, %while3A_171 : i32
          %while3A_173 = arith.muli %while3A_172, %while3A_171 : i32
          %while3A_174 = arith.addi %while3A_168, %while3A_173 : i32
          %while3A_175 = arith.constant 1 : i32
          scf.for %while3A_177 = %while3A_168 to %while3A_174 step %while3A_175  : i32 {
            %add3A_178 = arith.addi %mul3A_154, %while3A_177 : i32
            %get3A_179 = arith.index_cast %add3A_178 : i32 to index
            %get3A_180 = tpu.vector_load %arg11[%get3A_179] {strides = array<i32>} : memref<528xi32, #tpu.memory_space<vmem>>, vector<16xi32>,
            %slice3A_181 = vector.extract_strided_slice %get3A_180 {offsets = [0], sizes = [1], strides = [1]} : vector<16xi32> to vector<1xi32>
            %squeeze3A_182 = vector.extract %slice3A_181[0] : i32 from vector<1xi32>
            %broadcast_in_dim3A_183 = vector.broadcast %squeeze3A_182 : i32 to vector<16xi32>
            %broadcast_in_dim3A_184 = vector.broadcast %while3A_177 : i32 to vector<16xi32>
            %add3A_185 = arith.constant 0 : i32
            %add3A_186 = vector.broadcast %add3A_185 : i32 to vector<16xi32>
            %add3A_187 = arith.addi %add3A_186, %iota3A : vector<16xi32>
            %gather3A = tpu.vector_load_idx %arg16[%broadcast_in_dim3A_184, %add3A_187] : memref<16x128xf32, #tpu.memory_space<vmem>>[vector<16xi32>, vector<16xi32>], vector<16xf32>,
            %add3A_188 = arith.constant 0 : i32
            %add3A_189 = vector.broadcast %add3A_188 : i32 to vector<16xi32>
            %add3A_190 = arith.addi %add3A_189, %iota3A : vector<16xi32>
            tpu.vector_store_idx %arg14[%add3A_190, %broadcast_in_dim3A_183], %gather3A : memref<64x512xf32, #tpu.memory_space<vmem>>[vector<16xi32>, vector<16xi32>], vector<16xf32>,
            %add3A_191 = arith.constant 16 : i32
            %add3A_192 = vector.broadcast %add3A_191 : i32 to vector<16xi32>
            %add3A_193 = arith.addi %add3A_192, %iota3A : vector<16xi32>
            %gather3A_194 = tpu.vector_load_idx %arg16[%broadcast_in_dim3A_184, %add3A_193] : memref<16x128xf32, #tpu.memory_space<vmem>>[vector<16xi32>, vector<16xi32>], vector<16xf32>,
            %add3A_195 = arith.constant 16 : i32
            %add3A_196 = vector.broadcast %add3A_195 : i32 to vector<16xi32>
            %add3A_197 = arith.addi %add3A_196, %iota3A : vector<16xi32>
            tpu.vector_store_idx %arg14[%add3A_197, %broadcast_in_dim3A_183], %gather3A_194 : memref<64x512xf32, #tpu.memory_space<vmem>>[vector<16xi32>, vector<16xi32>], vector<16xf32>,
            %add3A_198 = arith.constant 32 : i32
            %add3A_199 = vector.broadcast %add3A_198 : i32 to vector<16xi32>
            %add3A_200 = arith.addi %add3A_199, %iota3A : vector<16xi32>
            %gather3A_201 = tpu.vector_load_idx %arg16[%broadcast_in_dim3A_184, %add3A_200] : memref<16x128xf32, #tpu.memory_space<vmem>>[vector<16xi32>, vector<16xi32>], vector<16xf32>,
            %add3A_202 = arith.constant 32 : i32
            %add3A_203 = vector.broadcast %add3A_202 : i32 to vector<16xi32>
            %add3A_204 = arith.addi %add3A_203, %iota3A : vector<16xi32>
            tpu.vector_store_idx %arg14[%add3A_204, %broadcast_in_dim3A_183], %gather3A_201 : memref<64x512xf32, #tpu.memory_space<vmem>>[vector<16xi32>, vector<16xi32>], vector<16xf32>,
            %add3A_205 = arith.constant 48 : i32
            %add3A_206 = vector.broadcast %add3A_205 : i32 to vector<16xi32>
            %add3A_207 = arith.addi %add3A_206, %iota3A : vector<16xi32>
            %gather3A_208 = tpu.vector_load_idx %arg16[%broadcast_in_dim3A_184, %add3A_207] : memref<16x128xf32, #tpu.memory_space<vmem>>[vector<16xi32>, vector<16xi32>], vector<16xf32>,
            %add3A_209 = arith.constant 48 : i32
            %add3A_210 = vector.broadcast %add3A_209 : i32 to vector<16xi32>
            %add3A_211 = arith.addi %add3A_210, %iota3A : vector<16xi32>
            tpu.vector_store_idx %arg14[%add3A_211, %broadcast_in_dim3A_183], %gather3A_208 : memref<64x512xf32, #tpu.memory_space<vmem>>[vector<16xi32>, vector<16xi32>], vector<16xf32>,
          }
          %while3A_176 = arith.constant 1 : i32
          scf.for %while3A_177 = %while3A_174 to %while3A_170 step %while3A_176  : i32 {
            %add3A_178 = arith.addi %mul3A_154, %while3A_177 : i32
            %get3A_179 = arith.index_cast %add3A_178 : i32 to index
            %get3A_180 = tpu.vector_load %arg11[%get3A_179] {strides = array<i32>} : memref<528xi32, #tpu.memory_space<vmem>>, vector<16xi32>,
            %slice3A_181 = vector.extract_strided_slice %get3A_180 {offsets = [0], sizes = [1], strides = [1]} : vector<16xi32> to vector<1xi32>
            %squeeze3A_182 = vector.extract %slice3A_181[0] : i32 from vector<1xi32>
            %broadcast_in_dim3A_183 = vector.broadcast %squeeze3A_182 : i32 to vector<16xi32>
            %broadcast_in_dim3A_184 = vector.broadcast %while3A_177 : i32 to vector<16xi32>
            %add3A_185 = arith.constant 0 : i32
            %add3A_186 = vector.broadcast %add3A_185 : i32 to vector<16xi32>
            %add3A_187 = arith.addi %add3A_186, %iota3A : vector<16xi32>
            %gather3A = tpu.vector_load_idx %arg16[%broadcast_in_dim3A_184, %add3A_187] : memref<16x128xf32, #tpu.memory_space<vmem>>[vector<16xi32>, vector<16xi32>], vector<16xf32>,
            %add3A_188 = arith.constant 0 : i32
            %add3A_189 = vector.broadcast %add3A_188 : i32 to vector<16xi32>
            %add3A_190 = arith.addi %add3A_189, %iota3A : vector<16xi32>
            tpu.vector_store_idx %arg14[%add3A_190, %broadcast_in_dim3A_183], %gather3A : memref<64x512xf32, #tpu.memory_space<vmem>>[vector<16xi32>, vector<16xi32>], vector<16xf32>,
            %add3A_191 = arith.constant 16 : i32
            %add3A_192 = vector.broadcast %add3A_191 : i32 to vector<16xi32>
            %add3A_193 = arith.addi %add3A_192, %iota3A : vector<16xi32>
            %gather3A_194 = tpu.vector_load_idx %arg16[%broadcast_in_dim3A_184, %add3A_193] : memref<16x128xf32, #tpu.memory_space<vmem>>[vector<16xi32>, vector<16xi32>], vector<16xf32>,
            %add3A_195 = arith.constant 16 : i32
            %add3A_196 = vector.broadcast %add3A_195 : i32 to vector<16xi32>
            %add3A_197 = arith.addi %add3A_196, %iota3A : vector<16xi32>
            tpu.vector_store_idx %arg14[%add3A_197, %broadcast_in_dim3A_183], %gather3A_194 : memref<64x512xf32, #tpu.memory_space<vmem>>[vector<16xi32>, vector<16xi32>], vector<16xf32>,
            %add3A_198 = arith.constant 32 : i32
            %add3A_199 = vector.broadcast %add3A_198 : i32 to vector<16xi32>
            %add3A_200 = arith.addi %add3A_199, %iota3A : vector<16xi32>
            %gather3A_201 = tpu.vector_load_idx %arg16[%broadcast_in_dim3A_184, %add3A_200] : memref<16x128xf32, #tpu.memory_space<vmem>>[vector<16xi32>, vector<16xi32>], vector<16xf32>,
            %add3A_202 = arith.constant 32 : i32
            %add3A_203 = vector.broadcast %add3A_202 : i32 to vector<16xi32>
            %add3A_204 = arith.addi %add3A_203, %iota3A : vector<16xi32>
            tpu.vector_store_idx %arg14[%add3A_204, %broadcast_in_dim3A_183], %gather3A_201 : memref<64x512xf32, #tpu.memory_space<vmem>>[vector<16xi32>, vector<16xi32>], vector<16xf32>,
            %add3A_205 = arith.constant 48 : i32
            %add3A_206 = vector.broadcast %add3A_205 : i32 to vector<16xi32>
            %add3A_207 = arith.addi %add3A_206, %iota3A : vector<16xi32>
            %gather3A_208 = tpu.vector_load_idx %arg16[%broadcast_in_dim3A_184, %add3A_207] : memref<16x128xf32, #tpu.memory_space<vmem>>[vector<16xi32>, vector<16xi32>], vector<16xf32>,
            %add3A_209 = arith.constant 48 : i32
            %add3A_210 = vector.broadcast %add3A_209 : i32 to vector<16xi32>
            %add3A_211 = arith.addi %add3A_210, %iota3A : vector<16xi32>
            tpu.vector_store_idx %arg14[%add3A_211, %broadcast_in_dim3A_183], %gather3A_208 : memref<64x512xf32, #tpu.memory_space<vmem>>[vector<16xi32>, vector<16xi32>], vector<16xf32>,
          }
        }
        %dma_start3A_148 = arith.constant 0 : i32
        %dma_start3A_149 = tpu.memref_slice %arg5[%dma_start3A_148, %add3A_50] : memref<64x1000000xf32, #tpu.memory_space<hbm>> -> memref<64x512xf32, #tpu.memory_space<hbm>>
        %dma_start3A_150 = arith.constant 0 : i32
        %dma_start3A_151 = tpu.memref_slice %arg5[%dma_start3A_150, %add3A_50] : memref<64x1000000xf32, #tpu.memory_space<hbm>> -> memref<64x512xf32, #tpu.memory_space<hbm>>
        tpu.enqueue_dma source(%arg14 : memref<64x512xf32, #tpu.memory_space<vmem>>) target(%dma_start3A_151 : memref<64x512xf32, #tpu.memory_space<hbm>>) target_semaphore(%arg19 : memref<!tpu.dma_semaphore, #tpu.memory_space<semaphore_mem>>)
      } else {
      }
    }
    %scan3A_36 = arith.constant 61 : i32
    %dma_wait3A = arith.constant 0 : i32
    %dma_wait3A_37 = arith.constant 0 : i32
    %dma_wait3A_38 = tpu.memref_slice %arg5[%dma_wait3A, %dma_wait3A_37] : memref<64x1000000xf32, #tpu.memory_space<hbm>> -> memref<64x512xf32, #tpu.memory_space<hbm>>
    %dma_wait3A_39 = arith.constant 0 : i32
    %dma_wait3A_40 = arith.constant 0 : i32
    %dma_wait3A_41 = tpu.memref_slice %arg5[%dma_wait3A_39, %dma_wait3A_40] : memref<64x1000000xf32, #tpu.memory_space<hbm>> -> memref<64x512xf32, #tpu.memory_space<hbm>>
    tpu.wait_dma2 semaphore(%arg19 : memref<!tpu.dma_semaphore, #tpu.memory_space<semaphore_mem>>) src(%arg13 : memref<64x512xf32, #tpu.memory_space<vmem>>) dst(%dma_wait3A_41 : memref<64x512xf32, #tpu.memory_space<hbm>>)
    %eq3A_42 = arith.constant 31 : i32
    %eq3A_43 = arith.cmpi eq, %add3A, %eq3A_42 : i32
    %convert_element_type3A_44 = arith.extui %eq3A_43 : i1 to i32
    %cond3A_45 = arith.constant 0 : i32
    %cond3A_46 = arith.cmpi ne, %convert_element_type3A_44, %cond3A_45 : i32
    scf.if %cond3A_46 {
      "tpu.region"() ({
        %run_scoped3A = tpu.sem_alloc : memref<!tpu.dma_semaphore, #tpu.memory_space<semaphore_mem>>
        %dma_start3A_144 = arith.constant 0 : i32
        %dma_start3A_145 = arith.constant 999424 : i32
        %dma_start3A_146 = tpu.memref_slice %arg2[%dma_start3A_144, %dma_start3A_145] : memref<64x1000000xf32, #tpu.memory_space<hbm>> -> memref<64x512xf32, #tpu.memory_space<hbm>>
        %dma_start3A_147 = arith.constant 0 : i32
        %dma_start3A_148 = arith.constant 999424 : i32
        %dma_start3A_149 = tpu.memref_slice %arg2[%dma_start3A_147, %dma_start3A_148] : memref<64x1000000xf32, #tpu.memory_space<hbm>> -> memref<64x512xf32, #tpu.memory_space<hbm>>
        tpu.enqueue_dma source(%dma_start3A_149 : memref<64x512xf32, #tpu.memory_space<hbm>>) target(%arg13 : memref<64x512xf32, #tpu.memory_space<vmem>>) target_semaphore(%run_scoped3A : memref<!tpu.dma_semaphore, #tpu.memory_space<semaphore_mem>>)
        %dma_wait3A_150 = arith.constant 0 : i32
        %dma_wait3A_151 = arith.constant 999424 : i32
        %dma_wait3A_152 = tpu.memref_slice %arg2[%dma_wait3A_150, %dma_wait3A_151] : memref<64x1000000xf32, #tpu.memory_space<hbm>> -> memref<64x512xf32, #tpu.memory_space<hbm>>
        %dma_wait3A_153 = arith.constant 0 : i32
        %dma_wait3A_154 = arith.constant 999424 : i32
        %dma_wait3A_155 = tpu.memref_slice %arg2[%dma_wait3A_153, %dma_wait3A_154] : memref<64x1000000xf32, #tpu.memory_space<hbm>> -> memref<64x512xf32, #tpu.memory_space<hbm>>
        tpu.wait_dma2 semaphore(%run_scoped3A : memref<!tpu.dma_semaphore, #tpu.memory_space<semaphore_mem>>) src(%dma_wait3A_155 : memref<64x512xf32, #tpu.memory_space<hbm>>) dst(%arg13 : memref<64x512xf32, #tpu.memory_space<vmem>>)
        tpu.yield
      }) : () -> ()
      %sub3A = arith.constant 999424 : i32
      %sub3A_47 = arith.subi %sub3A, %mul3A_2 : i32
      %scan3A_48 = arith.constant 0 : i32
      %scan3A_49 = arith.constant 0 : i32
      %scan3A_50 = arith.constant 32 : i32
      %scan3A_51 = arith.addi %scan3A_49, %scan3A_50 : i32
      %scan3A_52 = arith.constant 1 : i32
      %scan3A_53 = scf.for %scan3A_144 = %scan3A_49 to %scan3A_51 step %scan3A_52 iter_args(%scan3A_145 = %scan3A_48) -> (i32)  : i32 {
        %mul3A_146 = arith.constant 16 : i32
        %mul3A_147 = arith.muli %scan3A_144, %mul3A_146 : i32
        %add3A_148 = arith.addi %sub3A_47, %mul3A_147 : i32
        %get3A = arith.index_cast %add3A_148 : i32 to index
        %get3A_149 = tpu.vector_load %arg7[%get3A] {strides = array<i32>} : memref<31808xi32, #tpu.memory_space<vmem>>, vector<16xi32>,
        %ge3A = arith.constant 0 : i32
        %ge3A_150 = vector.broadcast %ge3A : i32 to vector<16xi32>
        %ge3A_151 = arith.cmpi sge, %get3A_149, %ge3A_150 : vector<16xi32>
        %mul3A_152 = arith.constant 16 : i32
        %mul3A_153 = arith.muli %scan3A_144, %mul3A_152 : i32
        %add3A_154 = vector.broadcast %mul3A_153 : i32 to vector<16xi32>
        %add3A_155 = arith.addi %add3A_154, %iota3A : vector<16xi32>
        %swap3A_156 = arith.index_cast %scan3A_145 : i32 to index
        %swap3A_157 = tpu.vector_load %arg9[%swap3A_156] masked %ge3A_151 {strides = array<i32>} : memref<528xi32, #tpu.memory_space<vmem>>, vector<16xi32>, vector<16xi1>
        tpu.vector_store %arg9[%swap3A_156], %add3A_155 masked %ge3A_151 {strides = array<i32>} : memref<528xi32, #tpu.memory_space<vmem>>, vector<16xi32>, vector<16xi1>
        %swap3A_158 = arith.index_cast %scan3A_145 : i32 to index
        %swap3A_159 = tpu.vector_load %arg10[%swap3A_158] masked %ge3A_151 {strides = array<i32>} : memref<528xi32, #tpu.memory_space<vmem>>, vector<16xi32>, vector<16xi1>
        tpu.vector_store %arg10[%swap3A_158], %get3A_149 masked %ge3A_151 {strides = array<i32>} : memref<528xi32, #tpu.memory_space<vmem>>, vector<16xi32>, vector<16xi1>
        %convert_element_type3A_160 = arith.extui %ge3A_151 : vector<16xi1> to vector<16xi32>
        %reduce_sum3A = arith.constant true
        %reduce_sum3A_161 = vector.broadcast %reduce_sum3A : i1 to vector<16xi1>
        %reduce_sum3A_162 = tpu.scan <sum>, %convert_element_type3A_160 masked %reduce_sum3A_161 : vector<16xi32>, vector<16xi1> -> vector<16xi32>
        %reduce_sum3A_163 = vector.extract %reduce_sum3A_162[15] : i32 from vector<16xi32>
        %add3A_164 = arith.addi %scan3A_145, %reduce_sum3A_163 : i32
        scf.yield %add3A_164 : i32
      }
      %scan3A_54 = arith.constant 32 : i32
      %gt3A_55 = arith.constant 0 : i32
      %gt3A_56 = arith.cmpi sgt, %scan3A_53, %gt3A_55 : i32
      %convert_element_type3A_57 = arith.extui %gt3A_56 : i1 to i32
      %cond3A_58 = arith.constant 0 : i32
      %cond3A_59 = arith.cmpi ne, %convert_element_type3A_57, %cond3A_58 : i32
      scf.if %cond3A_59 {
        %get3A = arith.constant 0 : index
        %get3A_144 = tpu.vector_load %arg10[%get3A] {strides = array<i32>} : memref<528xi32, #tpu.memory_space<vmem>>, vector<16xi32>,
        %sub3A_145 = arith.constant 0 : i32
        %sub3A_146 = arith.subi %scan3A_53, %sub3A_145 : i32
        %lt3A = vector.broadcast %sub3A_146 : i32 to vector<16xi32>
        %lt3A_147 = arith.cmpi slt, %iota3A, %lt3A : vector<16xi32>
        %slice3A = vector.extract_strided_slice %get3A_144 {offsets = [0], sizes = [1], strides = [1]} : vector<16xi32> to vector<1xi32>
        %squeeze3A = vector.extract %slice3A[0] : i32 from vector<1xi32>
        %broadcast_in_dim3A_148 = vector.broadcast %squeeze3A : i32 to vector<16xi32>
        %select_n3A_149 = arith.select %lt3A_147, %get3A_144, %broadcast_in_dim3A_148 : vector<16xi1>, vector<16xi32>
        %dma_start3A_150 = arith.constant 0 : i32
        %dma_start3A_151 = arith.constant 0 : i32
        %dma_start3A_152 = tpu.memref_slice %arg4[%dma_start3A_150, %dma_start3A_151] : memref<16384x128xf32, #tpu.memory_space<hbm>> -> memref<16384x128xf32, #tpu.memory_space<hbm>>
        tpu.enqueue_indirect_dma source(%dma_start3A_152 : memref<16384x128xf32, #tpu.memory_space<hbm>>) target(%arg15 : memref<16x128xf32, #tpu.memory_space<vmem>>) offsets(%select_n3A_149 : vector<16xi32>) semaphore(%arg20 : memref<!tpu.dma_semaphore, #tpu.memory_space<semaphore_mem>>)
      } else {
      }
      %add3A_60 = arith.constant 16 : i32
      %add3A_61 = arith.addi %scan3A_53, %add3A_60 : i32
      %sub3A_62 = arith.constant 1 : i32
      %sub3A_63 = arith.subi %add3A_61, %sub3A_62 : i32
      %jit3A_64 = arith.constant 16 : i32
      %div3A = arith.divsi %sub3A_63, %jit3A_64 : i32
      %sign3A = arith.constant 0 : i32
      %sign3A_65 = arith.cmpi sgt, %sub3A_63, %sign3A : i32
      %sign3A_66 = arith.extui %sign3A_65 : i1 to i32
      %sign3A_67 = arith.constant 0 : i32
      %sign3A_68 = arith.cmpi slt, %sub3A_63, %sign3A_67 : i32
      %sign3A_69 = arith.extui %sign3A_68 : i1 to i32
      %sign3A_70 = arith.subi %sign3A_66, %sign3A_69 : i32
      %sign3A_71 = arith.constant 0 : i32
      %sign3A_72 = arith.cmpi sgt, %jit3A_64, %sign3A_71 : i32
      %sign3A_73 = arith.extui %sign3A_72 : i1 to i32
      %sign3A_74 = arith.constant 0 : i32
      %sign3A_75 = arith.cmpi slt, %jit3A_64, %sign3A_74 : i32
      %sign3A_76 = arith.extui %sign3A_75 : i1 to i32
      %sign3A_77 = arith.subi %sign3A_73, %sign3A_76 : i32
      %ne3A = arith.cmpi ne, %sign3A_70, %sign3A_77 : i32
      %rem3A = arith.remsi %sub3A_63, %jit3A_64 : i32
      %ne3A_78 = arith.constant 0 : i32
      %ne3A_79 = arith.cmpi ne, %rem3A, %ne3A_78 : i32
      %and3A = arith.andi %ne3A, %ne3A_79 : i1
      %sub3A_80 = arith.constant 1 : i32
      %sub3A_81 = arith.subi %div3A, %sub3A_80 : i32
      %select_n3A_82 = arith.select %and3A, %sub3A_81, %div3A : i32
      %while3A = arith.constant 0 : i32
      %while3A_83 = arith.constant 0 : i32
      %while3A_84 = arith.subi %select_n3A_82, %while3A_83 : i32
      %while3A_85 = arith.addi %while3A_83, %while3A_84 : i32
      %while3A_86 = arith.constant 1 : i32
      %while3A_87 = arith.divsi %while3A_84, %while3A_86 : i32
      %while3A_88 = arith.muli %while3A_87, %while3A_86 : i32
      %while3A_89 = arith.addi %while3A_83, %while3A_88 : i32
      %while3A_90 = arith.constant 1 : i32
      scf.for %while3A_144 = %while3A_83 to %while3A_89 step %while3A_90  : i32 {
        %mul3A_145 = arith.constant 16 : i32
        %mul3A_146 = arith.muli %while3A_144, %mul3A_145 : i32
        %eq3A_147 = arith.constant 0 : i32
        %eq3A_148 = arith.cmpi eq, %while3A_144, %eq3A_147 : i32
        %convert_element_type3A_149 = arith.extui %eq3A_148 : i1 to i32
        %cond3A_150 = arith.constant 0 : i32
        %cond3A_151 = arith.cmpi ne, %convert_element_type3A_149, %cond3A_150 : i32
        scf.if %cond3A_151 {
          %dma_wait3A_168 = arith.constant 0 : i32
          %dma_wait3A_169 = arith.constant 0 : i32
          %dma_wait3A_170 = tpu.memref_slice %arg4[%dma_wait3A_168, %dma_wait3A_169] : memref<16384x128xf32, #tpu.memory_space<hbm>> -> memref<16384x128xf32, #tpu.memory_space<hbm>>
          tpu.wait_indirect_dma semaphore(%arg20 : memref<!tpu.dma_semaphore, #tpu.memory_space<semaphore_mem>>) src(%dma_wait3A_170 : memref<16384x128xf32, #tpu.memory_space<hbm>>) dst(%arg15 : memref<16x128xf32, #tpu.memory_space<vmem>>)
        } else {
        }
        %ge3A = arith.constant 1 : i32
        %ge3A_152 = arith.cmpi sge, %while3A_144, %ge3A : i32
        %convert_element_type3A_153 = arith.extui %ge3A_152 : i1 to i32
        %cond3A_154 = arith.constant 0 : i32
        %cond3A_155 = arith.cmpi ne, %convert_element_type3A_153, %cond3A_154 : i32
        scf.if %cond3A_155 {
          %get3A = arith.index_cast %mul3A_146 : i32 to index
          %get3A_168 = tpu.vector_load %arg10[%get3A] {strides = array<i32>} : memref<528xi32, #tpu.memory_space<vmem>>, vector<16xi32>,
          %sub3A_169 = arith.subi %scan3A_53, %mul3A_146 : i32
          %lt3A = vector.broadcast %sub3A_169 : i32 to vector<16xi32>
          %lt3A_170 = arith.cmpi slt, %iota3A, %lt3A : vector<16xi32>
          %slice3A = vector.extract_strided_slice %get3A_168 {offsets = [0], sizes = [1], strides = [1]} : vector<16xi32> to vector<1xi32>
          %squeeze3A = vector.extract %slice3A[0] : i32 from vector<1xi32>
          %broadcast_in_dim3A_171 = vector.broadcast %squeeze3A : i32 to vector<16xi32>
          %select_n3A_172 = arith.select %lt3A_170, %get3A_168, %broadcast_in_dim3A_171 : vector<16xi1>, vector<16xi32>
          %dma_start3A_173 = arith.constant 0 : i32
          %dma_start3A_174 = arith.constant 0 : i32
          %dma_start3A_175 = tpu.memref_slice %arg4[%dma_start3A_173, %dma_start3A_174] : memref<16384x128xf32, #tpu.memory_space<hbm>> -> memref<16384x128xf32, #tpu.memory_space<hbm>>
          tpu.enqueue_indirect_dma source(%dma_start3A_175 : memref<16384x128xf32, #tpu.memory_space<hbm>>) target(%arg15 : memref<16x128xf32, #tpu.memory_space<vmem>>) offsets(%select_n3A_172 : vector<16xi32>) semaphore(%arg20 : memref<!tpu.dma_semaphore, #tpu.memory_space<semaphore_mem>>)
          %dma_wait3A_176 = arith.constant 0 : i32
          %dma_wait3A_177 = arith.constant 0 : i32
          %dma_wait3A_178 = tpu.memref_slice %arg4[%dma_wait3A_176, %dma_wait3A_177] : memref<16384x128xf32, #tpu.memory_space<hbm>> -> memref<16384x128xf32, #tpu.memory_space<hbm>>
          tpu.wait_indirect_dma semaphore(%arg20 : memref<!tpu.dma_semaphore, #tpu.memory_space<semaphore_mem>>) src(%dma_wait3A_178 : memref<16384x128xf32, #tpu.memory_space<hbm>>) dst(%arg15 : memref<16x128xf32, #tpu.memory_space<vmem>>)
        } else {
        }
        %sub3A_156 = arith.subi %scan3A_53, %mul3A_146 : i32
        %min3A = arith.constant 16 : i32
        %min3A_157 = arith.minsi %sub3A_156, %min3A : i32
        %while3A_158 = arith.constant 0 : i32
        %while3A_159 = arith.constant 0 : i32
        %while3A_160 = arith.subi %min3A_157, %while3A_159 : i32
        %while3A_161 = arith.addi %while3A_159, %while3A_160 : i32
        %while3A_162 = arith.constant 1 : i32
        %while3A_163 = arith.divsi %while3A_160, %while3A_162 : i32
        %while3A_164 = arith.muli %while3A_163, %while3A_162 : i32
        %while3A_165 = arith.addi %while3A_159, %while3A_164 : i32
        %while3A_166 = arith.constant 1 : i32
        scf.for %while3A_168 = %while3A_159 to %while3A_165 step %while3A_166  : i32 {
          %add3A_169 = arith.addi %mul3A_146, %while3A_168 : i32
          %get3A = arith.index_cast %add3A_169 : i32 to index
          %get3A_170 = tpu.vector_load %arg9[%get3A] {strides = array<i32>} : memref<528xi32, #tpu.memory_space<vmem>>, vector<16xi32>,
          %slice3A = vector.extract_strided_slice %get3A_170 {offsets = [0], sizes = [1], strides = [1]} : vector<16xi32> to vector<1xi32>
          %squeeze3A = vector.extract %slice3A[0] : i32 from vector<1xi32>
          %broadcast_in_dim3A_171 = vector.broadcast %squeeze3A : i32 to vector<16xi32>
          %broadcast_in_dim3A_172 = vector.broadcast %while3A_168 : i32 to vector<16xi32>
          %add3A_173 = arith.constant 0 : i32
          %add3A_174 = vector.broadcast %add3A_173 : i32 to vector<16xi32>
          %add3A_175 = arith.addi %add3A_174, %iota3A : vector<16xi32>
          %gather3A = tpu.vector_load_idx %arg15[%broadcast_in_dim3A_172, %add3A_175] : memref<16x128xf32, #tpu.memory_space<vmem>>[vector<16xi32>, vector<16xi32>], vector<16xf32>,
          %add3A_176 = arith.constant 0 : i32
          %add3A_177 = vector.broadcast %add3A_176 : i32 to vector<16xi32>
          %add3A_178 = arith.addi %add3A_177, %iota3A : vector<16xi32>
          tpu.vector_store_idx %arg13[%add3A_178, %broadcast_in_dim3A_171], %gather3A : memref<64x512xf32, #tpu.memory_space<vmem>>[vector<16xi32>, vector<16xi32>], vector<16xf32>,
          %add3A_179 = arith.constant 16 : i32
          %add3A_180 = vector.broadcast %add3A_179 : i32 to vector<16xi32>
          %add3A_181 = arith.addi %add3A_180, %iota3A : vector<16xi32>
          %gather3A_182 = tpu.vector_load_idx %arg15[%broadcast_in_dim3A_172, %add3A_181] : memref<16x128xf32, #tpu.memory_space<vmem>>[vector<16xi32>, vector<16xi32>], vector<16xf32>,
          %add3A_183 = arith.constant 16 : i32
          %add3A_184 = vector.broadcast %add3A_183 : i32 to vector<16xi32>
          %add3A_185 = arith.addi %add3A_184, %iota3A : vector<16xi32>
          tpu.vector_store_idx %arg13[%add3A_185, %broadcast_in_dim3A_171], %gather3A_182 : memref<64x512xf32, #tpu.memory_space<vmem>>[vector<16xi32>, vector<16xi32>], vector<16xf32>,
          %add3A_186 = arith.constant 32 : i32
          %add3A_187 = vector.broadcast %add3A_186 : i32 to vector<16xi32>
          %add3A_188 = arith.addi %add3A_187, %iota3A : vector<16xi32>
          %gather3A_189 = tpu.vector_load_idx %arg15[%broadcast_in_dim3A_172, %add3A_188] : memref<16x128xf32, #tpu.memory_space<vmem>>[vector<16xi32>, vector<16xi32>], vector<16xf32>,
          %add3A_190 = arith.constant 32 : i32
          %add3A_191 = vector.broadcast %add3A_190 : i32 to vector<16xi32>
          %add3A_192 = arith.addi %add3A_191, %iota3A : vector<16xi32>
          tpu.vector_store_idx %arg13[%add3A_192, %broadcast_in_dim3A_171], %gather3A_189 : memref<64x512xf32, #tpu.memory_space<vmem>>[vector<16xi32>, vector<16xi32>], vector<16xf32>,
          %add3A_193 = arith.constant 48 : i32
          %add3A_194 = vector.broadcast %add3A_193 : i32 to vector<16xi32>
          %add3A_195 = arith.addi %add3A_194, %iota3A : vector<16xi32>
          %gather3A_196 = tpu.vector_load_idx %arg15[%broadcast_in_dim3A_172, %add3A_195] : memref<16x128xf32, #tpu.memory_space<vmem>>[vector<16xi32>, vector<16xi32>], vector<16xf32>,
          %add3A_197 = arith.constant 48 : i32
          %add3A_198 = vector.broadcast %add3A_197 : i32 to vector<16xi32>
          %add3A_199 = arith.addi %add3A_198, %iota3A : vector<16xi32>
          tpu.vector_store_idx %arg13[%add3A_199, %broadcast_in_dim3A_171], %gather3A_196 : memref<64x512xf32, #tpu.memory_space<vmem>>[vector<16xi32>, vector<16xi32>], vector<16xf32>,
        }
        %while3A_167 = arith.constant 1 : i32
        scf.for %while3A_168 = %while3A_165 to %while3A_161 step %while3A_167  : i32 {
          %add3A_169 = arith.addi %mul3A_146, %while3A_168 : i32
          %get3A = arith.index_cast %add3A_169 : i32 to index
          %get3A_170 = tpu.vector_load %arg9[%get3A] {strides = array<i32>} : memref<528xi32, #tpu.memory_space<vmem>>, vector<16xi32>,
          %slice3A = vector.extract_strided_slice %get3A_170 {offsets = [0], sizes = [1], strides = [1]} : vector<16xi32> to vector<1xi32>
          %squeeze3A = vector.extract %slice3A[0] : i32 from vector<1xi32>
          %broadcast_in_dim3A_171 = vector.broadcast %squeeze3A : i32 to vector<16xi32>
          %broadcast_in_dim3A_172 = vector.broadcast %while3A_168 : i32 to vector<16xi32>
          %add3A_173 = arith.constant 0 : i32
          %add3A_174 = vector.broadcast %add3A_173 : i32 to vector<16xi32>
          %add3A_175 = arith.addi %add3A_174, %iota3A : vector<16xi32>
          %gather3A = tpu.vector_load_idx %arg15[%broadcast_in_dim3A_172, %add3A_175] : memref<16x128xf32, #tpu.memory_space<vmem>>[vector<16xi32>, vector<16xi32>], vector<16xf32>,
          %add3A_176 = arith.constant 0 : i32
          %add3A_177 = vector.broadcast %add3A_176 : i32 to vector<16xi32>
          %add3A_178 = arith.addi %add3A_177, %iota3A : vector<16xi32>
          tpu.vector_store_idx %arg13[%add3A_178, %broadcast_in_dim3A_171], %gather3A : memref<64x512xf32, #tpu.memory_space<vmem>>[vector<16xi32>, vector<16xi32>], vector<16xf32>,
          %add3A_179 = arith.constant 16 : i32
          %add3A_180 = vector.broadcast %add3A_179 : i32 to vector<16xi32>
          %add3A_181 = arith.addi %add3A_180, %iota3A : vector<16xi32>
          %gather3A_182 = tpu.vector_load_idx %arg15[%broadcast_in_dim3A_172, %add3A_181] : memref<16x128xf32, #tpu.memory_space<vmem>>[vector<16xi32>, vector<16xi32>], vector<16xf32>,
          %add3A_183 = arith.constant 16 : i32
          %add3A_184 = vector.broadcast %add3A_183 : i32 to vector<16xi32>
          %add3A_185 = arith.addi %add3A_184, %iota3A : vector<16xi32>
          tpu.vector_store_idx %arg13[%add3A_185, %broadcast_in_dim3A_171], %gather3A_182 : memref<64x512xf32, #tpu.memory_space<vmem>>[vector<16xi32>, vector<16xi32>], vector<16xf32>,
          %add3A_186 = arith.constant 32 : i32
          %add3A_187 = vector.broadcast %add3A_186 : i32 to vector<16xi32>
          %add3A_188 = arith.addi %add3A_187, %iota3A : vector<16xi32>
          %gather3A_189 = tpu.vector_load_idx %arg15[%broadcast_in_dim3A_172, %add3A_188] : memref<16x128xf32, #tpu.memory_space<vmem>>[vector<16xi32>, vector<16xi32>], vector<16xf32>,
          %add3A_190 = arith.constant 32 : i32
          %add3A_191 = vector.broadcast %add3A_190 : i32 to vector<16xi32>
          %add3A_192 = arith.addi %add3A_191, %iota3A : vector<16xi32>
          tpu.vector_store_idx %arg13[%add3A_192, %broadcast_in_dim3A_171], %gather3A_189 : memref<64x512xf32, #tpu.memory_space<vmem>>[vector<16xi32>, vector<16xi32>], vector<16xf32>,
          %add3A_193 = arith.constant 48 : i32
          %add3A_194 = vector.broadcast %add3A_193 : i32 to vector<16xi32>
          %add3A_195 = arith.addi %add3A_194, %iota3A : vector<16xi32>
          %gather3A_196 = tpu.vector_load_idx %arg15[%broadcast_in_dim3A_172, %add3A_195] : memref<16x128xf32, #tpu.memory_space<vmem>>[vector<16xi32>, vector<16xi32>], vector<16xf32>,
          %add3A_197 = arith.constant 48 : i32
          %add3A_198 = vector.broadcast %add3A_197 : i32 to vector<16xi32>
          %add3A_199 = arith.addi %add3A_198, %iota3A : vector<16xi32>
          tpu.vector_store_idx %arg13[%add3A_199, %broadcast_in_dim3A_171], %gather3A_196 : memref<64x512xf32, #tpu.memory_space<vmem>>[vector<16xi32>, vector<16xi32>], vector<16xf32>,
        }
      }
      %while3A_91 = arith.constant 1 : i32
      scf.for %while3A_144 = %while3A_89 to %while3A_85 step %while3A_91  : i32 {
        %mul3A_145 = arith.constant 16 : i32
        %mul3A_146 = arith.muli %while3A_144, %mul3A_145 : i32
        %eq3A_147 = arith.constant 0 : i32
        %eq3A_148 = arith.cmpi eq, %while3A_144, %eq3A_147 : i32
        %convert_element_type3A_149 = arith.extui %eq3A_148 : i1 to i32
        %cond3A_150 = arith.constant 0 : i32
        %cond3A_151 = arith.cmpi ne, %convert_element_type3A_149, %cond3A_150 : i32
        scf.if %cond3A_151 {
          %dma_wait3A_168 = arith.constant 0 : i32
          %dma_wait3A_169 = arith.constant 0 : i32
          %dma_wait3A_170 = tpu.memref_slice %arg4[%dma_wait3A_168, %dma_wait3A_169] : memref<16384x128xf32, #tpu.memory_space<hbm>> -> memref<16384x128xf32, #tpu.memory_space<hbm>>
          tpu.wait_indirect_dma semaphore(%arg20 : memref<!tpu.dma_semaphore, #tpu.memory_space<semaphore_mem>>) src(%dma_wait3A_170 : memref<16384x128xf32, #tpu.memory_space<hbm>>) dst(%arg15 : memref<16x128xf32, #tpu.memory_space<vmem>>)
        } else {
        }
        %ge3A = arith.constant 1 : i32
        %ge3A_152 = arith.cmpi sge, %while3A_144, %ge3A : i32
        %convert_element_type3A_153 = arith.extui %ge3A_152 : i1 to i32
        %cond3A_154 = arith.constant 0 : i32
        %cond3A_155 = arith.cmpi ne, %convert_element_type3A_153, %cond3A_154 : i32
        scf.if %cond3A_155 {
          %get3A = arith.index_cast %mul3A_146 : i32 to index
          %get3A_168 = tpu.vector_load %arg10[%get3A] {strides = array<i32>} : memref<528xi32, #tpu.memory_space<vmem>>, vector<16xi32>,
          %sub3A_169 = arith.subi %scan3A_53, %mul3A_146 : i32
          %lt3A = vector.broadcast %sub3A_169 : i32 to vector<16xi32>
          %lt3A_170 = arith.cmpi slt, %iota3A, %lt3A : vector<16xi32>
          %slice3A = vector.extract_strided_slice %get3A_168 {offsets = [0], sizes = [1], strides = [1]} : vector<16xi32> to vector<1xi32>
          %squeeze3A = vector.extract %slice3A[0] : i32 from vector<1xi32>
          %broadcast_in_dim3A_171 = vector.broadcast %squeeze3A : i32 to vector<16xi32>
          %select_n3A_172 = arith.select %lt3A_170, %get3A_168, %broadcast_in_dim3A_171 : vector<16xi1>, vector<16xi32>
          %dma_start3A_173 = arith.constant 0 : i32
          %dma_start3A_174 = arith.constant 0 : i32
          %dma_start3A_175 = tpu.memref_slice %arg4[%dma_start3A_173, %dma_start3A_174] : memref<16384x128xf32, #tpu.memory_space<hbm>> -> memref<16384x128xf32, #tpu.memory_space<hbm>>
          tpu.enqueue_indirect_dma source(%dma_start3A_175 : memref<16384x128xf32, #tpu.memory_space<hbm>>) target(%arg15 : memref<16x128xf32, #tpu.memory_space<vmem>>) offsets(%select_n3A_172 : vector<16xi32>) semaphore(%arg20 : memref<!tpu.dma_semaphore, #tpu.memory_space<semaphore_mem>>)
          %dma_wait3A_176 = arith.constant 0 : i32
          %dma_wait3A_177 = arith.constant 0 : i32
          %dma_wait3A_178 = tpu.memref_slice %arg4[%dma_wait3A_176, %dma_wait3A_177] : memref<16384x128xf32, #tpu.memory_space<hbm>> -> memref<16384x128xf32, #tpu.memory_space<hbm>>
          tpu.wait_indirect_dma semaphore(%arg20 : memref<!tpu.dma_semaphore, #tpu.memory_space<semaphore_mem>>) src(%dma_wait3A_178 : memref<16384x128xf32, #tpu.memory_space<hbm>>) dst(%arg15 : memref<16x128xf32, #tpu.memory_space<vmem>>)
        } else {
        }
        %sub3A_156 = arith.subi %scan3A_53, %mul3A_146 : i32
        %min3A = arith.constant 16 : i32
        %min3A_157 = arith.minsi %sub3A_156, %min3A : i32
        %while3A_158 = arith.constant 0 : i32
        %while3A_159 = arith.constant 0 : i32
        %while3A_160 = arith.subi %min3A_157, %while3A_159 : i32
        %while3A_161 = arith.addi %while3A_159, %while3A_160 : i32
        %while3A_162 = arith.constant 1 : i32
        %while3A_163 = arith.divsi %while3A_160, %while3A_162 : i32
        %while3A_164 = arith.muli %while3A_163, %while3A_162 : i32
        %while3A_165 = arith.addi %while3A_159, %while3A_164 : i32
        %while3A_166 = arith.constant 1 : i32
        scf.for %while3A_168 = %while3A_159 to %while3A_165 step %while3A_166  : i32 {
          %add3A_169 = arith.addi %mul3A_146, %while3A_168 : i32
          %get3A = arith.index_cast %add3A_169 : i32 to index
          %get3A_170 = tpu.vector_load %arg9[%get3A] {strides = array<i32>} : memref<528xi32, #tpu.memory_space<vmem>>, vector<16xi32>,
          %slice3A = vector.extract_strided_slice %get3A_170 {offsets = [0], sizes = [1], strides = [1]} : vector<16xi32> to vector<1xi32>
          %squeeze3A = vector.extract %slice3A[0] : i32 from vector<1xi32>
          %broadcast_in_dim3A_171 = vector.broadcast %squeeze3A : i32 to vector<16xi32>
          %broadcast_in_dim3A_172 = vector.broadcast %while3A_168 : i32 to vector<16xi32>
          %add3A_173 = arith.constant 0 : i32
          %add3A_174 = vector.broadcast %add3A_173 : i32 to vector<16xi32>
          %add3A_175 = arith.addi %add3A_174, %iota3A : vector<16xi32>
          %gather3A = tpu.vector_load_idx %arg15[%broadcast_in_dim3A_172, %add3A_175] : memref<16x128xf32, #tpu.memory_space<vmem>>[vector<16xi32>, vector<16xi32>], vector<16xf32>,
          %add3A_176 = arith.constant 0 : i32
          %add3A_177 = vector.broadcast %add3A_176 : i32 to vector<16xi32>
          %add3A_178 = arith.addi %add3A_177, %iota3A : vector<16xi32>
          tpu.vector_store_idx %arg13[%add3A_178, %broadcast_in_dim3A_171], %gather3A : memref<64x512xf32, #tpu.memory_space<vmem>>[vector<16xi32>, vector<16xi32>], vector<16xf32>,
          %add3A_179 = arith.constant 16 : i32
          %add3A_180 = vector.broadcast %add3A_179 : i32 to vector<16xi32>
          %add3A_181 = arith.addi %add3A_180, %iota3A : vector<16xi32>
          %gather3A_182 = tpu.vector_load_idx %arg15[%broadcast_in_dim3A_172, %add3A_181] : memref<16x128xf32, #tpu.memory_space<vmem>>[vector<16xi32>, vector<16xi32>], vector<16xf32>,
          %add3A_183 = arith.constant 16 : i32
          %add3A_184 = vector.broadcast %add3A_183 : i32 to vector<16xi32>
          %add3A_185 = arith.addi %add3A_184, %iota3A : vector<16xi32>
          tpu.vector_store_idx %arg13[%add3A_185, %broadcast_in_dim3A_171], %gather3A_182 : memref<64x512xf32, #tpu.memory_space<vmem>>[vector<16xi32>, vector<16xi32>], vector<16xf32>,
          %add3A_186 = arith.constant 32 : i32
          %add3A_187 = vector.broadcast %add3A_186 : i32 to vector<16xi32>
          %add3A_188 = arith.addi %add3A_187, %iota3A : vector<16xi32>
          %gather3A_189 = tpu.vector_load_idx %arg15[%broadcast_in_dim3A_172, %add3A_188] : memref<16x128xf32, #tpu.memory_space<vmem>>[vector<16xi32>, vector<16xi32>], vector<16xf32>,
          %add3A_190 = arith.constant 32 : i32
          %add3A_191 = vector.broadcast %add3A_190 : i32 to vector<16xi32>
          %add3A_192 = arith.addi %add3A_191, %iota3A : vector<16xi32>
          tpu.vector_store_idx %arg13[%add3A_192, %broadcast_in_dim3A_171], %gather3A_189 : memref<64x512xf32, #tpu.memory_space<vmem>>[vector<16xi32>, vector<16xi32>], vector<16xf32>,
          %add3A_193 = arith.constant 48 : i32
          %add3A_194 = vector.broadcast %add3A_193 : i32 to vector<16xi32>
          %add3A_195 = arith.addi %add3A_194, %iota3A : vector<16xi32>
          %gather3A_196 = tpu.vector_load_idx %arg15[%broadcast_in_dim3A_172, %add3A_195] : memref<16x128xf32, #tpu.memory_space<vmem>>[vector<16xi32>, vector<16xi32>], vector<16xf32>,
          %add3A_197 = arith.constant 48 : i32
          %add3A_198 = vector.broadcast %add3A_197 : i32 to vector<16xi32>
          %add3A_199 = arith.addi %add3A_198, %iota3A : vector<16xi32>
          tpu.vector_store_idx %arg13[%add3A_199, %broadcast_in_dim3A_171], %gather3A_196 : memref<64x512xf32, #tpu.memory_space<vmem>>[vector<16xi32>, vector<16xi32>], vector<16xf32>,
        }
        %while3A_167 = arith.constant 1 : i32
        scf.for %while3A_168 = %while3A_165 to %while3A_161 step %while3A_167  : i32 {
          %add3A_169 = arith.addi %mul3A_146, %while3A_168 : i32
          %get3A = arith.index_cast %add3A_169 : i32 to index
          %get3A_170 = tpu.vector_load %arg9[%get3A] {strides = array<i32>} : memref<528xi32, #tpu.memory_space<vmem>>, vector<16xi32>,
          %slice3A = vector.extract_strided_slice %get3A_170 {offsets = [0], sizes = [1], strides = [1]} : vector<16xi32> to vector<1xi32>
          %squeeze3A = vector.extract %slice3A[0] : i32 from vector<1xi32>
          %broadcast_in_dim3A_171 = vector.broadcast %squeeze3A : i32 to vector<16xi32>
          %broadcast_in_dim3A_172 = vector.broadcast %while3A_168 : i32 to vector<16xi32>
          %add3A_173 = arith.constant 0 : i32
          %add3A_174 = vector.broadcast %add3A_173 : i32 to vector<16xi32>
          %add3A_175 = arith.addi %add3A_174, %iota3A : vector<16xi32>
          %gather3A = tpu.vector_load_idx %arg15[%broadcast_in_dim3A_172, %add3A_175] : memref<16x128xf32, #tpu.memory_space<vmem>>[vector<16xi32>, vector<16xi32>], vector<16xf32>,
          %add3A_176 = arith.constant 0 : i32
          %add3A_177 = vector.broadcast %add3A_176 : i32 to vector<16xi32>
          %add3A_178 = arith.addi %add3A_177, %iota3A : vector<16xi32>
          tpu.vector_store_idx %arg13[%add3A_178, %broadcast_in_dim3A_171], %gather3A : memref<64x512xf32, #tpu.memory_space<vmem>>[vector<16xi32>, vector<16xi32>], vector<16xf32>,
          %add3A_179 = arith.constant 16 : i32
          %add3A_180 = vector.broadcast %add3A_179 : i32 to vector<16xi32>
          %add3A_181 = arith.addi %add3A_180, %iota3A : vector<16xi32>
          %gather3A_182 = tpu.vector_load_idx %arg15[%broadcast_in_dim3A_172, %add3A_181] : memref<16x128xf32, #tpu.memory_space<vmem>>[vector<16xi32>, vector<16xi32>], vector<16xf32>,
          %add3A_183 = arith.constant 16 : i32
          %add3A_184 = vector.broadcast %add3A_183 : i32 to vector<16xi32>
          %add3A_185 = arith.addi %add3A_184, %iota3A : vector<16xi32>
          tpu.vector_store_idx %arg13[%add3A_185, %broadcast_in_dim3A_171], %gather3A_182 : memref<64x512xf32, #tpu.memory_space<vmem>>[vector<16xi32>, vector<16xi32>], vector<16xf32>,
          %add3A_186 = arith.constant 32 : i32
          %add3A_187 = vector.broadcast %add3A_186 : i32 to vector<16xi32>
          %add3A_188 = arith.addi %add3A_187, %iota3A : vector<16xi32>
          %gather3A_189 = tpu.vector_load_idx %arg15[%broadcast_in_dim3A_172, %add3A_188] : memref<16x128xf32, #tpu.memory_space<vmem>>[vector<16xi32>, vector<16xi32>], vector<16xf32>,
          %add3A_190 = arith.constant 32 : i32
          %add3A_191 = vector.broadcast %add3A_190 : i32 to vector<16xi32>
          %add3A_192 = arith.addi %add3A_191, %iota3A : vector<16xi32>
          tpu.vector_store_idx %arg13[%add3A_192, %broadcast_in_dim3A_171], %gather3A_189 : memref<64x512xf32, #tpu.memory_space<vmem>>[vector<16xi32>, vector<16xi32>], vector<16xf32>,
          %add3A_193 = arith.constant 48 : i32
          %add3A_194 = vector.broadcast %add3A_193 : i32 to vector<16xi32>
          %add3A_195 = arith.addi %add3A_194, %iota3A : vector<16xi32>
          %gather3A_196 = tpu.vector_load_idx %arg15[%broadcast_in_dim3A_172, %add3A_195] : memref<16x128xf32, #tpu.memory_space<vmem>>[vector<16xi32>, vector<16xi32>], vector<16xf32>,
          %add3A_197 = arith.constant 48 : i32
          %add3A_198 = vector.broadcast %add3A_197 : i32 to vector<16xi32>
          %add3A_199 = arith.addi %add3A_198, %iota3A : vector<16xi32>
          tpu.vector_store_idx %arg13[%add3A_199, %broadcast_in_dim3A_171], %gather3A_196 : memref<64x512xf32, #tpu.memory_space<vmem>>[vector<16xi32>, vector<16xi32>], vector<16xf32>,
        }
      }
      "tpu.region"() ({
        %run_scoped3A = tpu.sem_alloc : memref<!tpu.dma_semaphore, #tpu.memory_space<semaphore_mem>>
        %dma_start3A_144 = arith.constant 0 : i32
        %dma_start3A_145 = arith.constant 999424 : i32
        %dma_start3A_146 = tpu.memref_slice %arg5[%dma_start3A_144, %dma_start3A_145] : memref<64x1000000xf32, #tpu.memory_space<hbm>> -> memref<64x512xf32, #tpu.memory_space<hbm>>
        %dma_start3A_147 = arith.constant 0 : i32
        %dma_start3A_148 = arith.constant 999424 : i32
        %dma_start3A_149 = tpu.memref_slice %arg5[%dma_start3A_147, %dma_start3A_148] : memref<64x1000000xf32, #tpu.memory_space<hbm>> -> memref<64x512xf32, #tpu.memory_space<hbm>>
        tpu.enqueue_dma source(%arg13 : memref<64x512xf32, #tpu.memory_space<vmem>>) target(%dma_start3A_149 : memref<64x512xf32, #tpu.memory_space<hbm>>) target_semaphore(%run_scoped3A : memref<!tpu.dma_semaphore, #tpu.memory_space<semaphore_mem>>)
        %dma_wait3A_150 = arith.constant 0 : i32
        %dma_wait3A_151 = arith.constant 999424 : i32
        %dma_wait3A_152 = tpu.memref_slice %arg5[%dma_wait3A_150, %dma_wait3A_151] : memref<64x1000000xf32, #tpu.memory_space<hbm>> -> memref<64x512xf32, #tpu.memory_space<hbm>>
        %dma_wait3A_153 = arith.constant 0 : i32
        %dma_wait3A_154 = arith.constant 999424 : i32
        %dma_wait3A_155 = tpu.memref_slice %arg5[%dma_wait3A_153, %dma_wait3A_154] : memref<64x1000000xf32, #tpu.memory_space<hbm>> -> memref<64x512xf32, #tpu.memory_space<hbm>>
        tpu.wait_dma2 semaphore(%run_scoped3A : memref<!tpu.dma_semaphore, #tpu.memory_space<semaphore_mem>>) src(%arg13 : memref<64x512xf32, #tpu.memory_space<vmem>>) dst(%dma_wait3A_155 : memref<64x512xf32, #tpu.memory_space<hbm>>)
        tpu.yield
      }) : () -> ()
      "tpu.region"() ({
        %run_scoped3A = tpu.sem_alloc : memref<!tpu.dma_semaphore, #tpu.memory_space<semaphore_mem>>
        %dma_start3A_144 = arith.constant 0 : i32
        %dma_start3A_145 = arith.constant 999936 : i32
        %dma_start3A_146 = tpu.memref_slice %arg2[%dma_start3A_144, %dma_start3A_145] : memref<64x1000000xf32, #tpu.memory_space<hbm>> -> memref<64x64xf32, #tpu.memory_space<hbm>>
        %dma_start3A_147 = arith.constant 0 : i32
        %dma_start3A_148 = arith.constant 999936 : i32
        %dma_start3A_149 = tpu.memref_slice %arg2[%dma_start3A_147, %dma_start3A_148] : memref<64x1000000xf32, #tpu.memory_space<hbm>> -> memref<64x64xf32, #tpu.memory_space<hbm>>
        tpu.enqueue_dma source(%dma_start3A_149 : memref<64x64xf32, #tpu.memory_space<hbm>>) target(%arg17 : memref<64x64xf32, #tpu.memory_space<vmem>>) target_semaphore(%run_scoped3A : memref<!tpu.dma_semaphore, #tpu.memory_space<semaphore_mem>>)
        %dma_wait3A_150 = arith.constant 0 : i32
        %dma_wait3A_151 = arith.constant 999936 : i32
        %dma_wait3A_152 = tpu.memref_slice %arg2[%dma_wait3A_150, %dma_wait3A_151] : memref<64x1000000xf32, #tpu.memory_space<hbm>> -> memref<64x64xf32, #tpu.memory_space<hbm>>
        %dma_wait3A_153 = arith.constant 0 : i32
        %dma_wait3A_154 = arith.constant 999936 : i32
        %dma_wait3A_155 = tpu.memref_slice %arg2[%dma_wait3A_153, %dma_wait3A_154] : memref<64x1000000xf32, #tpu.memory_space<hbm>> -> memref<64x64xf32, #tpu.memory_space<hbm>>
        tpu.wait_dma2 semaphore(%run_scoped3A : memref<!tpu.dma_semaphore, #tpu.memory_space<semaphore_mem>>) src(%dma_wait3A_155 : memref<64x64xf32, #tpu.memory_space<hbm>>) dst(%arg17 : memref<64x64xf32, #tpu.memory_space<vmem>>)
        tpu.yield
      }) : () -> ()
      %sub3A_92 = arith.constant 999936 : i32
      %sub3A_93 = arith.subi %sub3A_92, %mul3A_2 : i32
      %scan3A_94 = arith.constant 0 : i32
      %scan3A_95 = arith.constant 0 : i32
      %scan3A_96 = arith.constant 4 : i32
      %scan3A_97 = arith.addi %scan3A_95, %scan3A_96 : i32
      %scan3A_98 = arith.constant 1 : i32
      %scan3A_99 = scf.for %scan3A_144 = %scan3A_95 to %scan3A_97 step %scan3A_98 iter_args(%scan3A_145 = %scan3A_94) -> (i32)  : i32 {
        %mul3A_146 = arith.constant 16 : i32
        %mul3A_147 = arith.muli %scan3A_144, %mul3A_146 : i32
        %add3A_148 = arith.addi %sub3A_93, %mul3A_147 : i32
        %get3A = arith.index_cast %add3A_148 : i32 to index
        %get3A_149 = tpu.vector_load %arg7[%get3A] {strides = array<i32>} : memref<31808xi32, #tpu.memory_space<vmem>>, vector<16xi32>,
        %ge3A = arith.constant 0 : i32
        %ge3A_150 = vector.broadcast %ge3A : i32 to vector<16xi32>
        %ge3A_151 = arith.cmpi sge, %get3A_149, %ge3A_150 : vector<16xi32>
        %mul3A_152 = arith.constant 16 : i32
        %mul3A_153 = arith.muli %scan3A_144, %mul3A_152 : i32
        %add3A_154 = vector.broadcast %mul3A_153 : i32 to vector<16xi32>
        %add3A_155 = arith.addi %add3A_154, %iota3A : vector<16xi32>
        %swap3A_156 = arith.index_cast %scan3A_145 : i32 to index
        %swap3A_157 = tpu.vector_load %arg9[%swap3A_156] masked %ge3A_151 {strides = array<i32>} : memref<528xi32, #tpu.memory_space<vmem>>, vector<16xi32>, vector<16xi1>
        tpu.vector_store %arg9[%swap3A_156], %add3A_155 masked %ge3A_151 {strides = array<i32>} : memref<528xi32, #tpu.memory_space<vmem>>, vector<16xi32>, vector<16xi1>
        %swap3A_158 = arith.index_cast %scan3A_145 : i32 to index
        %swap3A_159 = tpu.vector_load %arg10[%swap3A_158] masked %ge3A_151 {strides = array<i32>} : memref<528xi32, #tpu.memory_space<vmem>>, vector<16xi32>, vector<16xi1>
        tpu.vector_store %arg10[%swap3A_158], %get3A_149 masked %ge3A_151 {strides = array<i32>} : memref<528xi32, #tpu.memory_space<vmem>>, vector<16xi32>, vector<16xi1>
        %convert_element_type3A_160 = arith.extui %ge3A_151 : vector<16xi1> to vector<16xi32>
        %reduce_sum3A = arith.constant true
        %reduce_sum3A_161 = vector.broadcast %reduce_sum3A : i1 to vector<16xi1>
        %reduce_sum3A_162 = tpu.scan <sum>, %convert_element_type3A_160 masked %reduce_sum3A_161 : vector<16xi32>, vector<16xi1> -> vector<16xi32>
        %reduce_sum3A_163 = vector.extract %reduce_sum3A_162[15] : i32 from vector<16xi32>
        %add3A_164 = arith.addi %scan3A_145, %reduce_sum3A_163 : i32
        scf.yield %add3A_164 : i32
      }
      %scan3A_100 = arith.constant 4 : i32
      %gt3A_101 = arith.constant 0 : i32
      %gt3A_102 = arith.cmpi sgt, %scan3A_99, %gt3A_101 : i32
      %convert_element_type3A_103 = arith.extui %gt3A_102 : i1 to i32
      %cond3A_104 = arith.constant 0 : i32
      %cond3A_105 = arith.cmpi ne, %convert_element_type3A_103, %cond3A_104 : i32
      scf.if %cond3A_105 {
        %get3A = arith.constant 0 : index
        %get3A_144 = tpu.vector_load %arg10[%get3A] {strides = array<i32>} : memref<528xi32, #tpu.memory_space<vmem>>, vector<16xi32>,
        %sub3A_145 = arith.constant 0 : i32
        %sub3A_146 = arith.subi %scan3A_99, %sub3A_145 : i32
        %lt3A = vector.broadcast %sub3A_146 : i32 to vector<16xi32>
        %lt3A_147 = arith.cmpi slt, %iota3A, %lt3A : vector<16xi32>
        %slice3A = vector.extract_strided_slice %get3A_144 {offsets = [0], sizes = [1], strides = [1]} : vector<16xi32> to vector<1xi32>
        %squeeze3A = vector.extract %slice3A[0] : i32 from vector<1xi32>
        %broadcast_in_dim3A_148 = vector.broadcast %squeeze3A : i32 to vector<16xi32>
        %select_n3A_149 = arith.select %lt3A_147, %get3A_144, %broadcast_in_dim3A_148 : vector<16xi1>, vector<16xi32>
        %dma_start3A_150 = arith.constant 0 : i32
        %dma_start3A_151 = arith.constant 0 : i32
        %dma_start3A_152 = tpu.memref_slice %arg4[%dma_start3A_150, %dma_start3A_151] : memref<16384x128xf32, #tpu.memory_space<hbm>> -> memref<16384x128xf32, #tpu.memory_space<hbm>>
        tpu.enqueue_indirect_dma source(%dma_start3A_152 : memref<16384x128xf32, #tpu.memory_space<hbm>>) target(%arg15 : memref<16x128xf32, #tpu.memory_space<vmem>>) offsets(%select_n3A_149 : vector<16xi32>) semaphore(%arg20 : memref<!tpu.dma_semaphore, #tpu.memory_space<semaphore_mem>>)
      } else {
      }
      %add3A_106 = arith.constant 16 : i32
      %add3A_107 = arith.addi %scan3A_99, %add3A_106 : i32
      %sub3A_108 = arith.constant 1 : i32
      %sub3A_109 = arith.subi %add3A_107, %sub3A_108 : i32
      %jit3A_110 = arith.constant 16 : i32
      %div3A_111 = arith.divsi %sub3A_109, %jit3A_110 : i32
      %sign3A_112 = arith.constant 0 : i32
      %sign3A_113 = arith.cmpi sgt, %sub3A_109, %sign3A_112 : i32
      %sign3A_114 = arith.extui %sign3A_113 : i1 to i32
      %sign3A_115 = arith.constant 0 : i32
      %sign3A_116 = arith.cmpi slt, %sub3A_109, %sign3A_115 : i32
      %sign3A_117 = arith.extui %sign3A_116 : i1 to i32
      %sign3A_118 = arith.subi %sign3A_114, %sign3A_117 : i32
      %sign3A_119 = arith.constant 0 : i32
      %sign3A_120 = arith.cmpi sgt, %jit3A_110, %sign3A_119 : i32
      %sign3A_121 = arith.extui %sign3A_120 : i1 to i32
      %sign3A_122 = arith.constant 0 : i32
      %sign3A_123 = arith.cmpi slt, %jit3A_110, %sign3A_122 : i32
      %sign3A_124 = arith.extui %sign3A_123 : i1 to i32
      %sign3A_125 = arith.subi %sign3A_121, %sign3A_124 : i32
      %ne3A_126 = arith.cmpi ne, %sign3A_118, %sign3A_125 : i32
      %rem3A_127 = arith.remsi %sub3A_109, %jit3A_110 : i32
      %ne3A_128 = arith.constant 0 : i32
      %ne3A_129 = arith.cmpi ne, %rem3A_127, %ne3A_128 : i32
      %and3A_130 = arith.andi %ne3A_126, %ne3A_129 : i1
      %sub3A_131 = arith.constant 1 : i32
      %sub3A_132 = arith.subi %div3A_111, %sub3A_131 : i32
      %select_n3A_133 = arith.select %and3A_130, %sub3A_132, %div3A_111 : i32
      %while3A_134 = arith.constant 0 : i32
      %while3A_135 = arith.constant 0 : i32
      %while3A_136 = arith.subi %select_n3A_133, %while3A_135 : i32
      %while3A_137 = arith.addi %while3A_135, %while3A_136 : i32
      %while3A_138 = arith.constant 1 : i32
      %while3A_139 = arith.divsi %while3A_136, %while3A_138 : i32
      %while3A_140 = arith.muli %while3A_139, %while3A_138 : i32
      %while3A_141 = arith.addi %while3A_135, %while3A_140 : i32
      %while3A_142 = arith.constant 1 : i32
      scf.for %while3A_144 = %while3A_135 to %while3A_141 step %while3A_142  : i32 {
        %mul3A_145 = arith.constant 16 : i32
        %mul3A_146 = arith.muli %while3A_144, %mul3A_145 : i32
        %eq3A_147 = arith.constant 0 : i32
        %eq3A_148 = arith.cmpi eq, %while3A_144, %eq3A_147 : i32
        %convert_element_type3A_149 = arith.extui %eq3A_148 : i1 to i32
        %cond3A_150 = arith.constant 0 : i32
        %cond3A_151 = arith.cmpi ne, %convert_element_type3A_149, %cond3A_150 : i32
        scf.if %cond3A_151 {
          %dma_wait3A_168 = arith.constant 0 : i32
          %dma_wait3A_169 = arith.constant 0 : i32
          %dma_wait3A_170 = tpu.memref_slice %arg4[%dma_wait3A_168, %dma_wait3A_169] : memref<16384x128xf32, #tpu.memory_space<hbm>> -> memref<16384x128xf32, #tpu.memory_space<hbm>>
          tpu.wait_indirect_dma semaphore(%arg20 : memref<!tpu.dma_semaphore, #tpu.memory_space<semaphore_mem>>) src(%dma_wait3A_170 : memref<16384x128xf32, #tpu.memory_space<hbm>>) dst(%arg15 : memref<16x128xf32, #tpu.memory_space<vmem>>)
        } else {
        }
        %ge3A = arith.constant 1 : i32
        %ge3A_152 = arith.cmpi sge, %while3A_144, %ge3A : i32
        %convert_element_type3A_153 = arith.extui %ge3A_152 : i1 to i32
        %cond3A_154 = arith.constant 0 : i32
        %cond3A_155 = arith.cmpi ne, %convert_element_type3A_153, %cond3A_154 : i32
        scf.if %cond3A_155 {
          %get3A = arith.index_cast %mul3A_146 : i32 to index
          %get3A_168 = tpu.vector_load %arg10[%get3A] {strides = array<i32>} : memref<528xi32, #tpu.memory_space<vmem>>, vector<16xi32>,
          %sub3A_169 = arith.subi %scan3A_99, %mul3A_146 : i32
          %lt3A = vector.broadcast %sub3A_169 : i32 to vector<16xi32>
          %lt3A_170 = arith.cmpi slt, %iota3A, %lt3A : vector<16xi32>
          %slice3A = vector.extract_strided_slice %get3A_168 {offsets = [0], sizes = [1], strides = [1]} : vector<16xi32> to vector<1xi32>
          %squeeze3A = vector.extract %slice3A[0] : i32 from vector<1xi32>
          %broadcast_in_dim3A_171 = vector.broadcast %squeeze3A : i32 to vector<16xi32>
          %select_n3A_172 = arith.select %lt3A_170, %get3A_168, %broadcast_in_dim3A_171 : vector<16xi1>, vector<16xi32>
          %dma_start3A_173 = arith.constant 0 : i32
          %dma_start3A_174 = arith.constant 0 : i32
          %dma_start3A_175 = tpu.memref_slice %arg4[%dma_start3A_173, %dma_start3A_174] : memref<16384x128xf32, #tpu.memory_space<hbm>> -> memref<16384x128xf32, #tpu.memory_space<hbm>>
          tpu.enqueue_indirect_dma source(%dma_start3A_175 : memref<16384x128xf32, #tpu.memory_space<hbm>>) target(%arg15 : memref<16x128xf32, #tpu.memory_space<vmem>>) offsets(%select_n3A_172 : vector<16xi32>) semaphore(%arg20 : memref<!tpu.dma_semaphore, #tpu.memory_space<semaphore_mem>>)
          %dma_wait3A_176 = arith.constant 0 : i32
          %dma_wait3A_177 = arith.constant 0 : i32
          %dma_wait3A_178 = tpu.memref_slice %arg4[%dma_wait3A_176, %dma_wait3A_177] : memref<16384x128xf32, #tpu.memory_space<hbm>> -> memref<16384x128xf32, #tpu.memory_space<hbm>>
          tpu.wait_indirect_dma semaphore(%arg20 : memref<!tpu.dma_semaphore, #tpu.memory_space<semaphore_mem>>) src(%dma_wait3A_178 : memref<16384x128xf32, #tpu.memory_space<hbm>>) dst(%arg15 : memref<16x128xf32, #tpu.memory_space<vmem>>)
        } else {
        }
        %sub3A_156 = arith.subi %scan3A_99, %mul3A_146 : i32
        %min3A = arith.constant 16 : i32
        %min3A_157 = arith.minsi %sub3A_156, %min3A : i32
        %while3A_158 = arith.constant 0 : i32
        %while3A_159 = arith.constant 0 : i32
        %while3A_160 = arith.subi %min3A_157, %while3A_159 : i32
        %while3A_161 = arith.addi %while3A_159, %while3A_160 : i32
        %while3A_162 = arith.constant 1 : i32
        %while3A_163 = arith.divsi %while3A_160, %while3A_162 : i32
        %while3A_164 = arith.muli %while3A_163, %while3A_162 : i32
        %while3A_165 = arith.addi %while3A_159, %while3A_164 : i32
        %while3A_166 = arith.constant 1 : i32
        scf.for %while3A_168 = %while3A_159 to %while3A_165 step %while3A_166  : i32 {
          %add3A_169 = arith.addi %mul3A_146, %while3A_168 : i32
          %get3A = arith.index_cast %add3A_169 : i32 to index
          %get3A_170 = tpu.vector_load %arg9[%get3A] {strides = array<i32>} : memref<528xi32, #tpu.memory_space<vmem>>, vector<16xi32>,
          %slice3A = vector.extract_strided_slice %get3A_170 {offsets = [0], sizes = [1], strides = [1]} : vector<16xi32> to vector<1xi32>
          %squeeze3A = vector.extract %slice3A[0] : i32 from vector<1xi32>
          %broadcast_in_dim3A_171 = vector.broadcast %squeeze3A : i32 to vector<16xi32>
          %broadcast_in_dim3A_172 = vector.broadcast %while3A_168 : i32 to vector<16xi32>
          %add3A_173 = arith.constant 0 : i32
          %add3A_174 = vector.broadcast %add3A_173 : i32 to vector<16xi32>
          %add3A_175 = arith.addi %add3A_174, %iota3A : vector<16xi32>
          %gather3A = tpu.vector_load_idx %arg15[%broadcast_in_dim3A_172, %add3A_175] : memref<16x128xf32, #tpu.memory_space<vmem>>[vector<16xi32>, vector<16xi32>], vector<16xf32>,
          %add3A_176 = arith.constant 0 : i32
          %add3A_177 = vector.broadcast %add3A_176 : i32 to vector<16xi32>
          %add3A_178 = arith.addi %add3A_177, %iota3A : vector<16xi32>
          tpu.vector_store_idx %arg17[%add3A_178, %broadcast_in_dim3A_171], %gather3A : memref<64x64xf32, #tpu.memory_space<vmem>>[vector<16xi32>, vector<16xi32>], vector<16xf32>,
          %add3A_179 = arith.constant 16 : i32
          %add3A_180 = vector.broadcast %add3A_179 : i32 to vector<16xi32>
          %add3A_181 = arith.addi %add3A_180, %iota3A : vector<16xi32>
          %gather3A_182 = tpu.vector_load_idx %arg15[%broadcast_in_dim3A_172, %add3A_181] : memref<16x128xf32, #tpu.memory_space<vmem>>[vector<16xi32>, vector<16xi32>], vector<16xf32>,
          %add3A_183 = arith.constant 16 : i32
          %add3A_184 = vector.broadcast %add3A_183 : i32 to vector<16xi32>
          %add3A_185 = arith.addi %add3A_184, %iota3A : vector<16xi32>
          tpu.vector_store_idx %arg17[%add3A_185, %broadcast_in_dim3A_171], %gather3A_182 : memref<64x64xf32, #tpu.memory_space<vmem>>[vector<16xi32>, vector<16xi32>], vector<16xf32>,
          %add3A_186 = arith.constant 32 : i32
          %add3A_187 = vector.broadcast %add3A_186 : i32 to vector<16xi32>
          %add3A_188 = arith.addi %add3A_187, %iota3A : vector<16xi32>
          %gather3A_189 = tpu.vector_load_idx %arg15[%broadcast_in_dim3A_172, %add3A_188] : memref<16x128xf32, #tpu.memory_space<vmem>>[vector<16xi32>, vector<16xi32>], vector<16xf32>,
          %add3A_190 = arith.constant 32 : i32
          %add3A_191 = vector.broadcast %add3A_190 : i32 to vector<16xi32>
          %add3A_192 = arith.addi %add3A_191, %iota3A : vector<16xi32>
          tpu.vector_store_idx %arg17[%add3A_192, %broadcast_in_dim3A_171], %gather3A_189 : memref<64x64xf32, #tpu.memory_space<vmem>>[vector<16xi32>, vector<16xi32>], vector<16xf32>,
          %add3A_193 = arith.constant 48 : i32
          %add3A_194 = vector.broadcast %add3A_193 : i32 to vector<16xi32>
          %add3A_195 = arith.addi %add3A_194, %iota3A : vector<16xi32>
          %gather3A_196 = tpu.vector_load_idx %arg15[%broadcast_in_dim3A_172, %add3A_195] : memref<16x128xf32, #tpu.memory_space<vmem>>[vector<16xi32>, vector<16xi32>], vector<16xf32>,
          %add3A_197 = arith.constant 48 : i32
          %add3A_198 = vector.broadcast %add3A_197 : i32 to vector<16xi32>
          %add3A_199 = arith.addi %add3A_198, %iota3A : vector<16xi32>
          tpu.vector_store_idx %arg17[%add3A_199, %broadcast_in_dim3A_171], %gather3A_196 : memref<64x64xf32, #tpu.memory_space<vmem>>[vector<16xi32>, vector<16xi32>], vector<16xf32>,
        }
        %while3A_167 = arith.constant 1 : i32
        scf.for %while3A_168 = %while3A_165 to %while3A_161 step %while3A_167  : i32 {
          %add3A_169 = arith.addi %mul3A_146, %while3A_168 : i32
          %get3A = arith.index_cast %add3A_169 : i32 to index
          %get3A_170 = tpu.vector_load %arg9[%get3A] {strides = array<i32>} : memref<528xi32, #tpu.memory_space<vmem>>, vector<16xi32>,
          %slice3A = vector.extract_strided_slice %get3A_170 {offsets = [0], sizes = [1], strides = [1]} : vector<16xi32> to vector<1xi32>
          %squeeze3A = vector.extract %slice3A[0] : i32 from vector<1xi32>
          %broadcast_in_dim3A_171 = vector.broadcast %squeeze3A : i32 to vector<16xi32>
          %broadcast_in_dim3A_172 = vector.broadcast %while3A_168 : i32 to vector<16xi32>
          %add3A_173 = arith.constant 0 : i32
          %add3A_174 = vector.broadcast %add3A_173 : i32 to vector<16xi32>
          %add3A_175 = arith.addi %add3A_174, %iota3A : vector<16xi32>
          %gather3A = tpu.vector_load_idx %arg15[%broadcast_in_dim3A_172, %add3A_175] : memref<16x128xf32, #tpu.memory_space<vmem>>[vector<16xi32>, vector<16xi32>], vector<16xf32>,
          %add3A_176 = arith.constant 0 : i32
          %add3A_177 = vector.broadcast %add3A_176 : i32 to vector<16xi32>
          %add3A_178 = arith.addi %add3A_177, %iota3A : vector<16xi32>
          tpu.vector_store_idx %arg17[%add3A_178, %broadcast_in_dim3A_171], %gather3A : memref<64x64xf32, #tpu.memory_space<vmem>>[vector<16xi32>, vector<16xi32>], vector<16xf32>,
          %add3A_179 = arith.constant 16 : i32
          %add3A_180 = vector.broadcast %add3A_179 : i32 to vector<16xi32>
          %add3A_181 = arith.addi %add3A_180, %iota3A : vector<16xi32>
          %gather3A_182 = tpu.vector_load_idx %arg15[%broadcast_in_dim3A_172, %add3A_181] : memref<16x128xf32, #tpu.memory_space<vmem>>[vector<16xi32>, vector<16xi32>], vector<16xf32>,
          %add3A_183 = arith.constant 16 : i32
          %add3A_184 = vector.broadcast %add3A_183 : i32 to vector<16xi32>
          %add3A_185 = arith.addi %add3A_184, %iota3A : vector<16xi32>
          tpu.vector_store_idx %arg17[%add3A_185, %broadcast_in_dim3A_171], %gather3A_182 : memref<64x64xf32, #tpu.memory_space<vmem>>[vector<16xi32>, vector<16xi32>], vector<16xf32>,
          %add3A_186 = arith.constant 32 : i32
          %add3A_187 = vector.broadcast %add3A_186 : i32 to vector<16xi32>
          %add3A_188 = arith.addi %add3A_187, %iota3A : vector<16xi32>
          %gather3A_189 = tpu.vector_load_idx %arg15[%broadcast_in_dim3A_172, %add3A_188] : memref<16x128xf32, #tpu.memory_space<vmem>>[vector<16xi32>, vector<16xi32>], vector<16xf32>,
          %add3A_190 = arith.constant 32 : i32
          %add3A_191 = vector.broadcast %add3A_190 : i32 to vector<16xi32>
          %add3A_192 = arith.addi %add3A_191, %iota3A : vector<16xi32>
          tpu.vector_store_idx %arg17[%add3A_192, %broadcast_in_dim3A_171], %gather3A_189 : memref<64x64xf32, #tpu.memory_space<vmem>>[vector<16xi32>, vector<16xi32>], vector<16xf32>,
          %add3A_193 = arith.constant 48 : i32
          %add3A_194 = vector.broadcast %add3A_193 : i32 to vector<16xi32>
          %add3A_195 = arith.addi %add3A_194, %iota3A : vector<16xi32>
          %gather3A_196 = tpu.vector_load_idx %arg15[%broadcast_in_dim3A_172, %add3A_195] : memref<16x128xf32, #tpu.memory_space<vmem>>[vector<16xi32>, vector<16xi32>], vector<16xf32>,
          %add3A_197 = arith.constant 48 : i32
          %add3A_198 = vector.broadcast %add3A_197 : i32 to vector<16xi32>
          %add3A_199 = arith.addi %add3A_198, %iota3A : vector<16xi32>
          tpu.vector_store_idx %arg17[%add3A_199, %broadcast_in_dim3A_171], %gather3A_196 : memref<64x64xf32, #tpu.memory_space<vmem>>[vector<16xi32>, vector<16xi32>], vector<16xf32>,
        }
      }
      %while3A_143 = arith.constant 1 : i32
      scf.for %while3A_144 = %while3A_141 to %while3A_137 step %while3A_143  : i32 {
        %mul3A_145 = arith.constant 16 : i32
        %mul3A_146 = arith.muli %while3A_144, %mul3A_145 : i32
        %eq3A_147 = arith.constant 0 : i32
        %eq3A_148 = arith.cmpi eq, %while3A_144, %eq3A_147 : i32
        %convert_element_type3A_149 = arith.extui %eq3A_148 : i1 to i32
        %cond3A_150 = arith.constant 0 : i32
        %cond3A_151 = arith.cmpi ne, %convert_element_type3A_149, %cond3A_150 : i32
        scf.if %cond3A_151 {
          %dma_wait3A_168 = arith.constant 0 : i32
          %dma_wait3A_169 = arith.constant 0 : i32
          %dma_wait3A_170 = tpu.memref_slice %arg4[%dma_wait3A_168, %dma_wait3A_169] : memref<16384x128xf32, #tpu.memory_space<hbm>> -> memref<16384x128xf32, #tpu.memory_space<hbm>>
          tpu.wait_indirect_dma semaphore(%arg20 : memref<!tpu.dma_semaphore, #tpu.memory_space<semaphore_mem>>) src(%dma_wait3A_170 : memref<16384x128xf32, #tpu.memory_space<hbm>>) dst(%arg15 : memref<16x128xf32, #tpu.memory_space<vmem>>)
        } else {
        }
        %ge3A = arith.constant 1 : i32
        %ge3A_152 = arith.cmpi sge, %while3A_144, %ge3A : i32
        %convert_element_type3A_153 = arith.extui %ge3A_152 : i1 to i32
        %cond3A_154 = arith.constant 0 : i32
        %cond3A_155 = arith.cmpi ne, %convert_element_type3A_153, %cond3A_154 : i32
        scf.if %cond3A_155 {
          %get3A = arith.index_cast %mul3A_146 : i32 to index
          %get3A_168 = tpu.vector_load %arg10[%get3A] {strides = array<i32>} : memref<528xi32, #tpu.memory_space<vmem>>, vector<16xi32>,
          %sub3A_169 = arith.subi %scan3A_99, %mul3A_146 : i32
          %lt3A = vector.broadcast %sub3A_169 : i32 to vector<16xi32>
          %lt3A_170 = arith.cmpi slt, %iota3A, %lt3A : vector<16xi32>
          %slice3A = vector.extract_strided_slice %get3A_168 {offsets = [0], sizes = [1], strides = [1]} : vector<16xi32> to vector<1xi32>
          %squeeze3A = vector.extract %slice3A[0] : i32 from vector<1xi32>
          %broadcast_in_dim3A_171 = vector.broadcast %squeeze3A : i32 to vector<16xi32>
          %select_n3A_172 = arith.select %lt3A_170, %get3A_168, %broadcast_in_dim3A_171 : vector<16xi1>, vector<16xi32>
          %dma_start3A_173 = arith.constant 0 : i32
          %dma_start3A_174 = arith.constant 0 : i32
          %dma_start3A_175 = tpu.memref_slice %arg4[%dma_start3A_173, %dma_start3A_174] : memref<16384x128xf32, #tpu.memory_space<hbm>> -> memref<16384x128xf32, #tpu.memory_space<hbm>>
          tpu.enqueue_indirect_dma source(%dma_start3A_175 : memref<16384x128xf32, #tpu.memory_space<hbm>>) target(%arg15 : memref<16x128xf32, #tpu.memory_space<vmem>>) offsets(%select_n3A_172 : vector<16xi32>) semaphore(%arg20 : memref<!tpu.dma_semaphore, #tpu.memory_space<semaphore_mem>>)
          %dma_wait3A_176 = arith.constant 0 : i32
          %dma_wait3A_177 = arith.constant 0 : i32
          %dma_wait3A_178 = tpu.memref_slice %arg4[%dma_wait3A_176, %dma_wait3A_177] : memref<16384x128xf32, #tpu.memory_space<hbm>> -> memref<16384x128xf32, #tpu.memory_space<hbm>>
          tpu.wait_indirect_dma semaphore(%arg20 : memref<!tpu.dma_semaphore, #tpu.memory_space<semaphore_mem>>) src(%dma_wait3A_178 : memref<16384x128xf32, #tpu.memory_space<hbm>>) dst(%arg15 : memref<16x128xf32, #tpu.memory_space<vmem>>)
        } else {
        }
        %sub3A_156 = arith.subi %scan3A_99, %mul3A_146 : i32
        %min3A = arith.constant 16 : i32
        %min3A_157 = arith.minsi %sub3A_156, %min3A : i32
        %while3A_158 = arith.constant 0 : i32
        %while3A_159 = arith.constant 0 : i32
        %while3A_160 = arith.subi %min3A_157, %while3A_159 : i32
        %while3A_161 = arith.addi %while3A_159, %while3A_160 : i32
        %while3A_162 = arith.constant 1 : i32
        %while3A_163 = arith.divsi %while3A_160, %while3A_162 : i32
        %while3A_164 = arith.muli %while3A_163, %while3A_162 : i32
        %while3A_165 = arith.addi %while3A_159, %while3A_164 : i32
        %while3A_166 = arith.constant 1 : i32
        scf.for %while3A_168 = %while3A_159 to %while3A_165 step %while3A_166  : i32 {
          %add3A_169 = arith.addi %mul3A_146, %while3A_168 : i32
          %get3A = arith.index_cast %add3A_169 : i32 to index
          %get3A_170 = tpu.vector_load %arg9[%get3A] {strides = array<i32>} : memref<528xi32, #tpu.memory_space<vmem>>, vector<16xi32>,
          %slice3A = vector.extract_strided_slice %get3A_170 {offsets = [0], sizes = [1], strides = [1]} : vector<16xi32> to vector<1xi32>
          %squeeze3A = vector.extract %slice3A[0] : i32 from vector<1xi32>
          %broadcast_in_dim3A_171 = vector.broadcast %squeeze3A : i32 to vector<16xi32>
          %broadcast_in_dim3A_172 = vector.broadcast %while3A_168 : i32 to vector<16xi32>
          %add3A_173 = arith.constant 0 : i32
          %add3A_174 = vector.broadcast %add3A_173 : i32 to vector<16xi32>
          %add3A_175 = arith.addi %add3A_174, %iota3A : vector<16xi32>
          %gather3A = tpu.vector_load_idx %arg15[%broadcast_in_dim3A_172, %add3A_175] : memref<16x128xf32, #tpu.memory_space<vmem>>[vector<16xi32>, vector<16xi32>], vector<16xf32>,
          %add3A_176 = arith.constant 0 : i32
          %add3A_177 = vector.broadcast %add3A_176 : i32 to vector<16xi32>
          %add3A_178 = arith.addi %add3A_177, %iota3A : vector<16xi32>
          tpu.vector_store_idx %arg17[%add3A_178, %broadcast_in_dim3A_171], %gather3A : memref<64x64xf32, #tpu.memory_space<vmem>>[vector<16xi32>, vector<16xi32>], vector<16xf32>,
          %add3A_179 = arith.constant 16 : i32
          %add3A_180 = vector.broadcast %add3A_179 : i32 to vector<16xi32>
          %add3A_181 = arith.addi %add3A_180, %iota3A : vector<16xi32>
          %gather3A_182 = tpu.vector_load_idx %arg15[%broadcast_in_dim3A_172, %add3A_181] : memref<16x128xf32, #tpu.memory_space<vmem>>[vector<16xi32>, vector<16xi32>], vector<16xf32>,
          %add3A_183 = arith.constant 16 : i32
          %add3A_184 = vector.broadcast %add3A_183 : i32 to vector<16xi32>
          %add3A_185 = arith.addi %add3A_184, %iota3A : vector<16xi32>
          tpu.vector_store_idx %arg17[%add3A_185, %broadcast_in_dim3A_171], %gather3A_182 : memref<64x64xf32, #tpu.memory_space<vmem>>[vector<16xi32>, vector<16xi32>], vector<16xf32>,
          %add3A_186 = arith.constant 32 : i32
          %add3A_187 = vector.broadcast %add3A_186 : i32 to vector<16xi32>
          %add3A_188 = arith.addi %add3A_187, %iota3A : vector<16xi32>
          %gather3A_189 = tpu.vector_load_idx %arg15[%broadcast_in_dim3A_172, %add3A_188] : memref<16x128xf32, #tpu.memory_space<vmem>>[vector<16xi32>, vector<16xi32>], vector<16xf32>,
          %add3A_190 = arith.constant 32 : i32
          %add3A_191 = vector.broadcast %add3A_190 : i32 to vector<16xi32>
          %add3A_192 = arith.addi %add3A_191, %iota3A : vector<16xi32>
          tpu.vector_store_idx %arg17[%add3A_192, %broadcast_in_dim3A_171], %gather3A_189 : memref<64x64xf32, #tpu.memory_space<vmem>>[vector<16xi32>, vector<16xi32>], vector<16xf32>,
          %add3A_193 = arith.constant 48 : i32
          %add3A_194 = vector.broadcast %add3A_193 : i32 to vector<16xi32>
          %add3A_195 = arith.addi %add3A_194, %iota3A : vector<16xi32>
          %gather3A_196 = tpu.vector_load_idx %arg15[%broadcast_in_dim3A_172, %add3A_195] : memref<16x128xf32, #tpu.memory_space<vmem>>[vector<16xi32>, vector<16xi32>], vector<16xf32>,
          %add3A_197 = arith.constant 48 : i32
          %add3A_198 = vector.broadcast %add3A_197 : i32 to vector<16xi32>
          %add3A_199 = arith.addi %add3A_198, %iota3A : vector<16xi32>
          tpu.vector_store_idx %arg17[%add3A_199, %broadcast_in_dim3A_171], %gather3A_196 : memref<64x64xf32, #tpu.memory_space<vmem>>[vector<16xi32>, vector<16xi32>], vector<16xf32>,
        }
        %while3A_167 = arith.constant 1 : i32
        scf.for %while3A_168 = %while3A_165 to %while3A_161 step %while3A_167  : i32 {
          %add3A_169 = arith.addi %mul3A_146, %while3A_168 : i32
          %get3A = arith.index_cast %add3A_169 : i32 to index
          %get3A_170 = tpu.vector_load %arg9[%get3A] {strides = array<i32>} : memref<528xi32, #tpu.memory_space<vmem>>, vector<16xi32>,
          %slice3A = vector.extract_strided_slice %get3A_170 {offsets = [0], sizes = [1], strides = [1]} : vector<16xi32> to vector<1xi32>
          %squeeze3A = vector.extract %slice3A[0] : i32 from vector<1xi32>
          %broadcast_in_dim3A_171 = vector.broadcast %squeeze3A : i32 to vector<16xi32>
          %broadcast_in_dim3A_172 = vector.broadcast %while3A_168 : i32 to vector<16xi32>
          %add3A_173 = arith.constant 0 : i32
          %add3A_174 = vector.broadcast %add3A_173 : i32 to vector<16xi32>
          %add3A_175 = arith.addi %add3A_174, %iota3A : vector<16xi32>
          %gather3A = tpu.vector_load_idx %arg15[%broadcast_in_dim3A_172, %add3A_175] : memref<16x128xf32, #tpu.memory_space<vmem>>[vector<16xi32>, vector<16xi32>], vector<16xf32>,
          %add3A_176 = arith.constant 0 : i32
          %add3A_177 = vector.broadcast %add3A_176 : i32 to vector<16xi32>
          %add3A_178 = arith.addi %add3A_177, %iota3A : vector<16xi32>
          tpu.vector_store_idx %arg17[%add3A_178, %broadcast_in_dim3A_171], %gather3A : memref<64x64xf32, #tpu.memory_space<vmem>>[vector<16xi32>, vector<16xi32>], vector<16xf32>,
          %add3A_179 = arith.constant 16 : i32
          %add3A_180 = vector.broadcast %add3A_179 : i32 to vector<16xi32>
          %add3A_181 = arith.addi %add3A_180, %iota3A : vector<16xi32>
          %gather3A_182 = tpu.vector_load_idx %arg15[%broadcast_in_dim3A_172, %add3A_181] : memref<16x128xf32, #tpu.memory_space<vmem>>[vector<16xi32>, vector<16xi32>], vector<16xf32>,
          %add3A_183 = arith.constant 16 : i32
          %add3A_184 = vector.broadcast %add3A_183 : i32 to vector<16xi32>
          %add3A_185 = arith.addi %add3A_184, %iota3A : vector<16xi32>
          tpu.vector_store_idx %arg17[%add3A_185, %broadcast_in_dim3A_171], %gather3A_182 : memref<64x64xf32, #tpu.memory_space<vmem>>[vector<16xi32>, vector<16xi32>], vector<16xf32>,
          %add3A_186 = arith.constant 32 : i32
          %add3A_187 = vector.broadcast %add3A_186 : i32 to vector<16xi32>
          %add3A_188 = arith.addi %add3A_187, %iota3A : vector<16xi32>
          %gather3A_189 = tpu.vector_load_idx %arg15[%broadcast_in_dim3A_172, %add3A_188] : memref<16x128xf32, #tpu.memory_space<vmem>>[vector<16xi32>, vector<16xi32>], vector<16xf32>,
          %add3A_190 = arith.constant 32 : i32
          %add3A_191 = vector.broadcast %add3A_190 : i32 to vector<16xi32>
          %add3A_192 = arith.addi %add3A_191, %iota3A : vector<16xi32>
          tpu.vector_store_idx %arg17[%add3A_192, %broadcast_in_dim3A_171], %gather3A_189 : memref<64x64xf32, #tpu.memory_space<vmem>>[vector<16xi32>, vector<16xi32>], vector<16xf32>,
          %add3A_193 = arith.constant 48 : i32
          %add3A_194 = vector.broadcast %add3A_193 : i32 to vector<16xi32>
          %add3A_195 = arith.addi %add3A_194, %iota3A : vector<16xi32>
          %gather3A_196 = tpu.vector_load_idx %arg15[%broadcast_in_dim3A_172, %add3A_195] : memref<16x128xf32, #tpu.memory_space<vmem>>[vector<16xi32>, vector<16xi32>], vector<16xf32>,
          %add3A_197 = arith.constant 48 : i32
          %add3A_198 = vector.broadcast %add3A_197 : i32 to vector<16xi32>
          %add3A_199 = arith.addi %add3A_198, %iota3A : vector<16xi32>
          tpu.vector_store_idx %arg17[%add3A_199, %broadcast_in_dim3A_171], %gather3A_196 : memref<64x64xf32, #tpu.memory_space<vmem>>[vector<16xi32>, vector<16xi32>], vector<16xf32>,
        }
      }
      "tpu.region"() ({
        %run_scoped3A = tpu.sem_alloc : memref<!tpu.dma_semaphore, #tpu.memory_space<semaphore_mem>>
        %dma_start3A_144 = arith.constant 0 : i32
        %dma_start3A_145 = arith.constant 999936 : i32
        %dma_start3A_146 = tpu.memref_slice %arg5[%dma_start3A_144, %dma_start3A_145] : memref<64x1000000xf32, #tpu.memory_space<hbm>> -> memref<64x64xf32, #tpu.memory_space<hbm>>
        %dma_start3A_147 = arith.constant 0 : i32
        %dma_start3A_148 = arith.constant 999936 : i32
        %dma_start3A_149 = tpu.memref_slice %arg5[%dma_start3A_147, %dma_start3A_148] : memref<64x1000000xf32, #tpu.memory_space<hbm>> -> memref<64x64xf32, #tpu.memory_space<hbm>>
        tpu.enqueue_dma source(%arg17 : memref<64x64xf32, #tpu.memory_space<vmem>>) target(%dma_start3A_149 : memref<64x64xf32, #tpu.memory_space<hbm>>) target_semaphore(%run_scoped3A : memref<!tpu.dma_semaphore, #tpu.memory_space<semaphore_mem>>)
        %dma_wait3A_150 = arith.constant 0 : i32
        %dma_wait3A_151 = arith.constant 999936 : i32
        %dma_wait3A_152 = tpu.memref_slice %arg5[%dma_wait3A_150, %dma_wait3A_151] : memref<64x1000000xf32, #tpu.memory_space<hbm>> -> memref<64x64xf32, #tpu.memory_space<hbm>>
        %dma_wait3A_153 = arith.constant 0 : i32
        %dma_wait3A_154 = arith.constant 999936 : i32
        %dma_wait3A_155 = tpu.memref_slice %arg5[%dma_wait3A_153, %dma_wait3A_154] : memref<64x1000000xf32, #tpu.memory_space<hbm>> -> memref<64x64xf32, #tpu.memory_space<hbm>>
        tpu.wait_dma2 semaphore(%run_scoped3A : memref<!tpu.dma_semaphore, #tpu.memory_space<semaphore_mem>>) src(%arg17 : memref<64x64xf32, #tpu.memory_space<vmem>>) dst(%dma_wait3A_155 : memref<64x64xf32, #tpu.memory_space<hbm>>)
        tpu.yield
      }) : () -> ()
    } else {
    }
    return
  }
}

</mosaic_0001>

<sc_bundles>
// kernel: kernel.3.cloned.1.call-start
scs
__scs_entry_jumppad:
0x0: {  	(pc) =	sbr.rel $0x88, $3  }
0x1: {  	(tag) =	ssettag $0x0;
	lr =	simm.s32 $0x1  }
0x2: {  	[smem:$0x3F9E] =	sst lr;
	_ =	strace $0xD0000000  }
0x3: {  	_ = 	snop  }
0x4: {  	_ = 	snop  }
0x5: {  	_ = 	snop  }
0x6: {  	_ = 	snop  }
0x7: {  	_ = 	snop  }
__scs_overlays_trampoline_lowered:
0x8: {  	[smem:$0x3FAD] =	sst s0  }
0x9: {  	[smem:$0x3FAE] =	sst s1  }
0xa: {  	[smem:$0x3FAF] =	sst s2  }
0xb: {  	[smem:$0x3FB0] =	sst s3  }
0xc: {  	[smem:$0x3FB1] =	sst s4  }
0xd: {  	[smem:$0x3FB2] =	sst s5  }
0xe: {  	[smem:$0x3FB3] =	sst s6  }
0xf: {  	[smem:$0x3FB4] =	sst s7  }
0x10: {  	[smem:$0x3FB5] =	sst s8  }
0x11: {  	[smem:$0x3FB6] =	sst s9;
	s0 =	simm.s32 @!p0 $0x0  }
0x12: {  	s1 =	sld [smem:$0x3F9C];
	s0 =	simm.s32 @p0 $0x1  }
0x13: {  	[smem:$0x3FB7] =	sst s0;
	s0 =	simm.s32 @!p1 $0x0  }
0x14: {  	s2 =	sld [smem:$0x3F9B];
	s0 =	simm.s32 @p1 $0x1  }
0x15: {  	[smem:$0x3FB8] =	sst s0;
	s0 =	simm.s32 @!p2 $0x0  }
0x16: {  	s3 =	sld [smem:$0x3FDB];
	s0 =	simm.s32 @p2 $0x1  }
0x17: {  	s4 =	simm.s32 $0x1BF5;
	[smem:$0x3FBA] =	sst s0  }
0x18: {  	s0 =	sld [smem:$0x3F9D];
	_ =	swait.ge [sflag:s4], $0x0  }
0x19: {  	s7 =	sld [smem:$0x3F9E]  }
0x1a: {  	s8 =	sadd.s32 $0xFFFFE003, lr  }
0x1b: {  	s9 =	sadd.s32 $0xFFFFFEF7, lr;
	s5 =	simm.s32 $0xFFFFFFFF;
	p2 =	slt.u32 s8, $0xFFFFF086  }
0x1c: {  	p1 =	slt.u32 s9, $0xF7A;
	s5 =	simm.s32 @!p2 $0x0  }
0x1d: {  	s5 =	simm.s32 @p1 $0x1;
	p0 =	seq.s32 s7, s2  }
0x1e: {  	s7 =	smul.u32 @!p0 $0xF7A, s2;
	p2 =	seq.s32 @!p0 s5, $0x0  }
0x1f: {  	s9 =	smul.u32 $0xF7A, s1;
	s8 =	simm.s32 @!p0 $0x1BF5;
	p2 =	por !p2, p0  }
0x20: {  	[sflag:s8] =	ssyncset.s32 @!p0 $0xFFFFF086;
	s6 =	sadd.s32 @!p0 s3, s7;
	s7 =	simm.s32 @!p0 $0x108  }
0x21: {  	s3 =	sadd.s32 s3, s9;
	s6 =	sadd.s32 @!p0 $0x88, s6;
	s7 =	simm.s32 @p2 $0x1082  }
0x22: {  	[simem:s7], [sflag:s8] =	dma.local @!p0 [hbm:s6], $0xF7A  }
0x23: {  	s9 =	sor.u32 $0xD0000000, s2;
	s6 =	simm.s32 $0x108;
	_ =	swait.ge @!p0 [sflag:s8], $0x0  }
0x24: {  	s3 =	sadd.s32 $0x88, s3;
	s6 =	simm.s32 @!p1 $0x1082;
	[sflag:s4] =	ssyncset.s32 $0xFFFFF086  }
0x25: {  	[simem:s6], [sflag:s4] =	dma.local [hbm:s3], $0xF7A  }
0x26: {  	[smem:$0x3F9E] =	sst s1;
	(tag) =	ssettag s2;
	_ =	strace s9  }
0x27: {  	s1 =	sld [smem:$0x3FAE]  }
0x28: {  	s2 =	sld [smem:$0x3FAF]  }
0x29: {  	s4 =	sld [smem:$0x3FB1]  }
0x2a: {  	p0 =	seq.s32 s5, $0x0;
	s5 =	sld [smem:$0x3FB2]  }
0x2b: {  	s6 =	sld [smem:$0x3FB3]  }
0x2c: {  	s7 =	sld [smem:$0x3FB4]  }
0x2d: {  	s3 =	simm.s32 $0x108;
	s8 =	sld [smem:$0x3FB5]  }
0x2e: {  	s3 =	simm.s32 @!p0 $0x1082;
	s9 =	sld [smem:$0x3FB6]  }
0x2f: {  	lr =	sadd.s32 s0, s3;
	s0 =	sld [smem:$0x3FAD]  }
0x30: {  	s3 =	sld [smem:$0x3FB0]  }
0x31: {  	[smem:$0x3FB9] =	sst s10  }
0x32: {  	s10 =	sld [smem:$0x3FB7];
	_ =	sdelay $0x3  }
0x33: {  	p0 =	seq.s32 s10, $0x1;
	s10 =	sld [smem:$0x3FB9];
	_ =	sdelay $0x3  }
0x34: {  	[smem:$0x3FB9] =	sst s10  }
0x35: {  	s10 =	sld [smem:$0x3FB8];
	_ =	sdelay $0x3  }
0x36: {  	p1 =	seq.s32 s10, $0x1;
	s10 =	sld [smem:$0x3FB9];
	_ =	sdelay $0x3  }
0x37: {  	[smem:$0x3FB9] =	sst s10  }
0x38: {  	s10 =	sld [smem:$0x3FBA]  }
0x39: {  	_ = 	snop;
	(pc) =	sbr.ind lr, $3  }
0x3a: {  	_ = 	snop  }
0x3b: {  	_ = 	snop  }
0x3c: {  	p2 =	seq.s32 s10, $0x1;
	s10 =	sld [smem:$0x3FB9]  }
0x3d: {  	_ =	shalt  }
0x3e: {  	_ =	shalt  }
0x3f: {  	_ =	shalt  }
0x40: {  	_ =	shalt  }
0x41: {  	_ =	shalt  }
0x42: {  	_ =	shalt  }
0x43: {  	_ =	shalt  }
0x44: {  	_ =	shalt  }
0x45: {  	_ =	shalt  }
0x46: {  	_ =	shalt  }
0x47: {  	_ =	shalt  }
0x48: {  	_ =	shalt  }
0x49: {  	_ =	shalt  }
0x4a: {  	_ =	shalt  }
0x4b: {  	_ =	shalt  }
0x4c: {  	_ =	shalt  }
0x4d: {  	_ =	shalt  }
0x4e: {  	_ =	shalt  }
0x4f: {  	_ =	shalt  }
0x50: {  	_ =	shalt  }
0x51: {  	_ =	shalt  }
0x52: {  	_ =	shalt  }
0x53: {  	_ =	shalt  }
0x54: {  	_ =	shalt  }
0x55: {  	_ =	shalt  }
0x56: {  	_ =	shalt  }
0x57: {  	_ =	shalt  }
0x58: {  	_ =	shalt  }
0x59: {  	_ =	shalt  }
0x5a: {  	_ =	shalt  }
0x5b: {  	_ =	shalt  }
0x5c: {  	_ =	shalt  }
0x5d: {  	_ =	shalt  }
0x5e: {  	_ =	shalt  }
0x5f: {  	_ =	shalt  }
0x60: {  	_ =	shalt  }
0x61: {  	_ =	shalt  }
0x62: {  	_ =	shalt  }
0x63: {  	_ =	shalt  }
0x64: {  	_ =	shalt  }
0x65: {  	_ =	shalt  }
0x66: {  	_ =	shalt  }
0x67: {  	_ =	shalt  }
0x68: {  	_ =	shalt  }
0x69: {  	_ =	shalt  }
0x6a: {  	_ =	shalt  }
0x6b: {  	_ =	shalt  }
0x6c: {  	_ =	shalt  }
0x6d: {  	_ =	shalt  }
0x6e: {  	_ =	shalt  }
0x6f: {  	_ =	shalt  }
0x70: {  	_ =	shalt  }
0x71: {  	_ =	shalt  }
0x72: {  	_ =	shalt  }
0x73: {  	_ =	shalt  }
0x74: {  	_ =	shalt  }
0x75: {  	_ =	shalt  }
0x76: {  	_ =	shalt  }
0x77: {  	_ =	shalt  }
0x78: {  	_ =	shalt  }
0x79: {  	_ =	shalt  }
0x7a: {  	_ =	shalt  }
0x7b: {  	_ =	shalt  }
0x7c: {  	_ =	shalt  }
0x7d: {  	_ =	shalt  }
0x7e: {  	_ =	shalt  }
0x7f: {  	_ =	shalt  }
0x80: {  	_ =	shalt  }
0x81: {  	_ =	shalt  }
0x82: {  	_ =	shalt  }
0x83: {  	_ =	shalt  }
0x84: {  	_ =	shalt  }
0x85: {  	_ =	shalt  }
0x86: {  	_ =	shalt  }
0x87: {  	_ =	shalt  }
.Lfunc_end0:
.L_simem_size_0:
called_computation_lowered:
.L_overlay_start_0:
0x88: {  	s2 =	sld [smem:$0x3FD9]  }
0x89: {  	s3 =	sld [smem:$0x3FFE];
	_ =	sdelay $0x1  }
0x8a: {  	s1 =	srdreg.scid  }
0x8b: {  	s0 =	sand.u32 $0x1, s1  }
0x8c: {  	s17 =	sshll.u32 s0, $0xA;
	s2 =	sadd.s32 s3, s2  }
0x8d: {  	s2 =	sadd.s32 s2, s17  }
0x8e: {  	[smem:$0x3FC5] =	sst s2  }
0x8f: {  	_ = 	snop  }
0x90: {  	s2 =	sld [smem:$0x3FC9]  }
0x91: {  	s18 =	sld [smem:$0x3FC8]  }
0x92: {  	s4 =	sld [smem:$0x3FD0];
	(tm) =	ssettm $0x1  }
0x93: {  	s5 =	sld [smem:$0x3FFB];
	_ =	sdelay $0x3  }
0x94: {  	_ =	strace s5  }
0x95: {  	s5 =	sld [smem:$0x3FFC];
	_ =	sdelay $0x3  }
0x96: {  	_ =	strace s5  }
0x97: {  	s5 =	sld [smem:$0x3FFD];
	_ =	sdelay $0x3  }
0x98: {  	_ =	strace s5  }
0x99: {  	_ =	strace $0x8FFFFFFF  }
0x9a: {  	s19 =	sld [smem:$0x3FDB];
	_ =	sdelay $0x1  }
0x9b: {  	s6 =	simm.s32 $_scs_section_size  }
0x9c: {  	s7 =	simm.s32 $_size__tile_overlayer_lowered;
	s8 =	simm.s32 $_tile_overlayer_lowered  }
0x9d: {  	s22 =	simm.s32 $0x1BFF;
	s21 =	sshll.u32 s8, $0x1;
	s5 =	sadd.s32 s6, s19  }
0x9e: {  	s9 =	simm.s32 $0x0;
	s20 =	sshll.u32 s7, $0x1;
	s7 =	sadd.s32 s21, s5  }
0x9f: {  	[timem:s9], [sflag:s22] =	dma.local [hbm:s7], s20  }
0xa0: {  	_ =	swait.ge [sflag:s22], s20  }
0xa1: {  	s6 =	ssub.s32 $0x0, s20;
	[sflag:s22] =	ssyncset.done $0x0  }
0xa2: {  	[sflag:s22] =	ssyncadd.s32 s6;
	_ =	sdelay $0x1  }
0xa3: {  	s23 =	simm.s32 $0x1B8B  }
0xa4: {  	_ =	swait.ge [sflag:s23], $0x1  }
0xa5: {  	[sflag:s23] =	ssyncset.done $0x0  }
0xa6: {  	s25 =	simm.s32 $0x1B8E;
	s24 =	sld [smem:$0x3FFE];
	[sflag:s23] =	ssyncadd.s32 $0xFFFFFFFF  }
0xa7: {  	s26 =	simm.s32 $execute0_lowered;
	[smem:$0x3FD2] =	sst s25  }
0xa8: {  	s7 =	sshll.u32 s26, $0x1;
	_ =	strace $0x80000046;
	[dreg:$0x1] =	wrdreg $0xFFFFFFFF  }
0xa9: {  	s28 =	simm.s32 $_size_execute0_lowered;
	s5 =	sadd.s32 s5, s7;
	[dreg:$0x0] =	wrdreg $0x0  }
0xaa: {  	s7 =	sshll.u32 s28, $0x1;
	[dreg:$0x2] =	wrdreg s5  }
0xab: {  	[dreg:$0x3] =	wrdreg s7  }
0xac: {  	[dreg:$0x4] =	wrdreg $0xC0  }
0xad: {  	_ =	task [dreg:s9], $0x5FFFF  }
0xae: {  	[dreg:$0x1] =	wrdreg $0xFFFFFFFF  }
0xaf: {  	[dreg:$0x0] =	wrdreg $0x60  }
0xb0: {  	[dreg:$0x2] =	wrdreg s2  }
0xb1: {  	[dreg:$0x3] =	wrdreg s18  }
0xb2: {  	[dreg:$0x4] =	wrdreg s24  }
0xb3: {  	[dreg:$0x5] =	wrdreg s4  }
0xb4: {  	[dreg:$0x6] =	wrdreg $0x9  }
0xb5: {  	_ =	task.clear_ibuf [dreg:s9], $0x7FFFF;
	_ =	strace $0x90000046  }
0xb6: {  	s29 =	simm.s32 $0x9;
	_ =	strace $0x80000048  }
0xb7: {  	_ =	swait.ge [sflag:s29], $0x1  }
0xb8: {  	[sflag:s29] =	ssyncadd.s32 $0xFFFFFFFF  }
0xb9: {  	_ =	strace $0x90000048  }
0xba: {  	_ =	sfence  }
0xbb: {  	s30 =	sld [smem:$0x0];
	_ =	sdelay $0x2  }
0xbc: {  	s31 =	sshll.u32 s1, $0xD;
	s1 =	sshrl.u32 s1, $0x2  }
0xbd: {  	s3 =	sand.u32 $0x4000, s31;
	s1 =	sadd.s32 s1, s30  }
0xbe: {  	s0 =	sor.u32 s3, s0;
	s1 =	sshll.u32 s1, $0x11  }
0xbf: {  	s0 =	sor.u32 s1, s0  }
0xc0: {  	s0 =	sadd.s32 $0x8F2B, s0  }
0xc1: {  	[sflag:s0] =	ssyncadd.remote.s32 $0x1  }
0xc2: {  	_ =	sfence.sel $0xFFFF  }
0xc3: {  	[dreg:$0x0] =	wrdreg $0xFFFFFFFF;
	(pc) =	sbr.abs _section_cstart, $3  }
0xc4: {  	[dreg:$0x1] =	wrdreg $0xFFFFFFFF  }
0xc5: {  	_ =	task.clear_ibuf [dreg:s9], $0x2FFFF;
	_ =	strace $0x9FFFFFFF  }
0xc6: {  	(tm) =	ssettm $0x7FFFFFFF  }
0xc7: {  	_ =	shalt  }
tec
execute0_lowered:
.L_overlay_start_1:
0x0: {  	(tag) =	ssettag $0x1  }
0x1: {  	v0 =	vimm.s32 $0x1380  }
0x2: {  	vm14 =	vcmask $0x300;
	vm13 =	vcmask $0x704;
	vm10 =	vcmask $0xB08  }
0x3: {  	vm11 =	vcmask $0xF0C;
	vm12 =	vcmask $0x1310;
	vm9 =	vcmask $0x1714  }
0x4: {  	vm8 =	vcmask $0x1B18;
	vm7 =	vcmask $0x1F1C;
	vm6 =	vcmask $0x2320  }
0x5: {  	vm5 =	vcmask $0x2724;
	vm4 =	vcmask $0x2B28;
	vm3 =	vcmask $0x2F2C  }
0x6: {  	vm2 =	vcmask $0x3330;
	vm1 =	vcmask $0x3734;
	v6 =	vimm.s32 $0x3380  }
0x7: {  	vm0 =	vcmask $0x3B38;
	v8 =	vimm.s32 $0x5380;
	v9 =	vimm.s32 $0x7380  }
0x8: {  	v0 =	vsel vm14, $0x0, v0;
	v7 =	vsel vm14, $0x2000, v6;
	v8 =	vsel vm14, $0x4000, v8  }
0x9: {  	v9 =	vsel vm14, $0x6000, v9;
	v0 =	vsel vm13, $0x80, v0;
	v7 =	vsel vm13, $0x2080, v7  }
0xa: {  	v8 =	vsel vm13, $0x4080, v8;
	v9 =	vsel vm13, $0x6080, v9;
	v0 =	vsel vm10, $0x100, v0  }
0xb: {  	s0 =	srdreg.scid;
	s1 =	stileid.u32;
	v7 =	vsel vm10, $0x2100, v7;
	v8 =	vsel vm10, $0x4100, v8;
	v9 =	vsel vm10, $0x6100, v9  }
0xc: {  	s4 =	sand.u32 $0x1, s0;
	s28 =	sshll.u32 s1, $0x1;
	v0 =	vsel vm11, $0x180, v0;
	v7 =	vsel vm11, $0x2180, v7;
	v8 =	vsel vm11, $0x4180, v8  }
0xd: {  	s0 =	sor.u32 s4, s28;
	v9 =	vsel vm11, $0x6180, v9;
	v0 =	vsel vm12, $0x200, v0;
	v7 =	vsel vm12, $0x2200, v7  }
0xe: {  	s2 =	smul.u32 $0x7A00, s0;
	v8 =	vsel vm12, $0x4200, v8;
	v9 =	vsel vm12, $0x6200, v9;
	v0 =	vsel vm9, $0x280, v0  }
0xf: {  	v7 =	vsel vm9, $0x2280, v7;
	v8 =	vsel vm9, $0x4280, v8;
	v9 =	vsel vm9, $0x6280, v9  }
0x10: {  	s1 =	simm.s32 $0x7C40;
	p0 =	seq.s32 s0, $0x1F;
	v1 =	vsel vm8, $0x300, v0;
	v0 =	vmov s2;
	v7 =	vsel vm8, $0x2300, v7  }
0x11: {  	s1 =	simm.s32 @!p0 $0x7A00;
	v8 =	vsel vm8, $0x4300, v8;
	v9 =	vsel vm8, $0x6300, v9;
	v2 =	vsel vm7, $0x380, v1  }
0x12: {  	v1 =	vmov s1;
	v7 =	vsel vm7, $0x2380, v7;
	v8 =	vsel vm7, $0x4380, v8  }
0x13: {  	v9 =	vsel vm7, $0x6380, v9;
	v3 =	vsel vm6, $0x1000, v2;
	v2 =	vimm.s32 $0xFFFFFFFF  }
0x14: {  	s29 =	rddreg [dreg:$0x0];
	v7 =	vsel vm6, $0x3000, v7;
	v8 =	vsel vm6, $0x5000, v8;
	v9 =	vsel vm6, $0x7000, v9  }
0x15: {  	s3 =	rddreg [dreg:$0x2];
	v4 =	vsel vm5, $0x1080, v3;
	v3 =	vlaneseq.u32;
	v7 =	vsel vm5, $0x3080, v7  }
0x16: {  	s12 =	rddreg [dreg:$0x3];
	v8 =	vsel vm5, $0x5080, v8;
	v9 =	vsel vm5, $0x7080, v9;
	v5 =	vsel vm4, $0x1100, v4  }
0x17: {  	s5 =	simm.s32 $0x0;
	s11 =	simm.s32 $0x1000;
	s13 =	simm.s32 $0x7A1400;
	v4 =	vimm.s32 $0x0;
	v6 =	vor.u32 $0x10, v3;
	v7 =	vsel vm4, $0x3100, v7  }
0x18: {  	s14 =	simm.s32 $0xC700;
	s15 =	simm.s32 $0x5;
	s16 =	simm.s32 $0x1;
	v8 =	vsel vm4, $0x5100, v8;
	v9 =	vsel vm4, $0x7100, v9;
	v11 =	vor.u32 $0x30, v3  }
0x19: {  	s17 =	simm.s32 $0x14700;
	s18 =	simm.s32 $0x1C700;
	s19 =	simm.s32 $0x2;
	v5 =	vsel vm3, $0x1180, v5;
	v7 =	vsel vm3, $0x3180, v7;
	v10 =	vsel vm3, $0x5180, v8  }
0x1a: {  	s21 =	simm.s32 $0x1D700;
	s24 =	simm.s32 $0x1CF00;
	s25 =	simm.s32 $0x0;
	v9 =	vsel vm3, $0x7180, v9;
	v8 =	vor.u32 $0x20, v3;
	v5 =	vsel vm2, $0x1200, v5  }
.Ltmp0:
0x1b: {  	[smem:$0x7FF] =	sst s5;
	s7 =	sadd.s32 $0xF4000, s12;
	v7 =	vsel vm2, $0x3200, v7;
	v10 =	vsel vm2, $0x5200, v10;
	v9 =	vsel vm2, $0x7200, v9;
	(pc) =	sbr.rel .LBB2_1-.Ltmp0, $4  }
0x1c: {  	s8 =	sadd.s32 $0xF4200, s29;
	s9 =	sadd.s32 $0xF4200, s12;
	s30 =	ssub.s32 $0x2, s4;
	v5 =	vsel vm1, $0x1280, v5;
	v7 =	vsel vm1, $0x3280, v7;
	v10 =	vsel vm1, $0x5280, v10  }
0x1d: {  	_ =	strace $0x80000047;
	s4 =	sadd.s32 $0x400, s3;
	s6 =	sshrl.u32 s30, $0x1;
	v12 =	vsel vm1, $0x7280, v9;
	v9 =	vmul.u32 $0x80, v3;
	v5 =	vsel vm0, $0x1300, v5  }
0x1e: {  	s31 =	ssub.s32 s30, s6;
	s6 =	sadd.s32 $0xF4000, s29;
	p0 =	sne.s32 s0, $0x1F;
	v7 =	vsel vm0, $0x3300, v7;
	v10 =	vsel vm0, $0x5300, v10;
	v12 =	vsel vm0, $0x7300, v12  }
0x1f: {  	s5 =	sadd.s32 s29, s2;
	s10 =	smax.u32 s31, $0x1;
	s12 =	sadd.s32 s12, s2;
	v13 =	vor.u32 $0x800, v9;
	v14 =	vor.u32 $0x1000, v9;
	v15 =	vor.u32 $0x1800, v9  }
.LBB2_51:
0x20: {  	s0 =	simm.s32 $0x400  }
0x21: {  	[hbm4b:s9+s0] =	stream.strided.scatter [tilespmem:s21], [sflag:$0x5], $0x2000, s13, s0, $0x38;
	[tilespmem:$0x1F700] =	vst v63  }
0x22: {  	_ =	swait.ge [sflag:s15], $0x2000  }
0x23: {  	[sflag:s15] =	ssyncset.done $0x0  }
0x24: {  	[sflag:s15] =	ssyncadd.s32 $0xFFFFE000  }
.LBB2_52:
0x25: {  	s25 =	sadd.s32 $0x1, s25  }
0x26: {  	p1 =	sne.s32 s25, s10  }
.Ltmp1:
0x27: {  	_ = 	snop;
	(pc) =	sbr.rel @!p1 .LBB2_53-.Ltmp1, $1  }
0x28: {  	_ =	sdelay $0x3  }
.LBB2_1:
0x29: {  	[tilespmem:s14], [sflag:$0x1] =	stream.strided.gather [hbm4b:s5+s11], $0x8000, s13, s11, $0x38;
	[tilespmem:$0x1F700] =	vst v63  }
0x2a: {  	s0 =	rddreg [dreg:$0x1];
	s1 =	simm.s32 $0x0  }
0x2b: {  	[tilespmem:s1], [sflag:$0x5] =	stream.linear.gather [hbm4b:s0+s1], $0x4000, $0x38;
	[tilespmem:$0x1F700] =	vst v63  }
0x2c: {  	_ =	swait.ge [sflag:s15], $0x4000  }
0x2d: {  	[sflag:s15] =	ssyncset.done $0x0  }
0x2e: {  	s0 =	simm.s32 $0x40;
	s1 =	simm.s32 $0x0;
	[sflag:s15] =	ssyncadd.s32 $0xFFFFC000  }
.LBB2_2:
0x2f: {  	p1 =	sne.s32 s0, $0x1F0C0;
	[tilespmem:s1+$0x4000] =	vst v2;
	s1 =	smov.u32 s0;
	s0 =	sadd.s32 $0x40, s0  }
.Ltmp2:
0x30: {  	(pc) =	sbr.rel @p1 .LBB2_2-.Ltmp2, $2  }
0x31: {  	_ =	sdelay $0x2  }
0x32: {  	s1 =	sshra.s32 s1, $0x2  }
0x33: {  	[tilespmem:s1+$0x4000] =	vst v2;
	s0 =	simm.s32 $0x0  }
0x34: {  	s2 =	simm.s32 $0x10;
	s1 =	simm.s32 $0x0;
	s3 =	simm.s32 $0x0;
	v16 =	vld [tilespmem:s0+$0x0]  }
.LBB2_4:
0x35: {  	p1 =	sne.s32 s2, $0x3FF0;
	_ =	sdelay $0x3  }
0x36: {  	v17 =	vsub.s32 v16, v0  }
0x37: {  	vm0 =	vge.s32 v16, v0;
	vm1 =	vlt.s32 v17, v1  }
0x38: {  	v16 =	vand.u32 $0x7F, v16;
	v17 =	vand.u32 $0xFFFFFF80, v17;
	vm0 =	vmand vm0, vm1  }
0x39: {  	v16 =	vor.u32 v16, v17;
	_ =	sdelay $0x1  }
.Ltmp3:
0x3a: {  	(pc) =	sbr.rel @p1 .LBB2_4-.Ltmp3, $4  }
0x3b: {  	_ = 	snop  }
0x3c: {  	s22 =	simm.s32 $0x4000;
	v17 =	vor.u32 s1, v3;
	s1 =	smov.u32 s2  }
0x3d: {  	s3 =	sadd.s32 $0x10, s3;
	[tilespmem:v16+s22+$0x0] =	vst.idx.msk vm0, v17  }
0x3e: {  	s2 =	sadd.s32 $0x10, s2;
	v16 =	vld [tilespmem:s3+$0x0]  }
0x3f: {  	_ =	sdelay $0x3  }
0x40: {  	v17 =	vsub.s32 v16, v0  }
0x41: {  	vm0 =	vge.s32 v16, v0;
	vm1 =	vlt.s32 v17, v1  }
0x42: {  	v16 =	vand.u32 $0x7F, v16;
	v17 =	vand.u32 $0xFFFFFF80, v17;
	vm0 =	vmand vm0, vm1  }
0x43: {  	v16 =	vor.u32 v16, v17;
	_ =	sdelay $0x3  }
0x44: {  	v17 =	vor.u32 s1, v3  }
0x45: {  	[tilespmem:v16+s22+$0x0] =	vst.idx.msk vm0, v17  }
0x46: {  	v16 =	vld [tilespmem:s22+$0x0];
	_ =	sdelay $0x4  }
0x47: {  	vm15 =	vgt.s32 v16, $0xFFFFFFFF  }
0x48: {  	v17 =	vsel vm15, $0x1, v4  }
0x49: {  	(xrf0) =	vadd.scan.msk.s32 $0xffff, v17;
	_ =	sdelay $0x2  }
0x4a: {  	v17 =	vor.u32 s0, v3;
	_ =	sdelay $0x2  }
0x4b: {  	[tilespmem:s0+$0xBD00] =	vst.msk vm15, v17;
	v17, _, _ =	vpop (xrf0)  }
0x4c: {  	(v2sf) =	vpush v17, $0xF;
	_ =	sdelay $0x1  }
0x4d: {  	s2 =	simm.s32 $0x4010;
	[tilespmem:s0+$0xBF80] =	vst.msk vm15, v16  }
0x4e: {  	s3 =	simm.s32 $0x20;
	s1 =	simm.s32 $0x10;
	v16 =	vld [tilespmem:s2+$0x0]  }
.LBB2_6:
0x4f: {  	p1 =	sne.s32 s3, $0x1F0;
	_ =	sdelay $0x3  }
0x50: {  	vm0 =	vgt.s32 v16, $0xFFFFFFFF  }
0x51: {  	v17 =	vsel vm0, $0x1, v4  }
0x52: {  	(xrf0) =	vadd.scan.msk.s32 $0xffff, v17;
	_ =	sdelay $0x4  }
0x53: {  	s22 =	spop (v2sf)  }
.Ltmp4:
0x54: {  	v17 =	vor.u32 s1, v3;
	s1 =	smov.u32 s3;
	v18, _, _ =	vpop (xrf0);
	s0 =	sadd.s32 s0, s22;
	(pc) =	sbr.rel @p1 .LBB2_6-.Ltmp4, $4  }
0x55: {  	[tilespmem:s0+$0xBD00] =	vst.msk vm0, v17;
	(v2sf) =	vpush v18, $0xF  }
0x56: {  	[tilespmem:s0+$0xBF80] =	vst.msk vm0, v16  }
0x57: {  	s2 =	sadd.s32 $0x10, s2  }
0x58: {  	s3 =	sadd.s32 $0x10, s3;
	v16 =	vld [tilespmem:s2+$0x0]  }
0x59: {  	_ =	sdelay $0x3  }
0x5a: {  	vm0 =	vgt.s32 v16, $0xFFFFFFFF  }
0x5b: {  	v17 =	vsel vm0, $0x1, v4  }
0x5c: {  	(xrf0) =	vadd.scan.msk.s32 $0xffff, v17;
	_ =	sdelay $0x5  }
0x5d: {  	v17, _, _ =	vpop (xrf0)  }
0x5e: {  	(v2sf) =	vpush v17, $0xF;
	_ =	sdelay $0xd  }
0x5f: {  	s2 =	spop (v2sf)  }
0x60: {  	s0 =	sadd.s32 s0, s2;
	v17 =	vor.u32 s1, v3;
	s31 =	spop (v2sf)  }
0x61: {  	[tilespmem:s0+$0xBD00] =	vst.msk vm0, v17;
	s1 =	sadd.s32 s0, s31  }
0x62: {  	[tilespmem:s0+$0xBF80] =	vst.msk vm0, v16;
	p1 =	sgt.s32 s1, $0x0  }
0x63: {  	v16 =	vld @p1 [tilespmem:$0xBF80];
	_ =	sdelay $0x4  }
0x64: {  	v17 =	vmov @p1 s1;
	v18 =	vlaneseq.u32 @p1;
	v19 =	vbroadcast @p1 v16, $0x0  }
0x65: {  	vm0 =	vgt.s32 @p1 v17, v18  }
0x66: {  	v16 =	vsel @p1 vm0, v16, v19;
	_ =	sdelay $0x2  }
.Ltmp5:
0x67: {  	_ = 	snop;
	(pc) =	sbr.rel .LBB2_8-.Ltmp5, $4  }
0x68: {  	s0 =	simm.s32 @p1 $0x0;
	s2 =	simm.s32 @p1 $0x1C700;
	vm0 =	vmmov @p1 $0xffff  }
0x69: {  	[tilespmem:s2], [sflag:$0x3] =	stream.indirect_vreg.gather @p1 [hbm4b:s4+s0], $0x80, v16, vm0, $0xb8;
	v16 =	vmov @!p1 s1;
	[tilespmem:$0x1F700] =	vst v63  }
0x6a: {  	v16 =	vpsel p1, v17, v16  }
0x6b: {  	s26 =	simm.s32 $0x0;
	[tilespmem:$0xBC80] =	vst v16  }
.LBB2_32:
0x6c: {  	s26 =	sadd.s32 $0x1, s26  }
0x6d: {  	p1 =	sne.s32 s26, $0x3D  }
.Ltmp6:
0x6e: {  	_ = 	snop;
	(pc) =	sbr.rel @!p1 .LBB2_33-.Ltmp6, $3  }
0x6f: {  	_ =	sdelay $0x1  }
0x70: {  	s0 =	sadd.s32 s12, s28  }
0x71: {  	[hbm4b:s0+s11] =	stream.strided.scatter [tilespmem:s30], [sflag:$0x2], $0x8000, s13, s11, $0x38;
	[tilespmem:$0x1F700] =	vst v63  }
.LBB2_8:
0x72: {  	v16 =	vld [tilespmem:$0xBC80];
	_ =	sdelay $0x4  }
0x73: {  	(v2sf) =	vpush v16, $0x0;
	_ =	sdelay $0x9  }
0x74: {  	p1 =	seq.s32 s26, $0x0  }
.Ltmp7:
0x75: {  	_ = 	snop;
	(pc) =	sbr.rel @p1 .LBB2_11-.Ltmp7, $2  }
0x76: {  	_ =	sdelay $0x2  }
0x77: {  	s28 =	sshll.u32 s26, $0x9;
	s22 =	spop (v2sf)  }
0x78: {  	s0 =	sand.u32 $0x1, s26  }
0x79: {  	p2 =	seq.s32 s0, $0x1  }
.Ltmp8:
0x7a: {  	_ = 	snop;
	(pc) =	sbr.rel @!p2 .LBB2_10-.Ltmp8, $4  }
0x7b: {  	_ = 	snop  }
0x7c: {  	_ =	swait.ge [sflag:s19], $0x8000  }
0x7d: {  	[sflag:s19] =	ssyncset.done $0x0  }
0x7e: {  	p1 =	seq.s32 s26, $0x3C;
	[sflag:s19] =	ssyncadd.s32 $0xFFFF8000  }
.Ltmp9:
0x7f: {  	(pc) =	sbr.rel @!p1 .LBB2_22-.Ltmp9, $1  }
0x80: {  	_ =	sdelay $0x3  }
.Ltmp10:
0x81: {  	(pc) =	sbr.rel .LBB2_26-.Ltmp10, $4  }
0x82: {  	_ = 	snop  }
0x83: {  	_ =	swait.ge [sflag:s16], $0x8000  }
0x84: {  	[sflag:s16] =	ssyncset.done $0x0  }
0x85: {  	[sflag:s16] =	ssyncadd.s32 $0xFFFF8000  }
.LBB2_10:
.Ltmp11:
0x86: {  	(pc) =	sbr.rel @!p1 .LBB2_11-.Ltmp11, $1  }
0x87: {  	_ =	sdelay $0x3  }
.Ltmp12:
0x88: {  	(pc) =	sbr.rel .LBB2_15-.Ltmp12, $4  }
0x89: {  	_ = 	snop  }
0x8a: {  	_ =	swait.ge [sflag:s16], $0x8000  }
0x8b: {  	[sflag:s16] =	ssyncset.done $0x0  }
0x8c: {  	[sflag:s16] =	ssyncadd.s32 $0xFFFF8000  }
.LBB2_11:
0x8d: {  	s2 =	simm.s32 $0x0  }
0x8e: {  	s1 =	sadd.s32 $0x4200, s28;
	s0 =	sand.u32 $0x180, s2  }
0x8f: {  	s3 =	sand.u32 $0x70, s2;
	s0 =	sadd.s32 s0, s1  }
0x90: {  	s0 =	sadd.s32 s3, s0  }
0x91: {  	v16 =	vld [tilespmem:s0+$0x0];
	_ =	sdelay $0x4  }
0x92: {  	vm0 =	vgt.s32 v16, $0xFFFFFFFF  }
0x93: {  	v17 =	vsel vm0, $0x1, v4  }
0x94: {  	(xrf0) =	vadd.scan.msk.s32 $0xffff, v17;
	_ =	sdelay $0x5  }
0x95: {  	s3 =	simm.s32 $0x10;
	v17 =	vor.u32 s2, v3;
	v18, _, _ =	vpop (xrf0)  }
0x96: {  	s23 =	simm.s32 $0x20;
	s0 =	sadd.s32 $0x200, s28;
	s29 =	sand.u32 $0x180, s3;
	[tilespmem:s2+$0xC200] =	vst.msk vm0, v17;
	(v2sf) =	vpush v18, $0xF  }
.LBB2_12:
0x97: {  	p1 =	sne.s32 s23, $0x1F0;
	s30 =	sand.u32 $0x70, s3;
	s29 =	sadd.s32 s29, s1;
	[tilespmem:s2+$0xC480] =	vst.msk vm0, v16  }
0x98: {  	s29 =	sadd.s32 s30, s29  }
0x99: {  	v16 =	vld [tilespmem:s29+$0x0];
	_ =	sdelay $0x4  }
0x9a: {  	vm0 =	vgt.s32 v16, $0xFFFFFFFF  }
0x9b: {  	v17 =	vsel vm0, $0x1, v4  }
0x9c: {  	(xrf0) =	vadd.scan.msk.s32 $0xffff, v17;
	_ =	sdelay $0x2  }
.Ltmp13:
0x9d: {  	(pc) =	sbr.rel @p1 .LBB2_12-.Ltmp13, $4  }
0x9e: {  	_ = 	snop  }
0x9f: {  	s29 =	spop (v2sf)  }
0xa0: {  	v17 =	vor.u32 s3, v3;
	s3 =	smov.u32 s23;
	v18, _, _ =	vpop (xrf0);
	s2 =	sadd.s32 s2, s29  }
0xa1: {  	s23 =	sadd.s32 $0x10, s23;
	s29 =	sand.u32 $0x180, s3;
	[tilespmem:s2+$0xC200] =	vst.msk vm0, v17;
	(v2sf) =	vpush v18, $0xF  }
0xa2: {  	s23 =	sand.u32 $0x70, s3;
	s1 =	sadd.s32 s29, s1  }
0xa3: {  	[tilespmem:s2+$0xC480] =	vst.msk vm0, v16;
	s1 =	sadd.s32 s23, s1  }
0xa4: {  	v16 =	vld [tilespmem:s1+$0x0];
	_ =	sdelay $0x4  }
0xa5: {  	vm15 =	vgt.s32 v16, $0xFFFFFFFF  }
0xa6: {  	v17 =	vsel vm15, $0x1, v4  }
0xa7: {  	(xrf0) =	vadd.scan.msk.s32 $0xffff, v17;
	_ =	sdelay $0x5  }
0xa8: {  	v17, _, _ =	vpop (xrf0)  }
0xa9: {  	(v2sf) =	vpush v17, $0xF;
	_ =	sdelay $0xd  }
0xaa: {  	s30 =	spop (v2sf)  }
0xab: {  	s1 =	sadd.s32 s2, s30;
	v17 =	vor.u32 s3, v3;
	s31 =	spop (v2sf)  }
0xac: {  	[tilespmem:s1+$0xC200] =	vst.msk vm15, v17;
	s2 =	sadd.s32 s1, s31  }
0xad: {  	[tilespmem:s1+$0xC480] =	vst.msk vm15, v16;
	p1 =	sgt.s32 s2, $0x0  }
0xae: {  	v16 =	vld @p1 [tilespmem:$0xC480];
	_ =	sdelay $0x4  }
0xaf: {  	v17 =	vmov @p1 s2;
	v18 =	vlaneseq.u32 @p1;
	v19 =	vbroadcast @p1 v16, $0x0  }
0xb0: {  	vm0 =	vgt.s32 @p1 v17, v18  }
0xb1: {  	v16 =	vsel @p1 vm0, v16, v19;
	_ =	sdelay $0x3  }
0xb2: {  	s1 =	simm.s32 @p1 $0x0;
	s3 =	simm.s32 @p1 $0x1CF00;
	v18 =	vmov @!p1 s2;
	vm0 =	vmmov @p1 $0xffff  }
0xb3: {  	[tilespmem:s3], [sflag:$0x4] =	stream.indirect_vreg.gather @p1 [hbm4b:s4+s1], $0x80, v16, vm0, $0xb8;
	v16 =	vpsel p1, v17, v18;
	[tilespmem:$0x1F700] =	vst v63  }
0xb4: {  	[tilespmem:$0xBC80] =	vst v16  }
0xb5: {  	_ =	swait.ge [sflag:s16], $0x8000  }
0xb6: {  	[sflag:s16] =	ssyncset.done $0x0  }
0xb7: {  	s0 =	sadd.s32 s0, s5;
	[sflag:s16] =	ssyncadd.s32 $0xFFFF8000  }
0xb8: {  	[tilespmem:s17], [sflag:$0x1] =	stream.strided.gather [hbm4b:s0+s11], $0x8000, s13, s11, $0x38;
	[tilespmem:$0x1F700] =	vst v63  }
.LBB2_15:
0xb9: {  	s0 =	sadd.s32 $0xF, s22  }
0xba: {  	s1 =	sand.u32 $0xF, s0  }
0xbb: {  	s2 =	sshra.s32 s0, $0x1F;
	p1 =	slt.s32 s0, $0x1;
	p2 =	sne.s32 s1, $0x0  }
0xbc: {  	s23 =	sshrl.u32 s2, $0x1C;
	p1 =	por !p1, !p2  }
0xbd: {  	s1 =	simm.s32 $0x1;
	s0 =	sadd.s32 s23, s0;
	p1 =	por !p1, !p1  }
0xbe: {  	s0 =	sshra.s32 s0, $0x4;
	s1 =	simm.s32 @!p1 $0x0  }
0xbf: {  	s31 =	ssub.s32 s0, s1  }
0xc0: {  	p1 =	slt.s32 s31, $0x1  }
.Ltmp14:
0xc1: {  	_ = 	snop;
	(pc) =	sbr.rel @!p1 .LBB2_16-.Ltmp14, $4  }
.Ltmp15:
0xc2: {  	_ = 	snop;
	(pc) =	sbr.rel @p1 .LBB2_32-.Ltmp15, $4  }
0xc3: {  	_ = 	snop  }
0xc4: {  	s30 =	simm.s32 $0xC700  }
0xc5: {  	s3 =	simm.s32 $0xBD00;
	s29 =	smov.u32 s22;
	s2 =	simm.s32 $0x0  }
0xc6: {  	_ = 	snop  }
.LBB2_19:
0xc7: {  	_ =	sdelay $0x3  }
0xc8: {  	[tilespmem:v17+s14+$0x0] =	vst.idx.msk $0xffff, v16  }
.LBB2_20:
0xc9: {  	s2 =	sadd.s32 $0x1, s2  }
0xca: {  	p1 =	seq.s32 s2, s31  }
.Ltmp16:
0xcb: {  	_ = 	snop;
	(pc) =	sbr.rel @p1 .LBB2_32-.Ltmp16, $2  }
0xcc: {  	_ =	sdelay $0x2  }
0xcd: {  	s29 =	sadd.s32 $0xFFFFFFF0, s29;
	s3 =	sadd.s32 $0x10, s3  }
.LBB2_16:
0xce: {  	s0 =	sshll.u32 s2, $0x4;
	p1 =	sne.s32 s2, $0x0  }
0xcf: {  	v16 =	vld @p1 [tilespmem:s0+$0xBF80];
	_ =	sdelay $0x3  }
0xd0: {  	s1 =	ssub.s32 @p1 s22, s0  }
0xd1: {  	v18 =	vlaneseq.u32 @p1;
	v17 =	vmov @p1 s1;
	v19 =	vbroadcast @p1 v16, $0x0  }
0xd2: {  	vm0 =	vgt.s32 @p1 v17, v18  }
0xd3: {  	v16 =	vsel @p1 vm0, v16, v19;
	_ =	sdelay $0x3  }
0xd4: {  	s23 =	simm.s32 @p1 $0x0;
	s20 =	simm.s32 @p1 $0x1C700;
	s0 =	ssub.s32 @!p1 s22, s0;
	vm0 =	vmmov @p1 $0xffff  }
0xd5: {  	[tilespmem:s20], [sflag:$0x3] =	stream.indirect_vreg.gather @p1 [hbm4b:s4+s23], $0x80, v16, vm0, $0xb8;
	[tilespmem:$0x1F700] =	vst v63  }
0xd6: {  	s0 =	smov.u32 @p1 s1;
	s20 =	simm.s32 @p1 $0x3  }
0xd7: {  	p2 =	slt.s32 s0, $0x1;
	_ =	swait.ge @p1 [sflag:s20], $0x800  }
.Ltmp17:
0xd8: {  	[sflag:s20] =	ssyncset.done @p1 $0x0;
	(pc) =	sbr.rel @p2 .LBB2_20-.Ltmp17, $4  }
0xd9: {  	[sflag:s20] =	ssyncadd.s32 @p1 $0xFFFFF800;
	s20 =	simm.s32 @!p1 $0x3  }
0xda: {  	_ =	swait.ge @!p1 [sflag:s20], $0x800  }
0xdb: {  	[sflag:s20] =	ssyncset.done @!p1 $0x0  }
0xdc: {  	[sflag:s20] =	ssyncadd.s32 @!p1 $0xFFFFF800  }
0xdd: {  	v16 =	vld.msk [tilespmem:s3+$0x0 ss:$0x0], $0xffff;
	_ =	sdelay $0x1  }
0xde: {  	s0 =	simm.s32 $0x0  }
0xdf: {  	v17 =	vor.u32 s0, v3;
	_ =	sdelay $0x1  }
0xe0: {  	v18 =	vshll.u32 v16, $0x3  }
0xe1: {  	v16 =	vand.u32 $0x7F, v16;
	v18 =	vand.u32 $0xFFFFFC00, v18  }
0xe2: {  	v18 =	vor.u32 v16, v18  }
0xe3: {  	v16 =	vld.idx.msk [tilespmem:v17+s18+$0x0], $0xffff;
	v17 =	vadd.s32 v5, v18  }
0xe4: {  	v19 =	vor.u32 s0, v6;
	_ =	sdelay $0x3  }
0xe5: {  	[tilespmem:v17+s14+$0x0] =	vst.idx.msk $0xffff, v16  }
0xe6: {  	v17 =	vadd.s32 v7, v18;
	v16 =	vld.idx.msk [tilespmem:v19+s18+$0x0], $0xffff  }
0xe7: {  	v19 =	vor.u32 s0, v8;
	_ =	sdelay $0x3  }
0xe8: {  	[tilespmem:v17+s14+$0x0] =	vst.idx.msk $0xffff, v16  }
0xe9: {  	v17 =	vadd.s32 v10, v18;
	v16 =	vld.idx.msk [tilespmem:v19+s18+$0x0], $0xffff  }
0xea: {  	v19 =	vor.u32 s0, v11  }
0xeb: {  	p1 =	sgt.s32 s29, $0x1;
	s0 =	smov.u32 s29  }
0xec: {  	s0 =	simm.s32 @!p1 $0x1  }
0xed: {  	s23 =	smin.u32 s0, $0x10  }
0xee: {  	p1 =	sne.s32 s23, $0x1;
	[tilespmem:v17+s14+$0x0] =	vst.idx.msk $0xffff, v16  }
.Ltmp18:
0xef: {  	v17 =	vadd.s32 v12, v18;
	v16 =	vld.idx.msk [tilespmem:v19+s18+$0x0], $0xffff;
	(pc) =	sbr.rel @!p1 .LBB2_19-.Ltmp18, $2  }
0xf0: {  	_ =	sdelay $0x2  }
0xf1: {  	s1 =	simm.s32 $0x1;
	s0 =	smov.u32 s3  }
.LBB2_18:
0xf2: {  	[tilespmem:v17+s14+$0x0] =	vst.idx.msk $0xffff, v16;
	s0 =	sadd.s32 $0x1, s0;
	s20 =	smov.u32 s1;
	s1 =	sadd.s32 $0x1, s1  }
0xf3: {  	v16 =	vld.msk [tilespmem:s0+$0x0 ss:$0x0], $0xffff;
	p1 =	sne.s32 s23, s1;
	_ =	sdelay $0x1  }
0xf4: {  	s20 =	sshll.u32 s20, $0x7  }
0xf5: {  	v17 =	vor.u32 s20, v3;
	_ =	sdelay $0x2  }
0xf6: {  	v18 =	vshll.u32 v16, $0x3  }
0xf7: {  	v16 =	vand.u32 $0x7F, v16;
	v18 =	vand.u32 $0xFFFFFC00, v18  }
0xf8: {  	v18 =	vor.u32 v16, v18;
	v17 =	vld.idx.msk [tilespmem:v17+s18+$0x0], $0xffff  }
0xf9: {  	v16 =	vadd.s32 v5, v18  }
0xfa: {  	v19 =	vor.u32 s20, v6;
	_ =	sdelay $0x3  }
0xfb: {  	[tilespmem:v16+s14+$0x0] =	vst.idx.msk $0xffff, v17  }
0xfc: {  	v16 =	vld.idx.msk [tilespmem:v19+s18+$0x0], $0xffff  }
0xfd: {  	v17 =	vadd.s32 v7, v18  }
0xfe: {  	v19 =	vor.u32 s20, v8;
	_ =	sdelay $0x3  }
0xff: {  	[tilespmem:v17+s14+$0x0] =	vst.idx.msk $0xffff, v16  }
0x100: {  	v16 =	vld.idx.msk [tilespmem:v19+s18+$0x0], $0xffff  }
0x101: {  	v17 =	vadd.s32 v10, v18  }
0x102: {  	v19 =	vor.u32 s20, v11;
	_ =	sdelay $0x1  }
.Ltmp19:
0x103: {  	(pc) =	sbr.rel @p1 .LBB2_18-.Ltmp19, $4  }
0x104: {  	_ = 	snop  }
0x105: {  	[tilespmem:v17+s14+$0x0] =	vst.idx.msk $0xffff, v16  }
0x106: {  	v16 =	vld.idx.msk [tilespmem:v19+s18+$0x0], $0xffff  }
0x107: {  	v17 =	vadd.s32 v12, v18  }
.Ltmp20:
0x108: {  	_ = 	snop;
	(pc) =	sbr.rel .LBB2_19-.Ltmp20, $1  }
0x109: {  	_ =	sdelay $0x3  }
.LBB2_22:
0x10a: {  	s2 =	simm.s32 $0x0  }
0x10b: {  	s1 =	sadd.s32 $0x4200, s28;
	s0 =	sand.u32 $0x180, s2  }
0x10c: {  	s3 =	sand.u32 $0x70, s2;
	s0 =	sadd.s32 s0, s1  }
0x10d: {  	s0 =	sadd.s32 s3, s0  }
0x10e: {  	v16 =	vld [tilespmem:s0+$0x0];
	_ =	sdelay $0x4  }
0x10f: {  	vm0 =	vgt.s32 v16, $0xFFFFFFFF  }
0x110: {  	v17 =	vsel vm0, $0x1, v4  }
0x111: {  	(xrf0) =	vadd.scan.msk.s32 $0xffff, v17;
	_ =	sdelay $0x5  }
0x112: {  	s3 =	simm.s32 $0x10;
	v17 =	vor.u32 s2, v3;
	v18, _, _ =	vpop (xrf0)  }
0x113: {  	s23 =	simm.s32 $0x20;
	s0 =	sadd.s32 $0x200, s28;
	s29 =	sand.u32 $0x180, s3;
	[tilespmem:s2+$0xBD00] =	vst.msk vm0, v17;
	(v2sf) =	vpush v18, $0xF  }
.LBB2_23:
0x114: {  	p1 =	sne.s32 s23, $0x1F0;
	s20 =	sand.u32 $0x70, s3;
	s29 =	sadd.s32 s29, s1;
	[tilespmem:s2+$0xBF80] =	vst.msk vm0, v16  }
0x115: {  	s20 =	sadd.s32 s20, s29  }
0x116: {  	v16 =	vld [tilespmem:s20+$0x0];
	_ =	sdelay $0x4  }
0x117: {  	vm0 =	vgt.s32 v16, $0xFFFFFFFF  }
0x118: {  	v17 =	vsel vm0, $0x1, v4  }
0x119: {  	(xrf0) =	vadd.scan.msk.s32 $0xffff, v17;
	_ =	sdelay $0x2  }
.Ltmp21:
0x11a: {  	(pc) =	sbr.rel @p1 .LBB2_23-.Ltmp21, $4  }
0x11b: {  	_ = 	snop  }
0x11c: {  	s20 =	spop (v2sf)  }
0x11d: {  	v17 =	vor.u32 s3, v3;
	s3 =	smov.u32 s23;
	v18, _, _ =	vpop (xrf0);
	s2 =	sadd.s32 s2, s20  }
0x11e: {  	s23 =	sadd.s32 $0x10, s23;
	s29 =	sand.u32 $0x180, s3;
	[tilespmem:s2+$0xBD00] =	vst.msk vm0, v17;
	(v2sf) =	vpush v18, $0xF  }
0x11f: {  	s20 =	sand.u32 $0x70, s3;
	s1 =	sadd.s32 s29, s1  }
0x120: {  	[tilespmem:s2+$0xBF80] =	vst.msk vm0, v16;
	s1 =	sadd.s32 s20, s1  }
0x121: {  	v16 =	vld [tilespmem:s1+$0x0];
	_ =	sdelay $0x4  }
0x122: {  	vm15 =	vgt.s32 v16, $0xFFFFFFFF  }
0x123: {  	v17 =	vsel vm15, $0x1, v4  }
0x124: {  	(xrf0) =	vadd.scan.msk.s32 $0xffff, v17;
	_ =	sdelay $0x5  }
0x125: {  	v17, _, _ =	vpop (xrf0)  }
0x126: {  	(v2sf) =	vpush v17, $0xF;
	_ =	sdelay $0xd  }
0x127: {  	s30 =	spop (v2sf)  }
0x128: {  	s1 =	sadd.s32 s2, s30;
	v17 =	vor.u32 s3, v3;
	s31 =	spop (v2sf)  }
0x129: {  	[tilespmem:s1+$0xBD00] =	vst.msk vm15, v17;
	s2 =	sadd.s32 s1, s31  }
0x12a: {  	[tilespmem:s1+$0xBF80] =	vst.msk vm15, v16;
	p1 =	sgt.s32 s2, $0x0  }
0x12b: {  	v16 =	vld @p1 [tilespmem:$0xBF80];
	_ =	sdelay $0x4  }
0x12c: {  	v17 =	vmov @p1 s2;
	v18 =	vlaneseq.u32 @p1;
	v19 =	vbroadcast @p1 v16, $0x0  }
0x12d: {  	vm0 =	vgt.s32 @p1 v17, v18  }
0x12e: {  	v16 =	vsel @p1 vm0, v16, v19;
	_ =	sdelay $0x3  }
0x12f: {  	s1 =	simm.s32 @p1 $0x0;
	s3 =	simm.s32 @p1 $0x1C700;
	v18 =	vmov @!p1 s2;
	vm0 =	vmmov @p1 $0xffff  }
0x130: {  	[tilespmem:s3], [sflag:$0x3] =	stream.indirect_vreg.gather @p1 [hbm4b:s4+s1], $0x80, v16, vm0, $0xb8;
	v16 =	vpsel p1, v17, v18;
	[tilespmem:$0x1F700] =	vst v63  }
0x131: {  	[tilespmem:$0xBC80] =	vst v16  }
0x132: {  	_ =	swait.ge [sflag:s16], $0x8000  }
0x133: {  	[sflag:s16] =	ssyncset.done $0x0  }
0x134: {  	s0 =	sadd.s32 s0, s5;
	[sflag:s16] =	ssyncadd.s32 $0xFFFF8000  }
0x135: {  	[tilespmem:s14], [sflag:$0x1] =	stream.strided.gather [hbm4b:s0+s11], $0x8000, s13, s11, $0x38;
	[tilespmem:$0x1F700] =	vst v63  }
.LBB2_26:
0x136: {  	s0 =	sadd.s32 $0xF, s22  }
0x137: {  	s1 =	sand.u32 $0xF, s0  }
0x138: {  	s2 =	sshra.s32 s0, $0x1F;
	p1 =	slt.s32 s0, $0x1;
	p2 =	sne.s32 s1, $0x0  }
0x139: {  	s23 =	sshrl.u32 s2, $0x1C;
	p1 =	por !p1, !p2  }
0x13a: {  	s1 =	simm.s32 $0x1;
	s0 =	sadd.s32 s23, s0;
	p1 =	por !p1, !p1  }
0x13b: {  	s0 =	sshra.s32 s0, $0x4;
	s1 =	simm.s32 @!p1 $0x0  }
0x13c: {  	s31 =	ssub.s32 s0, s1  }
0x13d: {  	p1 =	slt.s32 s31, $0x1  }
.Ltmp22:
0x13e: {  	_ = 	snop;
	(pc) =	sbr.rel @!p1 .LBB2_27-.Ltmp22, $4  }
.Ltmp23:
0x13f: {  	_ = 	snop;
	(pc) =	sbr.rel @p1 .LBB2_32-.Ltmp23, $4  }
0x140: {  	_ = 	snop  }
0x141: {  	s30 =	simm.s32 $0x14700  }
0x142: {  	s29 =	smov.u32 s22;
	s2 =	simm.s32 $0x0;
	s0 =	simm.s32 $0xC200  }
0x143: {  	_ = 	snop  }
.LBB2_30:
0x144: {  	_ =	sdelay $0x3  }
0x145: {  	[tilespmem:v17+s17+$0x0] =	vst.idx.msk $0xffff, v16  }
.LBB2_31:
0x146: {  	s2 =	sadd.s32 $0x1, s2  }
0x147: {  	p1 =	sne.s32 s2, s31  }
.Ltmp24:
0x148: {  	_ = 	snop;
	(pc) =	sbr.rel @!p1 .LBB2_32-.Ltmp24, $2  }
0x149: {  	_ =	sdelay $0x2  }
0x14a: {  	s29 =	sadd.s32 $0xFFFFFFF0, s29;
	s0 =	sadd.s32 $0x10, s0  }
.LBB2_27:
0x14b: {  	s1 =	sshll.u32 s2, $0x4;
	p1 =	sne.s32 s2, $0x0  }
0x14c: {  	v16 =	vld @p1 [tilespmem:s1+$0xC480];
	_ =	sdelay $0x3  }
0x14d: {  	s3 =	ssub.s32 @p1 s22, s1  }
0x14e: {  	v18 =	vlaneseq.u32 @p1;
	v17 =	vmov @p1 s3;
	v19 =	vbroadcast @p1 v16, $0x0  }
0x14f: {  	vm0 =	vgt.s32 @p1 v17, v18  }
0x150: {  	v16 =	vsel @p1 vm0, v16, v19;
	_ =	sdelay $0x3  }
0x151: {  	s20 =	simm.s32 @p1 $0x0;
	s23 =	simm.s32 @p1 $0x1CF00;
	s1 =	ssub.s32 @!p1 s22, s1;
	vm0 =	vmmov @p1 $0xffff  }
0x152: {  	[tilespmem:s23], [sflag:$0x4] =	stream.indirect_vreg.gather @p1 [hbm4b:s4+s20], $0x80, v16, vm0, $0xb8;
	[tilespmem:$0x1F700] =	vst v63  }
0x153: {  	s1 =	smov.u32 @p1 s3;
	s20 =	simm.s32 @p1 $0x4  }
0x154: {  	p2 =	slt.s32 s1, $0x1;
	_ =	swait.ge @p1 [sflag:s20], $0x800  }
.Ltmp25:
0x155: {  	[sflag:s20] =	ssyncset.done @p1 $0x0;
	(pc) =	sbr.rel @p2 .LBB2_31-.Ltmp25, $4  }
0x156: {  	[sflag:s20] =	ssyncadd.s32 @p1 $0xFFFFF800;
	s20 =	simm.s32 @!p1 $0x4  }
0x157: {  	_ =	swait.ge @!p1 [sflag:s20], $0x800  }
0x158: {  	[sflag:s20] =	ssyncset.done @!p1 $0x0  }
0x159: {  	[sflag:s20] =	ssyncadd.s32 @!p1 $0xFFFFF800  }
0x15a: {  	v16 =	vld.msk [tilespmem:s0+$0x0 ss:$0x0], $0xffff;
	_ =	sdelay $0x1  }
0x15b: {  	s1 =	simm.s32 $0x0  }
0x15c: {  	v17 =	vor.u32 s1, v3;
	_ =	sdelay $0x1  }
0x15d: {  	v18 =	vshll.u32 v16, $0x3  }
0x15e: {  	v16 =	vand.u32 $0x7F, v16;
	v18 =	vand.u32 $0xFFFFFC00, v18  }
0x15f: {  	v18 =	vor.u32 v16, v18  }
0x160: {  	v16 =	vld.idx.msk [tilespmem:v17+s24+$0x0], $0xffff;
	v17 =	vadd.s32 v5, v18  }
0x161: {  	v19 =	vor.u32 s1, v6;
	_ =	sdelay $0x3  }
0x162: {  	[tilespmem:v17+s17+$0x0] =	vst.idx.msk $0xffff, v16  }
0x163: {  	v17 =	vadd.s32 v7, v18;
	v16 =	vld.idx.msk [tilespmem:v19+s24+$0x0], $0xffff  }
0x164: {  	v19 =	vor.u32 s1, v8;
	_ =	sdelay $0x3  }
0x165: {  	[tilespmem:v17+s17+$0x0] =	vst.idx.msk $0xffff, v16  }
0x166: {  	v17 =	vadd.s32 v10, v18;
	v16 =	vld.idx.msk [tilespmem:v19+s24+$0x0], $0xffff  }
0x167: {  	v19 =	vor.u32 s1, v11  }
0x168: {  	p1 =	sgt.s32 s29, $0x1;
	s1 =	smov.u32 s29  }
0x169: {  	s1 =	simm.s32 @!p1 $0x1  }
0x16a: {  	s23 =	smin.u32 s1, $0x10  }
0x16b: {  	p1 =	sne.s32 s23, $0x1;
	[tilespmem:v17+s17+$0x0] =	vst.idx.msk $0xffff, v16  }
.Ltmp26:
0x16c: {  	v17 =	vadd.s32 v12, v18;
	v16 =	vld.idx.msk [tilespmem:v19+s24+$0x0], $0xffff;
	(pc) =	sbr.rel @!p1 .LBB2_30-.Ltmp26, $2  }
0x16d: {  	_ =	sdelay $0x2  }
0x16e: {  	s3 =	smov.u32 s0;
	s1 =	simm.s32 $0x1  }
.LBB2_29:
0x16f: {  	[tilespmem:v17+s17+$0x0] =	vst.idx.msk $0xffff, v16;
	s3 =	sadd.s32 $0x1, s3;
	s20 =	smov.u32 s1;
	s1 =	sadd.s32 $0x1, s1  }
0x170: {  	v16 =	vld.msk [tilespmem:s3+$0x0 ss:$0x0], $0xffff;
	p1 =	sne.s32 s23, s1;
	_ =	sdelay $0x1  }
0x171: {  	s20 =	sshll.u32 s20, $0x7  }
0x172: {  	v17 =	vor.u32 s20, v3;
	_ =	sdelay $0x2  }
0x173: {  	v18 =	vshll.u32 v16, $0x3  }
0x174: {  	v16 =	vand.u32 $0x7F, v16;
	v18 =	vand.u32 $0xFFFFFC00, v18  }
0x175: {  	v18 =	vor.u32 v16, v18;
	v17 =	vld.idx.msk [tilespmem:v17+s24+$0x0], $0xffff  }
0x176: {  	v16 =	vadd.s32 v5, v18  }
0x177: {  	v19 =	vor.u32 s20, v6;
	_ =	sdelay $0x3  }
0x178: {  	[tilespmem:v16+s17+$0x0] =	vst.idx.msk $0xffff, v17  }
0x179: {  	v16 =	vld.idx.msk [tilespmem:v19+s24+$0x0], $0xffff  }
0x17a: {  	v17 =	vadd.s32 v7, v18  }
0x17b: {  	v19 =	vor.u32 s20, v8;
	_ =	sdelay $0x3  }
0x17c: {  	[tilespmem:v17+s17+$0x0] =	vst.idx.msk $0xffff, v16  }
0x17d: {  	v16 =	vld.idx.msk [tilespmem:v19+s24+$0x0], $0xffff  }
0x17e: {  	v17 =	vadd.s32 v10, v18  }
0x17f: {  	v19 =	vor.u32 s20, v11;
	_ =	sdelay $0x1  }
.Ltmp27:
0x180: {  	(pc) =	sbr.rel @p1 .LBB2_29-.Ltmp27, $4  }
0x181: {  	_ = 	snop  }
0x182: {  	[tilespmem:v17+s17+$0x0] =	vst.idx.msk $0xffff, v16  }
0x183: {  	v16 =	vld.idx.msk [tilespmem:v19+s24+$0x0], $0xffff  }
0x184: {  	v17 =	vadd.s32 v12, v18  }
.Ltmp28:
0x185: {  	_ = 	snop;
	(pc) =	sbr.rel .LBB2_30-.Ltmp28, $1  }
0x186: {  	_ =	sdelay $0x3  }
.LBB2_33:
.Ltmp29:
0x187: {  	(pc) =	sbr.rel @p0 .LBB2_52-.Ltmp29, $4  }
0x188: {  	_ = 	snop  }
0x189: {  	_ =	swait.ge [sflag:s19], $0x8000  }
0x18a: {  	[sflag:s19] =	ssyncset.done $0x0  }
0x18b: {  	[sflag:s19] =	ssyncadd.s32 $0xFFFF8000  }
0x18c: {  	[tilespmem:s14], [sflag:$0x5] =	stream.strided.gather [hbm4b:s6+s11], $0x8000, s13, s11, $0x38;
	[tilespmem:$0x1F700] =	vst v63  }
0x18d: {  	_ =	swait.ge [sflag:s15], $0x8000  }
0x18e: {  	s0 =	simm.s32 $0x0;
	[sflag:s15] =	ssyncset.done $0x0  }
0x18f: {  	s1 =	sand.u32 $0x1F0, s0;
	[sflag:s15] =	ssyncadd.s32 $0xFFFF8000  }
0x190: {  	v16 =	vld [tilespmem:s1+$0xBA00];
	_ =	sdelay $0x4  }
0x191: {  	vm0 =	vgt.s32 v16, $0xFFFFFFFF  }
0x192: {  	v17 =	vsel vm0, $0x1, v4  }
0x193: {  	(xrf0) =	vadd.scan.msk.s32 $0xffff, v17;
	_ =	sdelay $0x5  }
0x194: {  	v18, _, _ =	vpop (xrf0)  }
0x195: {  	v17 =	vor.u32 s0, v3;
	(v2sf) =	vpush v18, $0xF  }
0x196: {  	s1 =	simm.s32 $0x10;
	[tilespmem:s0+$0xBD00] =	vst.msk vm0, v17  }
0x197: {  	s2 =	simm.s32 $0x20;
	s3 =	sand.u32 $0x1F0, s1;
	[tilespmem:s0+$0xBF80] =	vst.msk vm0, v16  }
.LBB2_35:
0x198: {  	p1 =	sne.s32 s2, $0x1F0;
	v16 =	vld [tilespmem:s3+$0xBA00];
	_ =	sdelay $0x4  }
0x199: {  	vm0 =	vgt.s32 v16, $0xFFFFFFFF  }
0x19a: {  	v17 =	vsel vm0, $0x1, v4  }
0x19b: {  	(xrf0) =	vadd.scan.msk.s32 $0xffff, v17;
	_ =	sdelay $0x4  }
.Ltmp30:
0x19c: {  	s3 =	spop (v2sf);
	(pc) =	sbr.rel @p1 .LBB2_35-.Ltmp30, $4  }
0x19d: {  	v17 =	vor.u32 s1, v3;
	s1 =	smov.u32 s2;
	v18, _, _ =	vpop (xrf0);
	s0 =	sadd.s32 s0, s3  }
0x19e: {  	[tilespmem:s0+$0xBD00] =	vst.msk vm0, v17;
	(v2sf) =	vpush v18, $0xF  }
0x19f: {  	[tilespmem:s0+$0xBF80] =	vst.msk vm0, v16  }
0x1a0: {  	s2 =	sadd.s32 $0x10, s2;
	s3 =	sand.u32 $0x1F0, s1  }
0x1a1: {  	v16 =	vld [tilespmem:s3+$0xBA00];
	_ =	sdelay $0x4  }
0x1a2: {  	vm0 =	vgt.s32 v16, $0xFFFFFFFF  }
0x1a3: {  	v17 =	vsel vm0, $0x1, v4  }
0x1a4: {  	(xrf0) =	vadd.scan.msk.s32 $0xffff, v17;
	_ =	sdelay $0x5  }
0x1a5: {  	v17, _, _ =	vpop (xrf0)  }
0x1a6: {  	(v2sf) =	vpush v17, $0xF;
	_ =	sdelay $0xd  }
0x1a7: {  	s2 =	spop (v2sf)  }
0x1a8: {  	s0 =	sadd.s32 s0, s2;
	v17 =	vor.u32 s1, v3;
	s3 =	spop (v2sf)  }
0x1a9: {  	[tilespmem:s0+$0xBD00] =	vst.msk vm0, v17;
	s26 =	sadd.s32 s0, s3  }
0x1aa: {  	[tilespmem:s0+$0xBF80] =	vst.msk vm0, v16;
	p1 =	slt.s32 s26, $0x1  }
0x1ab: {  	v16 =	vld @!p1 [tilespmem:$0xBF80];
	_ =	sdelay $0x4  }
0x1ac: {  	v17 =	vmov @!p1 s26;
	v18 =	vlaneseq.u32 @!p1;
	v19 =	vbroadcast @!p1 v16, $0x0  }
0x1ad: {  	vm0 =	vgt.s32 @!p1 v17, v18  }
0x1ae: {  	v16 =	vsel @!p1 vm0, v16, v19;
	_ =	sdelay $0x1  }
0x1af: {  	s20 =	sadd.s32 $0xF, s26  }
0x1b0: {  	s0 =	simm.s32 @!p1 $0x0;
	s1 =	simm.s32 @!p1 $0x1C700;
	s22 =	sand.u32 $0xF, s20  }
0x1b1: {  	s23 =	sshra.s32 s20, $0x1F;
	p6 =	slt.s32 s20, $0x1;
	p2 =	sne.s32 s22, $0x0;
	vm0 =	vmmov @!p1 $0xffff  }
0x1b2: {  	[tilespmem:s1], [sflag:$0x3] =	stream.indirect_vreg.gather @!p1 [hbm4b:s4+s0], $0x80, v16, vm0, $0xb8;
	[tilespmem:$0x1F700] =	vst v63  }
0x1b3: {  	s31 =	sshrl.u32 s23, $0x1C;
	p1 =	por !p6, !p2  }
0x1b4: {  	s0 =	sadd.s32 s31, s20;
	s1 =	simm.s32 $0x1;
	p1 =	por !p1, !p1  }
0x1b5: {  	s0 =	sshra.s32 s0, $0x4;
	s1 =	simm.s32 @!p1 $0x0  }
0x1b6: {  	s28 =	ssub.s32 s0, s1  }
0x1b7: {  	p1 =	slt.s32 s28, $0x1  }
.Ltmp31:
0x1b8: {  	_ = 	snop;
	(pc) =	sbr.rel @!p1 .LBB2_37-.Ltmp31, $2  }
0x1b9: {  	_ =	sdelay $0x2  }
0x1ba: {  	s29 =	simm.s32 $0x0;
	s30 =	simm.s32 $0xBD00;
	s2 =	smov.u32 s26  }
.LBB2_42:
0x1bb: {  	[hbm4b:s7+s11] =	stream.strided.scatter [tilespmem:s14], [sflag:$0x5], $0x8000, s13, s11, $0x38;
	[tilespmem:$0x1F700] =	vst v63  }
0x1bc: {  	_ =	swait.ge [sflag:s15], $0x8000  }
0x1bd: {  	[sflag:s15] =	ssyncset.done $0x0  }
0x1be: {  	s0 =	simm.s32 $0x400;
	[sflag:s15] =	ssyncadd.s32 $0xFFFF8000  }
0x1bf: {  	[tilespmem:s21], [sflag:$0x5] =	stream.strided.gather [hbm4b:s8+s0], $0x2000, s13, s0, $0x38;
	[tilespmem:$0x1F700] =	vst v63  }
0x1c0: {  	_ =	swait.ge [sflag:s15], $0x2000  }
0x1c1: {  	[sflag:s15] =	ssyncset.done $0x0  }
0x1c2: {  	[sflag:s15] =	ssyncadd.s32 $0xFFFFE000  }
0x1c3: {  	v16 =	vld [tilespmem:$0xBC00];
	_ =	sdelay $0x4  }
0x1c4: {  	s22 =	simm.s32 $0xBD00;
	vm0 =	vgt.s32 v16, $0xFFFFFFFF  }
0x1c5: {  	s23 =	simm.s32 $0xBF80;
	[tilespmem:s22+$0x0] =	vst.msk vm0, v3  }
0x1c6: {  	[tilespmem:s23+$0x0] =	vst.msk vm0, v16;
	v16 =	vsel vm0, $0x1, v4  }
0x1c7: {  	(xrf0) =	vadd.scan.msk.s32 $0xffff, v16;
	v16 =	vld [tilespmem:$0xBC10];
	_ =	sdelay $0x4  }
0x1c8: {  	vm13 =	vgt.s32 v16, $0xFFFFFFFF  }
0x1c9: {  	v17, _, _ =	vpop (xrf0);
	v18 =	vsel vm13, $0x1, v4  }
0x1ca: {  	(v2sf) =	vpush v17, $0xF;
	(xrf0) =	vadd.scan.msk.s32 $0xffff, v18;
	_ =	sdelay $0x5  }
0x1cb: {  	v17, _, _ =	vpop (xrf0)  }
0x1cc: {  	(v2sf) =	vpush v17, $0xF;
	_ =	sdelay $0x7  }
0x1cd: {  	s26 =	spop (v2sf)  }
0x1ce: {  	[tilespmem:s26+$0xBD00] =	vst.msk vm13, v6  }
0x1cf: {  	[tilespmem:s26+$0xBF80] =	vst.msk vm13, v16  }
0x1d0: {  	v16 =	vld [tilespmem:$0xBC20];
	_ =	sdelay $0x3  }
0x1d1: {  	s1 =	spop (v2sf)  }
0x1d2: {  	s0 =	sadd.s32 s26, s1;
	vm14 =	vgt.s32 v16, $0xFFFFFFFF  }
0x1d3: {  	[tilespmem:s0+$0xBD00] =	vst.msk vm14, v8  }
0x1d4: {  	[tilespmem:s0+$0xBF80] =	vst.msk vm14, v16  }
0x1d5: {  	v16 =	vld [tilespmem:$0xBC30];
	_ =	sdelay $0x4  }
0x1d6: {  	v17 =	vsel vm14, $0x1, v4;
	vm15 =	vgt.s32 v16, $0xFFFFFFFF  }
0x1d7: {  	(xrf0) =	vadd.scan.msk.s32 $0xffff, v17;
	v17 =	vsel vm15, $0x1, v4  }
0x1d8: {  	(xrf0) =	vadd.scan.msk.s32 $0xffff, v17;
	_ =	sdelay $0x4  }
0x1d9: {  	v17, _, _ =	vpop (xrf0)  }
0x1da: {  	(v2sf) =	vpush v17, $0xF;
	v17, _, _ =	vpop (xrf0)  }
0x1db: {  	(v2sf) =	vpush v17, $0xF;
	_ =	sdelay $0xd  }
0x1dc: {  	s2 =	spop (v2sf)  }
0x1dd: {  	s0 =	sadd.s32 s0, s2;
	s3 =	spop (v2sf)  }
0x1de: {  	[tilespmem:s0+$0xBD00] =	vst.msk vm15, v11;
	s26 =	sadd.s32 s0, s3  }
0x1df: {  	[tilespmem:s0+$0xBF80] =	vst.msk vm15, v16;
	p1 =	slt.s32 s26, $0x1  }
0x1e0: {  	v16 =	vld @!p1 [tilespmem:$0xBF80];
	_ =	sdelay $0x4  }
0x1e1: {  	v17 =	vmov @!p1 s26;
	v18 =	vlaneseq.u32 @!p1;
	v19 =	vbroadcast @!p1 v16, $0x0  }
0x1e2: {  	vm0 =	vgt.s32 @!p1 v17, v18  }
0x1e3: {  	v16 =	vsel @!p1 vm0, v16, v19;
	_ =	sdelay $0x1  }
0x1e4: {  	s20 =	sadd.s32 $0xF, s26  }
0x1e5: {  	s0 =	simm.s32 @!p1 $0x0;
	s1 =	simm.s32 @!p1 $0x1C700;
	s22 =	sand.u32 $0xF, s20  }
0x1e6: {  	s2 =	sshra.s32 s20, $0x1F;
	p6 =	slt.s32 s20, $0x1;
	p2 =	sne.s32 s22, $0x0;
	vm0 =	vmmov @!p1 $0xffff  }
0x1e7: {  	[tilespmem:s1], [sflag:$0x3] =	stream.indirect_vreg.gather @!p1 [hbm4b:s4+s0], $0x80, v16, vm0, $0xb8;
	[tilespmem:$0x1F700] =	vst v63  }
0x1e8: {  	s23 =	sshrl.u32 s2, $0x1C;
	p1 =	por !p6, !p2  }
0x1e9: {  	s0 =	sadd.s32 s23, s20;
	s1 =	simm.s32 $0x1;
	p1 =	por !p1, !p1  }
0x1ea: {  	s0 =	sshra.s32 s0, $0x4;
	s1 =	simm.s32 @!p1 $0x0  }
0x1eb: {  	s28 =	ssub.s32 s0, s1  }
0x1ec: {  	p1 =	slt.s32 s28, $0x1  }
.Ltmp32:
0x1ed: {  	_ = 	snop;
	(pc) =	sbr.rel @!p1 .LBB2_43-.Ltmp32, $4  }
.Ltmp33:
0x1ee: {  	_ = 	snop;
	(pc) =	sbr.rel @p1 .LBB2_51-.Ltmp33, $4  }
0x1ef: {  	_ = 	snop  }
0x1f0: {  	_ = 	snop  }
0x1f1: {  	s29 =	simm.s32 $0x0;
	s30 =	simm.s32 $0xBD00;
	s31 =	smov.u32 s26  }
0x1f2: {  	_ = 	snop  }
.LBB2_40:
0x1f3: {  	_ =	sdelay $0x3  }
0x1f4: {  	[tilespmem:v17+s14+$0x0] =	vst.idx.msk $0xffff, v16  }
.LBB2_41:
0x1f5: {  	s29 =	sadd.s32 $0x1, s29  }
0x1f6: {  	p1 =	sne.s32 s29, s28  }
.Ltmp34:
0x1f7: {  	_ = 	snop;
	(pc) =	sbr.rel @!p1 .LBB2_42-.Ltmp34, $2  }
0x1f8: {  	_ =	sdelay $0x2  }
0x1f9: {  	s2 =	sadd.s32 $0xFFFFFFF0, s2;
	s30 =	sadd.s32 $0x10, s30  }
.LBB2_37:
0x1fa: {  	s0 =	sshll.u32 s29, $0x4;
	p1 =	sne.s32 s29, $0x0  }
0x1fb: {  	v16 =	vld @p1 [tilespmem:s0+$0xBF80];
	_ =	sdelay $0x3  }
0x1fc: {  	s1 =	ssub.s32 @p1 s26, s0  }
0x1fd: {  	v18 =	vlaneseq.u32 @p1;
	v17 =	vmov @p1 s1;
	v19 =	vbroadcast @p1 v16, $0x0  }
0x1fe: {  	vm0 =	vgt.s32 @p1 v17, v18  }
0x1ff: {  	v16 =	vsel @p1 vm0, v16, v19;
	_ =	sdelay $0x3  }
0x200: {  	s3 =	simm.s32 @p1 $0x0;
	s20 =	simm.s32 @p1 $0x1C700;
	s0 =	ssub.s32 @!p1 s26, s0;
	vm0 =	vmmov @p1 $0xffff  }
0x201: {  	[tilespmem:s20], [sflag:$0x3] =	stream.indirect_vreg.gather @p1 [hbm4b:s4+s3], $0x80, v16, vm0, $0xb8;
	[tilespmem:$0x1F700] =	vst v63  }
0x202: {  	s0 =	smov.u32 @p1 s1;
	s3 =	simm.s32 @p1 $0x3  }
0x203: {  	p2 =	slt.s32 s0, $0x1;
	_ =	swait.ge @p1 [sflag:s3], $0x800  }
.Ltmp35:
0x204: {  	[sflag:s3] =	ssyncset.done @p1 $0x0;
	(pc) =	sbr.rel @p2 .LBB2_41-.Ltmp35, $4  }
0x205: {  	[sflag:s3] =	ssyncadd.s32 @p1 $0xFFFFF800;
	s3 =	simm.s32 @!p1 $0x3  }
0x206: {  	_ =	swait.ge @!p1 [sflag:s3], $0x800  }
0x207: {  	[sflag:s3] =	ssyncset.done @!p1 $0x0  }
0x208: {  	[sflag:s3] =	ssyncadd.s32 @!p1 $0xFFFFF800  }
0x209: {  	v16 =	vld.msk [tilespmem:s30+$0x0 ss:$0x0], $0xffff;
	_ =	sdelay $0x1  }
0x20a: {  	s0 =	simm.s32 $0x0  }
0x20b: {  	v17 =	vor.u32 s0, v3;
	_ =	sdelay $0x1  }
0x20c: {  	v18 =	vshll.u32 v16, $0x3  }
0x20d: {  	v16 =	vand.u32 $0x7F, v16;
	v18 =	vand.u32 $0xFFFFFC00, v18  }
0x20e: {  	v18 =	vor.u32 v16, v18  }
0x20f: {  	v16 =	vld.idx.msk [tilespmem:v17+s18+$0x0], $0xffff;
	v17 =	vadd.s32 v5, v18  }
0x210: {  	v19 =	vor.u32 s0, v6;
	_ =	sdelay $0x3  }
0x211: {  	[tilespmem:v17+s14+$0x0] =	vst.idx.msk $0xffff, v16  }
0x212: {  	v17 =	vadd.s32 v7, v18;
	v16 =	vld.idx.msk [tilespmem:v19+s18+$0x0], $0xffff  }
0x213: {  	v19 =	vor.u32 s0, v8;
	_ =	sdelay $0x3  }
0x214: {  	[tilespmem:v17+s14+$0x0] =	vst.idx.msk $0xffff, v16  }
0x215: {  	v17 =	vadd.s32 v10, v18;
	v16 =	vld.idx.msk [tilespmem:v19+s18+$0x0], $0xffff  }
0x216: {  	v19 =	vor.u32 s0, v11  }
0x217: {  	p1 =	sgt.s32 s2, $0x1;
	s0 =	smov.u32 s2  }
0x218: {  	s0 =	simm.s32 @!p1 $0x1  }
0x219: {  	s0 =	smin.u32 s0, $0x10  }
0x21a: {  	p1 =	sne.s32 s0, $0x1;
	[tilespmem:v17+s14+$0x0] =	vst.idx.msk $0xffff, v16  }
.Ltmp36:
0x21b: {  	v17 =	vadd.s32 v12, v18;
	v16 =	vld.idx.msk [tilespmem:v19+s18+$0x0], $0xffff;
	(pc) =	sbr.rel @!p1 .LBB2_40-.Ltmp36, $2  }
0x21c: {  	_ =	sdelay $0x2  }
0x21d: {  	s1 =	simm.s32 $0x1;
	s3 =	smov.u32 s30  }
.LBB2_39:
0x21e: {  	[tilespmem:v17+s14+$0x0] =	vst.idx.msk $0xffff, v16;
	s3 =	sadd.s32 $0x1, s3;
	s20 =	smov.u32 s1;
	s1 =	sadd.s32 $0x1, s1  }
0x21f: {  	v16 =	vld.msk [tilespmem:s3+$0x0 ss:$0x0], $0xffff;
	p1 =	sne.s32 s0, s1;
	_ =	sdelay $0x1  }
0x220: {  	s20 =	sshll.u32 s20, $0x7  }
0x221: {  	v17 =	vor.u32 s20, v3;
	_ =	sdelay $0x2  }
0x222: {  	v18 =	vshll.u32 v16, $0x3  }
0x223: {  	v16 =	vand.u32 $0x7F, v16;
	v18 =	vand.u32 $0xFFFFFC00, v18  }
0x224: {  	v18 =	vor.u32 v16, v18;
	v17 =	vld.idx.msk [tilespmem:v17+s18+$0x0], $0xffff  }
0x225: {  	v16 =	vadd.s32 v5, v18  }
0x226: {  	v19 =	vor.u32 s20, v6;
	_ =	sdelay $0x3  }
0x227: {  	[tilespmem:v16+s14+$0x0] =	vst.idx.msk $0xffff, v17  }
0x228: {  	v16 =	vld.idx.msk [tilespmem:v19+s18+$0x0], $0xffff  }
0x229: {  	v17 =	vadd.s32 v7, v18  }
0x22a: {  	v19 =	vor.u32 s20, v8;
	_ =	sdelay $0x3  }
0x22b: {  	[tilespmem:v17+s14+$0x0] =	vst.idx.msk $0xffff, v16  }
0x22c: {  	v16 =	vld.idx.msk [tilespmem:v19+s18+$0x0], $0xffff  }
0x22d: {  	v17 =	vadd.s32 v10, v18  }
0x22e: {  	v19 =	vor.u32 s20, v11;
	_ =	sdelay $0x1  }
.Ltmp37:
0x22f: {  	(pc) =	sbr.rel @p1 .LBB2_39-.Ltmp37, $4  }
0x230: {  	_ = 	snop  }
0x231: {  	[tilespmem:v17+s14+$0x0] =	vst.idx.msk $0xffff, v16  }
0x232: {  	v16 =	vld.idx.msk [tilespmem:v19+s18+$0x0], $0xffff  }
0x233: {  	v17 =	vadd.s32 v12, v18  }
.Ltmp38:
0x234: {  	_ = 	snop;
	(pc) =	sbr.rel .LBB2_40-.Ltmp38, $1  }
0x235: {  	_ =	sdelay $0x3  }
.LBB2_46:
0x236: {  	s3 =	simm.s32 $0x1;
	s1 =	smov.u32 s30  }
.LBB2_49:
0x237: {  	_ =	sdelay $0x2  }
0x238: {  	s0 =	sadd.s32 @p1 $0x1, s1;
	s1 =	smov.u32 s30  }
0x239: {  	s2 =	sshll.u32 s3, $0x7;
	s1 =	smov.u32 @p1 s0;
	[tilespmem:v17+s21+$0x0] =	vst.idx.msk @p1 $0xffff, v16  }
0x23a: {  	v17 =	vor.u32 s2, v3;
	v16 =	vld.msk [tilespmem:s1+$0x0 ss:$0x0], $0xffff;
	_ =	sdelay $0x4  }
0x23b: {  	v17 =	vld.idx.msk [tilespmem:v17+s18+$0x0], $0xffff;
	v18 =	vadd.s32 v9, v16  }
0x23c: {  	v19 =	vor.u32 s2, v6;
	_ =	sdelay $0x3  }
0x23d: {  	[tilespmem:v18+s21+$0x0] =	vst.idx.msk $0xffff, v17  }
0x23e: {  	v60 =	vadd.s32 v13, v16;
	v17 =	vld.idx.msk [tilespmem:v19+s18+$0x0], $0xffff  }
0x23f: {  	v61 =	vor.u32 s2, v8;
	_ =	sdelay $0x3  }
0x240: {  	[tilespmem:v60+s21+$0x0] =	vst.idx.msk $0xffff, v17  }
0x241: {  	v62 =	vadd.s32 v14, v16;
	v17 =	vld.idx.msk [tilespmem:v61+s18+$0x0], $0xffff  }
0x242: {  	v63 =	vor.u32 s2, v11;
	_ =	sdelay $0x3  }
0x243: {  	[tilespmem:v62+s21+$0x0] =	vst.idx.msk $0xffff, v17  }
0x244: {  	v16 =	vadd.s32 v15, v16;
	v17 =	vld.idx.msk [tilespmem:v63+s18+$0x0], $0xffff;
	_ =	sdelay $0x4  }
0x245: {  	[tilespmem:v16+s21+$0x0] =	vst.idx.msk $0xffff, v17  }
.LBB2_50:
0x246: {  	s29 =	sadd.s32 $0x1, s29  }
0x247: {  	p1 =	sne.s32 s29, s28  }
.Ltmp39:
0x248: {  	_ = 	snop;
	(pc) =	sbr.rel @!p1 .LBB2_51-.Ltmp39, $2  }
0x249: {  	_ =	sdelay $0x2  }
0x24a: {  	s31 =	sadd.s32 $0xFFFFFFF0, s31;
	s30 =	sadd.s32 $0x10, s30  }
.LBB2_43:
0x24b: {  	s0 =	sshll.u32 s29, $0x4;
	p1 =	sne.s32 s29, $0x0  }
0x24c: {  	v16 =	vld @p1 [tilespmem:s0+$0xBF80];
	_ =	sdelay $0x3  }
0x24d: {  	s1 =	ssub.s32 @p1 s26, s0  }
0x24e: {  	v18 =	vlaneseq.u32 @p1;
	v17 =	vmov @p1 s1;
	v19 =	vbroadcast @p1 v16, $0x0  }
0x24f: {  	vm0 =	vgt.s32 @p1 v17, v18  }
0x250: {  	v16 =	vsel @p1 vm0, v16, v19;
	_ =	sdelay $0x3  }
0x251: {  	s2 =	simm.s32 @p1 $0x0;
	s3 =	simm.s32 @p1 $0x1C700;
	s0 =	ssub.s32 @!p1 s26, s0;
	vm0 =	vmmov @p1 $0xffff  }
0x252: {  	[tilespmem:s3], [sflag:$0x3] =	stream.indirect_vreg.gather @p1 [hbm4b:s4+s2], $0x80, v16, vm0, $0xb8;
	[tilespmem:$0x1F700] =	vst v63  }
0x253: {  	s0 =	smov.u32 @p1 s1;
	s2 =	simm.s32 @p1 $0x3  }
0x254: {  	p2 =	slt.s32 s0, $0x1;
	_ =	swait.ge @p1 [sflag:s2], $0x800  }
.Ltmp40:
0x255: {  	[sflag:s2] =	ssyncset.done @p1 $0x0;
	(pc) =	sbr.rel @p2 .LBB2_50-.Ltmp40, $4  }
0x256: {  	[sflag:s2] =	ssyncadd.s32 @p1 $0xFFFFF800;
	s2 =	simm.s32 @!p1 $0x3  }
0x257: {  	_ =	swait.ge @!p1 [sflag:s2], $0x800  }
0x258: {  	[sflag:s2] =	ssyncset.done @!p1 $0x0  }
0x259: {  	[sflag:s2] =	ssyncadd.s32 @!p1 $0xFFFFF800  }
0x25a: {  	p1 =	sgt.s32 s31, $0x1;
	s0 =	smov.u32 s31  }
0x25b: {  	s0 =	simm.s32 @!p1 $0x1  }
0x25c: {  	s0 =	smin.u32 s0, $0x10  }
0x25d: {  	p2 =	sne.s32 s0, $0x1  }
.Ltmp41:
0x25e: {  	_ = 	snop;
	(pc) =	sbr.rel @!p2 .LBB2_49-.Ltmp41, $3  }
0x25f: {  	_ =	sdelay $0x1  }
0x260: {  	s2 =	simm.s32 $0x1  }
0x261: {  	s3 =	simm.s32 $0x0;
	s1 =	smov.u32 s30;
	p1 =	por $0x0, $0x0  }
0x262: {  	s1 =	simm.s32 $0x0  }
0x263: {  	v17 =	vld.msk [tilespmem:s30+$0x0 ss:$0x0], $0xffff;
	v16 =	vor.u32 s1, v3;
	_ =	sdelay $0x4  }
0x264: {  	v18 =	vadd.s32 v9, v17;
	v16 =	vld.idx.msk [tilespmem:v16+s18+$0x0], $0xffff  }
0x265: {  	v19 =	vor.u32 s1, v6;
	_ =	sdelay $0x3  }
0x266: {  	[tilespmem:v18+s21+$0x0] =	vst.idx.msk $0xffff, v16  }
0x267: {  	v18 =	vadd.s32 v13, v17;
	v16 =	vld.idx.msk [tilespmem:v19+s18+$0x0], $0xffff  }
0x268: {  	v19 =	vor.u32 s1, v8;
	_ =	sdelay $0x3  }
0x269: {  	[tilespmem:v18+s21+$0x0] =	vst.idx.msk $0xffff, v16  }
0x26a: {  	v18 =	vadd.s32 v14, v17;
	v16 =	vld.idx.msk [tilespmem:v19+s18+$0x0], $0xffff  }
0x26b: {  	p2 =	sne.s32 s0, $0x2;
	v19 =	vor.u32 s1, v11  }
.Ltmp42:
0x26c: {  	_ = 	snop;
	(pc) =	sbr.rel @!p2 .LBB2_46-.Ltmp42, $3  }
0x26d: {  	_ =	sdelay $0x1  }
0x26e: {  	[tilespmem:v18+s21+$0x0] =	vst.idx.msk $0xffff, v16  }
0x26f: {  	s3 =	simm.s32 $0x2;
	p1 =	por $0x1, $0x1;
	v17 =	vadd.s32 v15, v17;
	s1 =	smov.u32 s30;
	v16 =	vld.idx.msk [tilespmem:v19+s18+$0x0], $0xffff  }
.LBB2_47:
0x270: {  	_ =	sdelay $0x2  }
0x271: {  	s20 =	sshll.u32 s2, $0x7  }
0x272: {  	s1 =	sadd.s32 $0x1, s1;
	s2 =	smov.u32 s3;
	s3 =	sadd.s32 $0x1, s3;
	[tilespmem:v17+s21+$0x0] =	vst.idx.msk $0xffff, v16  }
0x273: {  	p2 =	sne.s32 s0, s3;
	v16 =	vor.u32 s20, v3;
	v17 =	vld.msk [tilespmem:s1+$0x0 ss:$0x0], $0xffff;
	_ =	sdelay $0x4  }
0x274: {  	v16 =	vld.idx.msk [tilespmem:v16+s18+$0x0], $0xffff  }
0x275: {  	v18 =	vadd.s32 v9, v17  }
0x276: {  	v19 =	vor.u32 s20, v6;
	_ =	sdelay $0x3  }
0x277: {  	[tilespmem:v18+s21+$0x0] =	vst.idx.msk $0xffff, v16  }
0x278: {  	v16 =	vld.idx.msk [tilespmem:v19+s18+$0x0], $0xffff  }
0x279: {  	v18 =	vadd.s32 v13, v17  }
0x27a: {  	v19 =	vor.u32 s20, v8;
	_ =	sdelay $0x3  }
0x27b: {  	[tilespmem:v18+s21+$0x0] =	vst.idx.msk $0xffff, v16  }
0x27c: {  	v16 =	vld.idx.msk [tilespmem:v19+s18+$0x0], $0xffff  }
0x27d: {  	v18 =	vadd.s32 v14, v17  }
0x27e: {  	v19 =	vor.u32 s20, v11;
	_ =	sdelay $0x1  }
.Ltmp43:
0x27f: {  	(pc) =	sbr.rel @p2 .LBB2_47-.Ltmp43, $4  }
0x280: {  	_ = 	snop  }
0x281: {  	[tilespmem:v18+s21+$0x0] =	vst.idx.msk $0xffff, v16  }
0x282: {  	v16 =	vld.idx.msk [tilespmem:v19+s18+$0x0], $0xffff  }
0x283: {  	v17 =	vadd.s32 v15, v17  }
.Ltmp44:
0x284: {  	(pc) =	sbr.rel .LBB2_49-.Ltmp44, $2  }
0x285: {  	_ =	sdelay $0x2  }
0x286: {  	s3 =	smov.u32 s2  }
.LBB2_53:
0x287: {  	_ =	sfence.sel $0x180000  }
0x288: {  	[bflag:$0x0] =	sbarrier.arrive $0xFFFF  }
0x289: {  	_ =	strace $0x90000047  }
0x28a: {  	s0 =	stileid.u32;
	[bflag:$0x2] =	sbarrier.arrive $0xFFFF  }
0x28b: {  	p0 =	sne.s32 s0, $0x0;
	s0 =	rddreg [dreg:$0x4]  }
0x28c: {  	s0 =	sadd.s32 @!p0 $0x100000, s0  }
0x28d: {  	[sflag:s0] =	ssyncadd.tile.s32 @!p0 $0x1;
	_ =	shalt  }
.Lfunc_end2:
_tile_overlayer_lowered:
.L_overlay_start_2:
0x28e: {  	(tag) =	ssettag $0x2  }
0x28f: {  	s0 =	rddreg [dreg:$0x0];
	s2 =	stileid.u32  }
0x290: {  	s1 =	rddreg [dreg:$0x1];
	p0 =	sne.s32 s2, $0x0  }
0x291: {  	s3 =	rddreg [dreg:$0x2];
	[bflag:$0x3] =	sbarrier.arrive $0xFFFF;
	s2 =	simm.s32 @!p0 $0x1C05  }
0x292: {  	[timem:s3], [sflag:s2] =	dma.local @!p0 [hbm:s0], s1  }
0x293: {  	s0 =	simm.s32 @!p0 $0x5  }
0x294: {  	_ =	swait.ge @!p0 [sflag:s0], s1  }
0x295: {  	s1 =	ssub.s32 @!p0 $0x0, s1;
	[sflag:s0] =	ssyncset.done @!p0 $0x0  }
0x296: {  	[sflag:s0] =	ssyncadd.s32 @!p0 s1  }
0x297: {  	[bflag:$0x3] =	sbarrier.arrive $0xFFFF  }
0x298: {  	_ =	shalt  }

</sc_bundles>
